<compile_context>
chip_gen: v7x
topology: tpu7x:2x2x1
jax: 0.10.2.dev20260603
libtpu: 0.0.44.dev20260713+nightly
codegen_flags: <defaults>
</compile_context>

<pallas_src>
import functools

import jax
import jax.numpy as jnp
from jax import lax
from jax.experimental import pallas as pl
from jax.experimental.pallas import tpu as pltpu
from jax.experimental.pallas import tpu_sc as plsc

_N = 10000
_E = 320000
_EP = _E + _N
_E_PAD = 344064
_ROWS = _E_PAD // 128
_ROWS_T = _ROWS // 16
_NP = 10112
_STRIPE = _NP // 16
_BLK = 1000
_GRID = _N // _BLK


def _leaky(v):
    return jnp.where(v > 0, v, 0.2 * v)


def _selu(v):
    alpha = 1.6732632423543772848170429916717
    scale = 1.0507009873554804934193349852946
    return scale * jnp.where(v > 0, v, alpha * (jnp.exp(v) - 1.0))


def _att_epilogue(i, h, as_ref, ad_ref, hf_ref, aso_ref, ado_ref, c_ref,
                  asm_ref, adm_ref):
    hf_ref[...] = h
    a_s = jnp.sum(h * as_ref[...], axis=1, keepdims=True)
    a_d = jnp.sum(h * ad_ref[...], axis=1, keepdims=True)
    aso_ref[...] = a_s
    ado_ref[...] = a_d
    bm_s = jnp.max(a_s)
    bm_d = jnp.max(a_d)
    cur_s = jnp.where(i == 0, bm_s, jnp.maximum(asm_ref[0, 0], bm_s))
    cur_d = jnp.where(i == 0, bm_d, jnp.maximum(adm_ref[0, 0], bm_d))
    asm_ref[0, 0] = cur_s
    adm_ref[0, 0] = cur_d

    @pl.when(i == _GRID - 1)
    def _():
        c_ref[...] = jnp.reshape(
            _leaky(jnp.maximum(cur_s + cur_d, 0.0)), (1, 1))


_ATT_OUT_SHAPE = [
    jax.ShapeDtypeStruct((_N, 256), jnp.float32),
    jax.ShapeDtypeStruct((_NP, 1), jnp.float32),
    jax.ShapeDtypeStruct((_NP, 1), jnp.float32),
    jax.ShapeDtypeStruct((1, 1), jnp.float32),
]
_ATT_OUT_SPECS = [
    pl.BlockSpec((_BLK, 256), lambda i: (i, 0)),
    pl.BlockSpec((_BLK, 1), lambda i: (i, 0)),
    pl.BlockSpec((_BLK, 1), lambda i: (i, 0)),
    pl.BlockSpec((1, 1), lambda i: (0, 0)),
]
_ATT_SCRATCH = [
    pltpu.SMEM((1, 1), jnp.float32),
    pltpu.SMEM((1, 1), jnp.float32),
]


def _k1_body(x_ref, w_ref, as_ref, ad_ref, h4_ref, aso_ref, ado_ref, c_ref,
             asm_ref, adm_ref):
    i = pl.program_id(0)
    h = jnp.dot(x_ref[...], w_ref[...], preferred_element_type=jnp.float32)
    _att_epilogue(i, h, as_ref, ad_ref, h4_ref, aso_ref, ado_ref, c_ref,
                  asm_ref, adm_ref)


def _k1(x, w, a_s, a_d):
    return pl.pallas_call(
        _k1_body,
        grid=(_GRID,),
        in_specs=[
            pl.BlockSpec((_BLK, 128), lambda i: (i, 0)),
            pl.BlockSpec((128, 256), lambda i: (0, 0)),
            pl.BlockSpec((1, 256), lambda i: (0, 0)),
            pl.BlockSpec((1, 256), lambda i: (0, 0)),
        ],
        out_specs=_ATT_OUT_SPECS,
        out_shape=_ATT_OUT_SHAPE,
        scratch_shapes=_ATT_SCRATCH,
    )(x, w, a_s, a_d)


def _k2_body(num_ref, den_ref, b_ref, w_ref, as_ref, ad_ref,
             h4_ref, aso_ref, ado_ref, c_ref, asm_ref, adm_ref):
    i = pl.program_id(0)
    h1 = _selu(num_ref[...] / (den_ref[...] + 1e-16) + b_ref[...])
    h = jnp.dot(h1, w_ref[...], preferred_element_type=jnp.float32)
    _att_epilogue(i, h, as_ref, ad_ref, h4_ref, aso_ref, ado_ref, c_ref,
                  asm_ref, adm_ref)


def _k2(num, den, b, w, a_s, a_d):
    return pl.pallas_call(
        _k2_body,
        grid=(_GRID,),
        in_specs=[
            pl.BlockSpec((_BLK, 256), lambda i: (i, 0)),
            pl.BlockSpec((_BLK, 1), lambda i: (i, 0)),
            pl.BlockSpec((1, 256), lambda i: (0, 0)),
            pl.BlockSpec((256, 256), lambda i: (0, 0)),
            pl.BlockSpec((1, 256), lambda i: (0, 0)),
            pl.BlockSpec((1, 256), lambda i: (0, 0)),
        ],
        out_specs=_ATT_OUT_SPECS,
        out_shape=_ATT_OUT_SHAPE,
        scratch_shapes=_ATT_SCRATCH,
    )(num, den, b, w, a_s, a_d)


def _k3_body(num_ref, den_ref, b_ref, batch_ref, f1w_ref, f1b_ref,
             f2w_ref, f2b_ref, out_ref, sums_ref, cnt_ref):
    i = pl.program_id(0)
    h2 = _selu(num_ref[...] / (den_ref[...] + 1e-16) + b_ref[...])
    gids = lax.broadcasted_iota(jnp.int32, (1, 64), 1)
    p = (batch_ref[...] == gids).astype(jnp.float32)
    bsums = lax.dot_general(p, h2, (((0,), (0,)), ((), ())),
                            preferred_element_type=jnp.float32)
    bcnt = jnp.sum(p, axis=0, keepdims=True)
    cur_sums = jnp.where(i == 0, bsums, sums_ref[...] + bsums)
    cur_cnt = jnp.where(i == 0, bcnt, cnt_ref[...] + bcnt)
    sums_ref[...] = cur_sums
    cnt_ref[...] = cur_cnt

    @pl.when(i == _GRID - 1)
    def _():
        pooled = _selu(cur_sums / jnp.maximum(cur_cnt, 1.0).T)
        z = _selu(jnp.dot(pooled, f1w_ref[...],
                          preferred_element_type=jnp.float32) + f1b_ref[...])
        logits = jnp.dot(z, f2w_ref[...],
                         preferred_element_type=jnp.float32) + f2b_ref[...]
        m = jnp.max(logits, axis=1, keepdims=True)
        lse = m + jnp.log(jnp.sum(jnp.exp(logits - m), axis=1, keepdims=True))
        out_ref[...] = logits - lse


def _k3(num, den, b, batch2d, f1w, f1b, f2w, f2b):
    return pl.pallas_call(
        _k3_body,
        grid=(_GRID,),
        in_specs=[
            pl.BlockSpec((_BLK, 256), lambda i: (i, 0)),
            pl.BlockSpec((_BLK, 1), lambda i: (i, 0)),
            pl.BlockSpec((1, 256), lambda i: (0, 0)),
            pl.BlockSpec((_BLK, 1), lambda i: (i, 0)),
            pl.BlockSpec((256, 128), lambda i: (0, 0)),
            pl.BlockSpec((1, 128), lambda i: (0, 0)),
            pl.BlockSpec((128, 2), lambda i: (0, 0)),
            pl.BlockSpec((1, 2), lambda i: (0, 0)),
        ],
        out_specs=pl.BlockSpec((64, 2), lambda i: (0, 0)),
        out_shape=jax.ShapeDtypeStruct((64, 2), jnp.float32),
        scratch_shapes=[
            pltpu.VMEM((64, 256), jnp.float32),
            pltpu.VMEM((1, 64), jnp.float32),
        ],
    )(num, den, b, batch2d, f1w, f1b, f2w, f2b)


def _sc_eden_body(src_hbm, dst_hbm, as_hbm, ad_hbm, cv_hbm, z1_hbm,
                  e_out, den_out,
                  as_v, ad_v, c_v, src_v, dst_v, e_v, e_buf, den_sh):
    c = lax.axis_index("c")
    s = lax.axis_index("s")

    @pl.when(c == 0)
    def _():
        pltpu.sync_copy(as_hbm, as_v)
        pltpu.sync_copy(ad_hbm, ad_v)
        pltpu.sync_copy(cv_hbm, c_v)
        base_r = s * _ROWS_T

        @pl.when(s == 0)
        def _():
            pltpu.sync_copy(z1_hbm, den_sh)

        plsc.subcore_barrier()
        cvec = c_v[...]

        def group(go, carry):
            pltpu.sync_copy(src_hbm.at[pl.ds(base_r + go * 8, 8)], src_v)
            pltpu.sync_copy(dst_hbm.at[pl.ds(base_r + go * 8, 8)], dst_v)

            def chunk(k, carry2):
                for j2 in range(8):
                    src16 = src_v[k, pl.ds(j2 * 16, 16)]
                    dst16 = dst_v[k, pl.ds(j2 * 16, 16)]
                    a = (plsc.load_gather(as_v, [src16])
                         + plsc.load_gather(ad_v, [dst16]))
                    a = jnp.where(a > 0, a, 0.2 * a)
                    e16 = jnp.exp(a - cvec)
                    e_v[pl.ds(j2 * 16, 16)] = e16
                    e_buf[go * 8 + k, pl.ds(j2 * 16, 16)] = e16
                pltpu.sync_copy(e_v, den_sh.at[dst_v.at[k]], add=True)
                return carry2

            lax.fori_loop(0, 8, chunk, 0)
            return carry

        lax.fori_loop(0, _ROWS_T // 8, group, 0)
        plsc.subcore_barrier()
        pltpu.sync_copy(e_buf, e_out.at[pl.ds(base_r, _ROWS_T)])

        @pl.when(s == 0)
        def _():
            pltpu.sync_copy(den_sh, den_out)


@functools.cache
def _get_sc_eden():
    return functools.partial(
        pl.kernel,
        mesh=plsc.VectorSubcoreMesh(core_axis_name="c",
                                    subcore_axis_name="s",
                                    num_cores=2, num_subcores=16),
        compiler_params=pltpu.CompilerParams(needs_layout_passes=False),
        out_type=[
            jax.ShapeDtypeStruct((_ROWS, 128), jnp.float32),
            jax.ShapeDtypeStruct((_NP,), jnp.float32),
        ],
        scratch_types=[
            pltpu.VMEM((_NP,), jnp.float32),
            pltpu.VMEM((_NP,), jnp.float32),
            pltpu.VMEM((16,), jnp.float32),
            pltpu.VMEM((8, 128), jnp.int32),
            pltpu.VMEM((8, 128), jnp.int32),
            pltpu.VMEM((128,), jnp.float32),
            pltpu.VMEM((_ROWS_T, 128), jnp.float32),
            pltpu.VMEM_SHARED((_NP,), jnp.float32),
        ],
    )(_sc_eden_body)


def kernel(x, edge_index, batch, W1, a_s1, a_d1, b1, W2, a_s2, a_d2, b2,
           fc1_W, fc1_b, fc2_W, fc2_b):
    loop = jnp.arange(_N, dtype=edge_index.dtype)
    padv = jnp.full((_E_PAD - _EP,), _N, dtype=edge_index.dtype)
    src_f = jnp.concatenate([edge_index[0], loop, padv])
    dst_f = jnp.concatenate([edge_index[1], loop, padv])
    src2d = src_f.reshape(_ROWS, 128)
    dst2d = dst_f.reshape(_ROWS, 128)
    src_r = src_f[:_EP]
    dst_r = dst_f[:_EP]
    z1 = jnp.zeros((_NP,), jnp.float32)

    def edge_phase(h, a_s, a_d, c):
        asf = a_s[:, 0]
        adf = a_d[:, 0]
        cv = jnp.broadcast_to(c[0, 0], (16,))
        e2d, den = _get_sc_eden()(src2d, dst2d, asf, adf, cv, z1)
        e = e2d.reshape(_E_PAD)[:_EP]
        num = jax.ops.segment_sum(h[src_r] * e[:, None], dst_r,
                                  num_segments=_N)
        return num, den[:_N].reshape(_N, 1)

    h, a_s, a_d, c1 = _k1(x, W1, a_s1.reshape(1, 256), a_d1.reshape(1, 256))
    num, den = edge_phase(h, a_s, a_d, c1)

    h, a_s, a_d, c2 = _k2(num, den, b1.reshape(1, 256), W2,
                          a_s2.reshape(1, 256), a_d2.reshape(1, 256))
    num, den = edge_phase(h, a_s, a_d, c2)

    return _k3(num, den, b2.reshape(1, 256),
               batch.reshape(_N, 1).astype(jnp.int32),
               fc1_W, fc1_b.reshape(1, 128), fc2_W, fc2_b.reshape(1, 2))

# --- scband reference (transcript-rebuilt; emitter-appended) ---
"""Pipeline reference for scband-gcnfn-77850577207793 (READ-ONLY COPY).

The authoritative reference and input builder live on the scoring server;
editing this copy changes nothing except your own understanding.
"""

import jax, jax.numpy as jnp
import numpy as np

N = 10000
E = 320000
F_IN = 128
NHID = 128
H2 = 2 * NHID
NG = 64
NC = 2


def _glorot(key, shape):
    fan_in, fan_out = shape[0], shape[-1]
    lim = np.sqrt(6.0 / (fan_in + fan_out))
    return jax.random.uniform(key, shape, jnp.float32, -lim, lim)


def setup_inputs(seed: int = 0):
    key = jax.random.key(seed)
    ks = jax.random.split(key, 16)
    x = jax.random.normal(ks[0], (N, F_IN), dtype=jnp.float32)
    edge_index = jax.random.randint(ks[1], (2, E), 0, N, dtype=jnp.int32)
    batch = jnp.sort(jax.random.randint(ks[2], (N,), 0, NG, dtype=jnp.int32))
    W1 = _glorot(ks[3], (F_IN, H2))
    a_s1 = jax.random.normal(ks[4], (H2,), jnp.float32) * 0.1
    a_d1 = jax.random.normal(ks[5], (H2,), jnp.float32) * 0.1
    b1 = jnp.zeros((H2,), jnp.float32)
    W2 = _glorot(ks[6], (H2, H2))
    a_s2 = jax.random.normal(ks[7], (H2,), jnp.float32) * 0.1
    a_d2 = jax.random.normal(ks[8], (H2,), jnp.float32) * 0.1
    b2 = jnp.zeros((H2,), jnp.float32)
    fc1_W = _glorot(ks[9], (H2, NHID))
    fc1_b = jnp.zeros((NHID,), jnp.float32)
    fc2_W = _glorot(ks[10], (NHID, NC))
    fc2_b = jnp.zeros((NC,), jnp.float32)
    return {"x": x, "edge_index": edge_index, "batch": batch,
            "W1": W1, "a_s1": a_s1, "a_d1": a_d1, "b1": b1,
            "W2": W2, "a_s2": a_s2, "a_d2": a_d2, "b2": b2,
            "fc1_W": fc1_W, "fc1_b": fc1_b, "fc2_W": fc2_W, "fc2_b": fc2_b}


def _gat_conv(x, src, dst, W, a_s, a_d, b):
    # PyG GATConv, heads=1, negative_slope=0.2, add_self_loops handled by caller
    n = x.shape[0]
    h = x @ W
    alpha_src = (h * a_s).sum(-1)
    alpha_dst = (h * a_d).sum(-1)
    alpha = alpha_src[src] + alpha_dst[dst]
    alpha = jnp.where(alpha > 0, alpha, 0.2 * alpha)  # leaky_relu
    m = jax.ops.segment_max(alpha, dst, num_segments=n)
    e = jnp.exp(alpha - jax.lax.stop_gradient(m)[dst])
    denom = jax.ops.segment_sum(e, dst, num_segments=n)
    coef = e / (denom[dst] + 1e-16)
    out = jax.ops.segment_sum(h[src] * coef[:, None], dst, num_segments=n)
    return out + b


def reference(x, edge_index, batch, W1, a_s1, a_d1, b1, W2, a_s2, a_d2, b2, fc1_W, fc1_b, fc2_W, fc2_b):
    n = x.shape[0]
    loop = jnp.arange(n, dtype=edge_index.dtype)
    src = jnp.concatenate([edge_index[0], loop])
    dst = jnp.concatenate([edge_index[1], loop])
    h = jax.nn.selu(_gat_conv(x, src, dst, W1, a_s1, a_d1, b1))
    h = jax.nn.selu(_gat_conv(h, src, dst, W2, a_s2, a_d2, b2))
    sums = jax.ops.segment_sum(h, batch, num_segments=NG)
    cnt = jax.ops.segment_sum(jnp.ones((n,), jnp.float32), batch, num_segments=NG)
    pooled = jax.nn.selu(sums / jnp.maximum(cnt, 1.0)[:, None])
    z = jax.nn.selu(pooled @ fc1_W + fc1_b)
    # dropout(p=0.5) is identity in eval mode
    return jax.nn.log_softmax(z @ fc2_W + fc2_b, axis=-1)

if __name__ == "__main__":
    import jax
    _d = setup_inputs()
    print(jax.jit(kernel)(*tuple(_d.values())))

</pallas_src>

<mosaic_0001>
#map = affine_map<(d0, d1) -> (0, 0)>
#map1 = affine_map<(d0, d1) -> (0)>
module attributes {stable_mosaic.version = 14 : i64} {
  func.func @_sc_eden_body(%arg0: i32, %arg1: i32, %arg2: memref<2688x128xi32, #tpu.memory_space<hbm>>, %arg3: memref<2688x128xi32, #tpu.memory_space<hbm>>, %arg4: memref<10112xf32, #tpu.memory_space<hbm>>, %arg5: memref<10112xf32, #tpu.memory_space<hbm>>, %arg6: memref<16xf32, #tpu.memory_space<hbm>>, %arg7: memref<10112xf32, #tpu.memory_space<hbm>>, %arg8: memref<2688x128xf32, #tpu.memory_space<hbm>>, %arg9: memref<10112xf32, #tpu.memory_space<hbm>>, %arg10: memref<10112xf32, #tpu.memory_space<vmem>>, %arg11: memref<10112xf32, #tpu.memory_space<vmem>>, %arg12: memref<16xf32, #tpu.memory_space<vmem>>, %arg13: memref<8x128xi32, #tpu.memory_space<vmem>>, %arg14: memref<8x128xi32, #tpu.memory_space<vmem>>, %arg15: memref<128xf32, #tpu.memory_space<vmem>>, %arg16: memref<168x128xf32, #tpu.memory_space<vmem>>, %arg17: memref<10112xf32, #tpu.memory_space<vmem_shared>>) attributes {dimension_semantics = [#tpu.dimension_semantics<core_parallel>, #tpu.dimension_semantics<subcore_parallel>], iteration_bounds = array<i64: 2, 16>, scalar_prefetch = 0 : i64, scratch_operands = 8 : i64, tpu.core_type = #tpu.core_type<sc_vector_subcore>, window_params = [{transform_indices = #map}, {transform_indices = #map}, {transform_indices = #map1}, {transform_indices = #map1}, {transform_indices = #map1}, {transform_indices = #map1}, {transform_indices = #map}, {transform_indices = #map1}]} {
    %eq3A = arith.constant 0 : i32
    %eq3A_0 = arith.cmpi eq, %arg0, %eq3A : i32
    %convert_element_type3A = arith.extui %eq3A_0 : i1 to i32
    %cond3A = arith.constant 0 : i32
    %cond3A_1 = arith.cmpi ne, %convert_element_type3A, %cond3A : i32
    scf.if %cond3A_1 {
      "tpu.region"() ({
        %run_scoped3A = tpu.sem_alloc : memref<!tpu.dma_semaphore, #tpu.memory_space<semaphore_mem>>
        tpu.enqueue_dma source(%arg4 : memref<10112xf32, #tpu.memory_space<hbm>>) target(%arg10 : memref<10112xf32, #tpu.memory_space<vmem>>) target_semaphore(%run_scoped3A : memref<!tpu.dma_semaphore, #tpu.memory_space<semaphore_mem>>)
        tpu.wait_dma2 semaphore(%run_scoped3A : memref<!tpu.dma_semaphore, #tpu.memory_space<semaphore_mem>>) src(%arg4 : memref<10112xf32, #tpu.memory_space<hbm>>) dst(%arg10 : memref<10112xf32, #tpu.memory_space<vmem>>)
        tpu.yield
      }) : () -> ()
      "tpu.region"() ({
        %run_scoped3A = tpu.sem_alloc : memref<!tpu.dma_semaphore, #tpu.memory_space<semaphore_mem>>
        tpu.enqueue_dma source(%arg5 : memref<10112xf32, #tpu.memory_space<hbm>>) target(%arg11 : memref<10112xf32, #tpu.memory_space<vmem>>) target_semaphore(%run_scoped3A : memref<!tpu.dma_semaphore, #tpu.memory_space<semaphore_mem>>)
        tpu.wait_dma2 semaphore(%run_scoped3A : memref<!tpu.dma_semaphore, #tpu.memory_space<semaphore_mem>>) src(%arg5 : memref<10112xf32, #tpu.memory_space<hbm>>) dst(%arg11 : memref<10112xf32, #tpu.memory_space<vmem>>)
        tpu.yield
      }) : () -> ()
      "tpu.region"() ({
        %run_scoped3A = tpu.sem_alloc : memref<!tpu.dma_semaphore, #tpu.memory_space<semaphore_mem>>
        tpu.enqueue_dma source(%arg6 : memref<16xf32, #tpu.memory_space<hbm>>) target(%arg12 : memref<16xf32, #tpu.memory_space<vmem>>) target_semaphore(%run_scoped3A : memref<!tpu.dma_semaphore, #tpu.memory_space<semaphore_mem>>)
        tpu.wait_dma2 semaphore(%run_scoped3A : memref<!tpu.dma_semaphore, #tpu.memory_space<semaphore_mem>>) src(%arg6 : memref<16xf32, #tpu.memory_space<hbm>>) dst(%arg12 : memref<16xf32, #tpu.memory_space<vmem>>)
        tpu.yield
      }) : () -> ()
      %mul3A = arith.constant 168 : i32
      %mul3A_2 = arith.muli %arg1, %mul3A : i32
      %eq3A_3 = arith.constant 0 : i32
      %eq3A_4 = arith.cmpi eq, %arg1, %eq3A_3 : i32
      %convert_element_type3A_5 = arith.extui %eq3A_4 : i1 to i32
      %cond3A_6 = arith.constant 0 : i32
      %cond3A_7 = arith.cmpi ne, %convert_element_type3A_5, %cond3A_6 : i32
      scf.if %cond3A_7 {
        "tpu.region"() ({
          %run_scoped3A = tpu.sem_alloc : memref<!tpu.dma_semaphore, #tpu.memory_space<semaphore_mem>>
          tpu.enqueue_dma source(%arg7 : memref<10112xf32, #tpu.memory_space<hbm>>) target(%arg17 : memref<10112xf32, #tpu.memory_space<vmem_shared>>) target_semaphore(%run_scoped3A : memref<!tpu.dma_semaphore, #tpu.memory_space<semaphore_mem>>)
          tpu.wait_dma2 semaphore(%run_scoped3A : memref<!tpu.dma_semaphore, #tpu.memory_space<semaphore_mem>>) src(%arg7 : memref<10112xf32, #tpu.memory_space<hbm>>) dst(%arg17 : memref<10112xf32, #tpu.memory_space<vmem_shared>>)
          tpu.yield
        }) : () -> ()
      } else {
      }
      %barrier3A = arith.constant 0 : index
      tpu.barrier barrier_id(%barrier3A)
      %get3A = arith.constant 0 : index
      %get3A_8 = tpu.vector_load %arg12[%get3A] {strides = array<i32>} : memref<16xf32, #tpu.memory_space<vmem>>, vector<16xf32>,
      %scan3A = arith.constant 0 : i32
      %scan3A_9 = arith.constant 0 : i32
      %scan3A_10 = arith.constant 21 : i32
      %scan3A_11 = arith.addi %scan3A_9, %scan3A_10 : i32
      %scan3A_12 = arith.constant 1 : i32
      scf.for %scan3A_20 = %scan3A_9 to %scan3A_11 step %scan3A_12  : i32 {
        %mul3A_21 = arith.constant 8 : i32
        %mul3A_22 = arith.muli %scan3A_20, %mul3A_21 : i32
        %add3A = arith.addi %mul3A_2, %mul3A_22 : i32
        "tpu.region"() ({
          %run_scoped3A = tpu.sem_alloc : memref<!tpu.dma_semaphore, #tpu.memory_space<semaphore_mem>>
          %dma_start3A = arith.constant 0 : i32
          %dma_start3A_32 = tpu.memref_slice %arg2[%add3A, %dma_start3A] : memref<2688x128xi32, #tpu.memory_space<hbm>> -> memref<8x128xi32, #tpu.memory_space<hbm>>
          %dma_start3A_33 = arith.constant 0 : i32
          %dma_start3A_34 = tpu.memref_slice %arg2[%add3A, %dma_start3A_33] : memref<2688x128xi32, #tpu.memory_space<hbm>> -> memref<8x128xi32, #tpu.memory_space<hbm>>
          tpu.enqueue_dma source(%dma_start3A_34 : memref<8x128xi32, #tpu.memory_space<hbm>>) target(%arg13 : memref<8x128xi32, #tpu.memory_space<vmem>>) target_semaphore(%run_scoped3A : memref<!tpu.dma_semaphore, #tpu.memory_space<semaphore_mem>>)
          %dma_wait3A = arith.constant 0 : i32
          %dma_wait3A_35 = tpu.memref_slice %arg2[%add3A, %dma_wait3A] : memref<2688x128xi32, #tpu.memory_space<hbm>> -> memref<8x128xi32, #tpu.memory_space<hbm>>
          %dma_wait3A_36 = arith.constant 0 : i32
          %dma_wait3A_37 = tpu.memref_slice %arg2[%add3A, %dma_wait3A_36] : memref<2688x128xi32, #tpu.memory_space<hbm>> -> memref<8x128xi32, #tpu.memory_space<hbm>>
          tpu.wait_dma2 semaphore(%run_scoped3A : memref<!tpu.dma_semaphore, #tpu.memory_space<semaphore_mem>>) src(%dma_wait3A_37 : memref<8x128xi32, #tpu.memory_space<hbm>>) dst(%arg13 : memref<8x128xi32, #tpu.memory_space<vmem>>)
          tpu.yield
        }) : () -> ()
        %mul3A_23 = arith.constant 8 : i32
        %mul3A_24 = arith.muli %scan3A_20, %mul3A_23 : i32
        %add3A_25 = arith.addi %mul3A_2, %mul3A_24 : i32
        "tpu.region"() ({
          %run_scoped3A = tpu.sem_alloc : memref<!tpu.dma_semaphore, #tpu.memory_space<semaphore_mem>>
          %dma_start3A = arith.constant 0 : i32
          %dma_start3A_32 = tpu.memref_slice %arg3[%add3A_25, %dma_start3A] : memref<2688x128xi32, #tpu.memory_space<hbm>> -> memref<8x128xi32, #tpu.memory_space<hbm>>
          %dma_start3A_33 = arith.constant 0 : i32
          %dma_start3A_34 = tpu.memref_slice %arg3[%add3A_25, %dma_start3A_33] : memref<2688x128xi32, #tpu.memory_space<hbm>> -> memref<8x128xi32, #tpu.memory_space<hbm>>
          tpu.enqueue_dma source(%dma_start3A_34 : memref<8x128xi32, #tpu.memory_space<hbm>>) target(%arg14 : memref<8x128xi32, #tpu.memory_space<vmem>>) target_semaphore(%run_scoped3A : memref<!tpu.dma_semaphore, #tpu.memory_space<semaphore_mem>>)
          %dma_wait3A = arith.constant 0 : i32
          %dma_wait3A_35 = tpu.memref_slice %arg3[%add3A_25, %dma_wait3A] : memref<2688x128xi32, #tpu.memory_space<hbm>> -> memref<8x128xi32, #tpu.memory_space<hbm>>
          %dma_wait3A_36 = arith.constant 0 : i32
          %dma_wait3A_37 = tpu.memref_slice %arg3[%add3A_25, %dma_wait3A_36] : memref<2688x128xi32, #tpu.memory_space<hbm>> -> memref<8x128xi32, #tpu.memory_space<hbm>>
          tpu.wait_dma2 semaphore(%run_scoped3A : memref<!tpu.dma_semaphore, #tpu.memory_space<semaphore_mem>>) src(%dma_wait3A_37 : memref<8x128xi32, #tpu.memory_space<hbm>>) dst(%arg14 : memref<8x128xi32, #tpu.memory_space<vmem>>)
          tpu.yield
        }) : () -> ()
        %scan3A_26 = arith.constant 0 : i32
        %scan3A_27 = arith.constant 0 : i32
        %scan3A_28 = arith.constant 8 : i32
        %scan3A_29 = arith.addi %scan3A_27, %scan3A_28 : i32
        %scan3A_30 = arith.constant 1 : i32
        scf.for %scan3A_32 = %scan3A_27 to %scan3A_29 step %scan3A_30  : i32 {
          %get3A_33 = arith.index_cast %scan3A_32 : i32 to index
          %get3A_34 = arith.constant 0 : index
          %get3A_35 = tpu.vector_load %arg13[%get3A_33, %get3A_34] {strides = array<i32>} : memref<8x128xi32, #tpu.memory_space<vmem>>, vector<16xi32>,
          %get3A_36 = arith.index_cast %scan3A_32 : i32 to index
          %get3A_37 = arith.constant 0 : index
          %get3A_38 = tpu.vector_load %arg14[%get3A_36, %get3A_37] {strides = array<i32>} : memref<8x128xi32, #tpu.memory_space<vmem>>, vector<16xi32>,
          %gather3A = tpu.vector_load_idx %arg10[%get3A_35] : memref<10112xf32, #tpu.memory_space<vmem>>[vector<16xi32>], vector<16xf32>,
          %gather3A_39 = tpu.vector_load_idx %arg11[%get3A_38] : memref<10112xf32, #tpu.memory_space<vmem>>[vector<16xi32>], vector<16xf32>,
          %add3A_40 = arith.addf %gather3A, %gather3A_39 : vector<16xf32>
          %gt3A = arith.constant 0.000000e+00 : f32
          %gt3A_41 = vector.broadcast %gt3A : f32 to vector<16xf32>
          %gt3A_42 = arith.cmpf ogt, %add3A_40, %gt3A_41 : vector<16xf32>
          %mul3A_43 = arith.constant 2.000000e-01 : f32
          %mul3A_44 = vector.broadcast %mul3A_43 : f32 to vector<16xf32>
          %mul3A_45 = arith.mulf %mul3A_44, %add3A_40 : vector<16xf32>
          %select_n3A = arith.select %gt3A_42, %add3A_40, %mul3A_45 : vector<16xi1>, vector<16xf32>
          %sub3A = arith.subf %select_n3A, %get3A_8 : vector<16xf32>
          %exp3A = math.exp %sub3A : vector<16xf32>
          %swap3A = arith.constant 0 : index
          %swap3A_46 = tpu.vector_load %arg15[%swap3A] {strides = array<i32>} : memref<128xf32, #tpu.memory_space<vmem>>, vector<16xf32>,
          tpu.vector_store %arg15[%swap3A], %exp3A {strides = array<i32>} : memref<128xf32, #tpu.memory_space<vmem>>, vector<16xf32>,
          %mul3A_47 = arith.constant 8 : i32
          %mul3A_48 = arith.muli %scan3A_20, %mul3A_47 : i32
          %add3A_49 = arith.addi %mul3A_48, %scan3A_32 : i32
          %swap3A_50 = arith.index_cast %add3A_49 : i32 to index
          %swap3A_51 = arith.constant 0 : index
          %swap3A_52 = tpu.vector_load %arg16[%swap3A_50, %swap3A_51] {strides = array<i32>} : memref<168x128xf32, #tpu.memory_space<vmem>>, vector<16xf32>,
          tpu.vector_store %arg16[%swap3A_50, %swap3A_51], %exp3A {strides = array<i32>} : memref<168x128xf32, #tpu.memory_space<vmem>>, vector<16xf32>,
          %get3A_53 = arith.index_cast %scan3A_32 : i32 to index
          %get3A_54 = arith.constant 16 : index
          %get3A_55 = tpu.vector_load %arg13[%get3A_53, %get3A_54] {strides = array<i32>} : memref<8x128xi32, #tpu.memory_space<vmem>>, vector<16xi32>,
          %get3A_56 = arith.index_cast %scan3A_32 : i32 to index
          %get3A_57 = arith.constant 16 : index
          %get3A_58 = tpu.vector_load %arg14[%get3A_56, %get3A_57] {strides = array<i32>} : memref<8x128xi32, #tpu.memory_space<vmem>>, vector<16xi32>,
          %gather3A_59 = tpu.vector_load_idx %arg10[%get3A_55] : memref<10112xf32, #tpu.memory_space<vmem>>[vector<16xi32>], vector<16xf32>,
          %gather3A_60 = tpu.vector_load_idx %arg11[%get3A_58] : memref<10112xf32, #tpu.memory_space<vmem>>[vector<16xi32>], vector<16xf32>,
          %add3A_61 = arith.addf %gather3A_59, %gather3A_60 : vector<16xf32>
          %gt3A_62 = arith.constant 0.000000e+00 : f32
          %gt3A_63 = vector.broadcast %gt3A_62 : f32 to vector<16xf32>
          %gt3A_64 = arith.cmpf ogt, %add3A_61, %gt3A_63 : vector<16xf32>
          %mul3A_65 = arith.constant 2.000000e-01 : f32
          %mul3A_66 = vector.broadcast %mul3A_65 : f32 to vector<16xf32>
          %mul3A_67 = arith.mulf %mul3A_66, %add3A_61 : vector<16xf32>
          %select_n3A_68 = arith.select %gt3A_64, %add3A_61, %mul3A_67 : vector<16xi1>, vector<16xf32>
          %sub3A_69 = arith.subf %select_n3A_68, %get3A_8 : vector<16xf32>
          %exp3A_70 = math.exp %sub3A_69 : vector<16xf32>
          %swap3A_71 = arith.constant 16 : index
          %swap3A_72 = tpu.vector_load %arg15[%swap3A_71] {strides = array<i32>} : memref<128xf32, #tpu.memory_space<vmem>>, vector<16xf32>,
          tpu.vector_store %arg15[%swap3A_71], %exp3A_70 {strides = array<i32>} : memref<128xf32, #tpu.memory_space<vmem>>, vector<16xf32>,
          %mul3A_73 = arith.constant 8 : i32
          %mul3A_74 = arith.muli %scan3A_20, %mul3A_73 : i32
          %add3A_75 = arith.addi %mul3A_74, %scan3A_32 : i32
          %swap3A_76 = arith.index_cast %add3A_75 : i32 to index
          %swap3A_77 = arith.constant 16 : index
          %swap3A_78 = tpu.vector_load %arg16[%swap3A_76, %swap3A_77] {strides = array<i32>} : memref<168x128xf32, #tpu.memory_space<vmem>>, vector<16xf32>,
          tpu.vector_store %arg16[%swap3A_76, %swap3A_77], %exp3A_70 {strides = array<i32>} : memref<168x128xf32, #tpu.memory_space<vmem>>, vector<16xf32>,
          %get3A_79 = arith.index_cast %scan3A_32 : i32 to index
          %get3A_80 = arith.constant 32 : index
          %get3A_81 = tpu.vector_load %arg13[%get3A_79, %get3A_80] {strides = array<i32>} : memref<8x128xi32, #tpu.memory_space<vmem>>, vector<16xi32>,
          %get3A_82 = arith.index_cast %scan3A_32 : i32 to index
          %get3A_83 = arith.constant 32 : index
          %get3A_84 = tpu.vector_load %arg14[%get3A_82, %get3A_83] {strides = array<i32>} : memref<8x128xi32, #tpu.memory_space<vmem>>, vector<16xi32>,
          %gather3A_85 = tpu.vector_load_idx %arg10[%get3A_81] : memref<10112xf32, #tpu.memory_space<vmem>>[vector<16xi32>], vector<16xf32>,
          %gather3A_86 = tpu.vector_load_idx %arg11[%get3A_84] : memref<10112xf32, #tpu.memory_space<vmem>>[vector<16xi32>], vector<16xf32>,
          %add3A_87 = arith.addf %gather3A_85, %gather3A_86 : vector<16xf32>
          %gt3A_88 = arith.constant 0.000000e+00 : f32
          %gt3A_89 = vector.broadcast %gt3A_88 : f32 to vector<16xf32>
          %gt3A_90 = arith.cmpf ogt, %add3A_87, %gt3A_89 : vector<16xf32>
          %mul3A_91 = arith.constant 2.000000e-01 : f32
          %mul3A_92 = vector.broadcast %mul3A_91 : f32 to vector<16xf32>
          %mul3A_93 = arith.mulf %mul3A_92, %add3A_87 : vector<16xf32>
          %select_n3A_94 = arith.select %gt3A_90, %add3A_87, %mul3A_93 : vector<16xi1>, vector<16xf32>
          %sub3A_95 = arith.subf %select_n3A_94, %get3A_8 : vector<16xf32>
          %exp3A_96 = math.exp %sub3A_95 : vector<16xf32>
          %swap3A_97 = arith.constant 32 : index
          %swap3A_98 = tpu.vector_load %arg15[%swap3A_97] {strides = array<i32>} : memref<128xf32, #tpu.memory_space<vmem>>, vector<16xf32>,
          tpu.vector_store %arg15[%swap3A_97], %exp3A_96 {strides = array<i32>} : memref<128xf32, #tpu.memory_space<vmem>>, vector<16xf32>,
          %mul3A_99 = arith.constant 8 : i32
          %mul3A_100 = arith.muli %scan3A_20, %mul3A_99 : i32
          %add3A_101 = arith.addi %mul3A_100, %scan3A_32 : i32
          %swap3A_102 = arith.index_cast %add3A_101 : i32 to index
          %swap3A_103 = arith.constant 32 : index
          %swap3A_104 = tpu.vector_load %arg16[%swap3A_102, %swap3A_103] {strides = array<i32>} : memref<168x128xf32, #tpu.memory_space<vmem>>, vector<16xf32>,
          tpu.vector_store %arg16[%swap3A_102, %swap3A_103], %exp3A_96 {strides = array<i32>} : memref<168x128xf32, #tpu.memory_space<vmem>>, vector<16xf32>,
          %get3A_105 = arith.index_cast %scan3A_32 : i32 to index
          %get3A_106 = arith.constant 48 : index
          %get3A_107 = tpu.vector_load %arg13[%get3A_105, %get3A_106] {strides = array<i32>} : memref<8x128xi32, #tpu.memory_space<vmem>>, vector<16xi32>,
          %get3A_108 = arith.index_cast %scan3A_32 : i32 to index
          %get3A_109 = arith.constant 48 : index
          %get3A_110 = tpu.vector_load %arg14[%get3A_108, %get3A_109] {strides = array<i32>} : memref<8x128xi32, #tpu.memory_space<vmem>>, vector<16xi32>,
          %gather3A_111 = tpu.vector_load_idx %arg10[%get3A_107] : memref<10112xf32, #tpu.memory_space<vmem>>[vector<16xi32>], vector<16xf32>,
          %gather3A_112 = tpu.vector_load_idx %arg11[%get3A_110] : memref<10112xf32, #tpu.memory_space<vmem>>[vector<16xi32>], vector<16xf32>,
          %add3A_113 = arith.addf %gather3A_111, %gather3A_112 : vector<16xf32>
          %gt3A_114 = arith.constant 0.000000e+00 : f32
          %gt3A_115 = vector.broadcast %gt3A_114 : f32 to vector<16xf32>
          %gt3A_116 = arith.cmpf ogt, %add3A_113, %gt3A_115 : vector<16xf32>
          %mul3A_117 = arith.constant 2.000000e-01 : f32
          %mul3A_118 = vector.broadcast %mul3A_117 : f32 to vector<16xf32>
          %mul3A_119 = arith.mulf %mul3A_118, %add3A_113 : vector<16xf32>
          %select_n3A_120 = arith.select %gt3A_116, %add3A_113, %mul3A_119 : vector<16xi1>, vector<16xf32>
          %sub3A_121 = arith.subf %select_n3A_120, %get3A_8 : vector<16xf32>
          %exp3A_122 = math.exp %sub3A_121 : vector<16xf32>
          %swap3A_123 = arith.constant 48 : index
          %swap3A_124 = tpu.vector_load %arg15[%swap3A_123] {strides = array<i32>} : memref<128xf32, #tpu.memory_space<vmem>>, vector<16xf32>,
          tpu.vector_store %arg15[%swap3A_123], %exp3A_122 {strides = array<i32>} : memref<128xf32, #tpu.memory_space<vmem>>, vector<16xf32>,
          %mul3A_125 = arith.constant 8 : i32
          %mul3A_126 = arith.muli %scan3A_20, %mul3A_125 : i32
          %add3A_127 = arith.addi %mul3A_126, %scan3A_32 : i32
          %swap3A_128 = arith.index_cast %add3A_127 : i32 to index
          %swap3A_129 = arith.constant 48 : index
          %swap3A_130 = tpu.vector_load %arg16[%swap3A_128, %swap3A_129] {strides = array<i32>} : memref<168x128xf32, #tpu.memory_space<vmem>>, vector<16xf32>,
          tpu.vector_store %arg16[%swap3A_128, %swap3A_129], %exp3A_122 {strides = array<i32>} : memref<168x128xf32, #tpu.memory_space<vmem>>, vector<16xf32>,
          %get3A_131 = arith.index_cast %scan3A_32 : i32 to index
          %get3A_132 = arith.constant 64 : index
          %get3A_133 = tpu.vector_load %arg13[%get3A_131, %get3A_132] {strides = array<i32>} : memref<8x128xi32, #tpu.memory_space<vmem>>, vector<16xi32>,
          %get3A_134 = arith.index_cast %scan3A_32 : i32 to index
          %get3A_135 = arith.constant 64 : index
          %get3A_136 = tpu.vector_load %arg14[%get3A_134, %get3A_135] {strides = array<i32>} : memref<8x128xi32, #tpu.memory_space<vmem>>, vector<16xi32>,
          %gather3A_137 = tpu.vector_load_idx %arg10[%get3A_133] : memref<10112xf32, #tpu.memory_space<vmem>>[vector<16xi32>], vector<16xf32>,
          %gather3A_138 = tpu.vector_load_idx %arg11[%get3A_136] : memref<10112xf32, #tpu.memory_space<vmem>>[vector<16xi32>], vector<16xf32>,
          %add3A_139 = arith.addf %gather3A_137, %gather3A_138 : vector<16xf32>
          %gt3A_140 = arith.constant 0.000000e+00 : f32
          %gt3A_141 = vector.broadcast %gt3A_140 : f32 to vector<16xf32>
          %gt3A_142 = arith.cmpf ogt, %add3A_139, %gt3A_141 : vector<16xf32>
          %mul3A_143 = arith.constant 2.000000e-01 : f32
          %mul3A_144 = vector.broadcast %mul3A_143 : f32 to vector<16xf32>
          %mul3A_145 = arith.mulf %mul3A_144, %add3A_139 : vector<16xf32>
          %select_n3A_146 = arith.select %gt3A_142, %add3A_139, %mul3A_145 : vector<16xi1>, vector<16xf32>
          %sub3A_147 = arith.subf %select_n3A_146, %get3A_8 : vector<16xf32>
          %exp3A_148 = math.exp %sub3A_147 : vector<16xf32>
          %swap3A_149 = arith.constant 64 : index
          %swap3A_150 = tpu.vector_load %arg15[%swap3A_149] {strides = array<i32>} : memref<128xf32, #tpu.memory_space<vmem>>, vector<16xf32>,
          tpu.vector_store %arg15[%swap3A_149], %exp3A_148 {strides = array<i32>} : memref<128xf32, #tpu.memory_space<vmem>>, vector<16xf32>,
          %mul3A_151 = arith.constant 8 : i32
          %mul3A_152 = arith.muli %scan3A_20, %mul3A_151 : i32
          %add3A_153 = arith.addi %mul3A_152, %scan3A_32 : i32
          %swap3A_154 = arith.index_cast %add3A_153 : i32 to index
          %swap3A_155 = arith.constant 64 : index
          %swap3A_156 = tpu.vector_load %arg16[%swap3A_154, %swap3A_155] {strides = array<i32>} : memref<168x128xf32, #tpu.memory_space<vmem>>, vector<16xf32>,
          tpu.vector_store %arg16[%swap3A_154, %swap3A_155], %exp3A_148 {strides = array<i32>} : memref<168x128xf32, #tpu.memory_space<vmem>>, vector<16xf32>,
          %get3A_157 = arith.index_cast %scan3A_32 : i32 to index
          %get3A_158 = arith.constant 80 : index
          %get3A_159 = tpu.vector_load %arg13[%get3A_157, %get3A_158] {strides = array<i32>} : memref<8x128xi32, #tpu.memory_space<vmem>>, vector<16xi32>,
          %get3A_160 = arith.index_cast %scan3A_32 : i32 to index
          %get3A_161 = arith.constant 80 : index
          %get3A_162 = tpu.vector_load %arg14[%get3A_160, %get3A_161] {strides = array<i32>} : memref<8x128xi32, #tpu.memory_space<vmem>>, vector<16xi32>,
          %gather3A_163 = tpu.vector_load_idx %arg10[%get3A_159] : memref<10112xf32, #tpu.memory_space<vmem>>[vector<16xi32>], vector<16xf32>,
          %gather3A_164 = tpu.vector_load_idx %arg11[%get3A_162] : memref<10112xf32, #tpu.memory_space<vmem>>[vector<16xi32>], vector<16xf32>,
          %add3A_165 = arith.addf %gather3A_163, %gather3A_164 : vector<16xf32>
          %gt3A_166 = arith.constant 0.000000e+00 : f32
          %gt3A_167 = vector.broadcast %gt3A_166 : f32 to vector<16xf32>
          %gt3A_168 = arith.cmpf ogt, %add3A_165, %gt3A_167 : vector<16xf32>
          %mul3A_169 = arith.constant 2.000000e-01 : f32
          %mul3A_170 = vector.broadcast %mul3A_169 : f32 to vector<16xf32>
          %mul3A_171 = arith.mulf %mul3A_170, %add3A_165 : vector<16xf32>
          %select_n3A_172 = arith.select %gt3A_168, %add3A_165, %mul3A_171 : vector<16xi1>, vector<16xf32>
          %sub3A_173 = arith.subf %select_n3A_172, %get3A_8 : vector<16xf32>
          %exp3A_174 = math.exp %sub3A_173 : vector<16xf32>
          %swap3A_175 = arith.constant 80 : index
          %swap3A_176 = tpu.vector_load %arg15[%swap3A_175] {strides = array<i32>} : memref<128xf32, #tpu.memory_space<vmem>>, vector<16xf32>,
          tpu.vector_store %arg15[%swap3A_175], %exp3A_174 {strides = array<i32>} : memref<128xf32, #tpu.memory_space<vmem>>, vector<16xf32>,
          %mul3A_177 = arith.constant 8 : i32
          %mul3A_178 = arith.muli %scan3A_20, %mul3A_177 : i32
          %add3A_179 = arith.addi %mul3A_178, %scan3A_32 : i32
          %swap3A_180 = arith.index_cast %add3A_179 : i32 to index
          %swap3A_181 = arith.constant 80 : index
          %swap3A_182 = tpu.vector_load %arg16[%swap3A_180, %swap3A_181] {strides = array<i32>} : memref<168x128xf32, #tpu.memory_space<vmem>>, vector<16xf32>,
          tpu.vector_store %arg16[%swap3A_180, %swap3A_181], %exp3A_174 {strides = array<i32>} : memref<168x128xf32, #tpu.memory_space<vmem>>, vector<16xf32>,
          %get3A_183 = arith.index_cast %scan3A_32 : i32 to index
          %get3A_184 = arith.constant 96 : index
          %get3A_185 = tpu.vector_load %arg13[%get3A_183, %get3A_184] {strides = array<i32>} : memref<8x128xi32, #tpu.memory_space<vmem>>, vector<16xi32>,
          %get3A_186 = arith.index_cast %scan3A_32 : i32 to index
          %get3A_187 = arith.constant 96 : index
          %get3A_188 = tpu.vector_load %arg14[%get3A_186, %get3A_187] {strides = array<i32>} : memref<8x128xi32, #tpu.memory_space<vmem>>, vector<16xi32>,
          %gather3A_189 = tpu.vector_load_idx %arg10[%get3A_185] : memref<10112xf32, #tpu.memory_space<vmem>>[vector<16xi32>], vector<16xf32>,
          %gather3A_190 = tpu.vector_load_idx %arg11[%get3A_188] : memref<10112xf32, #tpu.memory_space<vmem>>[vector<16xi32>], vector<16xf32>,
          %add3A_191 = arith.addf %gather3A_189, %gather3A_190 : vector<16xf32>
          %gt3A_192 = arith.constant 0.000000e+00 : f32
          %gt3A_193 = vector.broadcast %gt3A_192 : f32 to vector<16xf32>
          %gt3A_194 = arith.cmpf ogt, %add3A_191, %gt3A_193 : vector<16xf32>
          %mul3A_195 = arith.constant 2.000000e-01 : f32
          %mul3A_196 = vector.broadcast %mul3A_195 : f32 to vector<16xf32>
          %mul3A_197 = arith.mulf %mul3A_196, %add3A_191 : vector<16xf32>
          %select_n3A_198 = arith.select %gt3A_194, %add3A_191, %mul3A_197 : vector<16xi1>, vector<16xf32>
          %sub3A_199 = arith.subf %select_n3A_198, %get3A_8 : vector<16xf32>
          %exp3A_200 = math.exp %sub3A_199 : vector<16xf32>
          %swap3A_201 = arith.constant 96 : index
          %swap3A_202 = tpu.vector_load %arg15[%swap3A_201] {strides = array<i32>} : memref<128xf32, #tpu.memory_space<vmem>>, vector<16xf32>,
          tpu.vector_store %arg15[%swap3A_201], %exp3A_200 {strides = array<i32>} : memref<128xf32, #tpu.memory_space<vmem>>, vector<16xf32>,
          %mul3A_203 = arith.constant 8 : i32
          %mul3A_204 = arith.muli %scan3A_20, %mul3A_203 : i32
          %add3A_205 = arith.addi %mul3A_204, %scan3A_32 : i32
          %swap3A_206 = arith.index_cast %add3A_205 : i32 to index
          %swap3A_207 = arith.constant 96 : index
          %swap3A_208 = tpu.vector_load %arg16[%swap3A_206, %swap3A_207] {strides = array<i32>} : memref<168x128xf32, #tpu.memory_space<vmem>>, vector<16xf32>,
          tpu.vector_store %arg16[%swap3A_206, %swap3A_207], %exp3A_200 {strides = array<i32>} : memref<168x128xf32, #tpu.memory_space<vmem>>, vector<16xf32>,
          %get3A_209 = arith.index_cast %scan3A_32 : i32 to index
          %get3A_210 = arith.constant 112 : index
          %get3A_211 = tpu.vector_load %arg13[%get3A_209, %get3A_210] {strides = array<i32>} : memref<8x128xi32, #tpu.memory_space<vmem>>, vector<16xi32>,
          %get3A_212 = arith.index_cast %scan3A_32 : i32 to index
          %get3A_213 = arith.constant 112 : index
          %get3A_214 = tpu.vector_load %arg14[%get3A_212, %get3A_213] {strides = array<i32>} : memref<8x128xi32, #tpu.memory_space<vmem>>, vector<16xi32>,
          %gather3A_215 = tpu.vector_load_idx %arg10[%get3A_211] : memref<10112xf32, #tpu.memory_space<vmem>>[vector<16xi32>], vector<16xf32>,
          %gather3A_216 = tpu.vector_load_idx %arg11[%get3A_214] : memref<10112xf32, #tpu.memory_space<vmem>>[vector<16xi32>], vector<16xf32>,
          %add3A_217 = arith.addf %gather3A_215, %gather3A_216 : vector<16xf32>
          %gt3A_218 = arith.constant 0.000000e+00 : f32
          %gt3A_219 = vector.broadcast %gt3A_218 : f32 to vector<16xf32>
          %gt3A_220 = arith.cmpf ogt, %add3A_217, %gt3A_219 : vector<16xf32>
          %mul3A_221 = arith.constant 2.000000e-01 : f32
          %mul3A_222 = vector.broadcast %mul3A_221 : f32 to vector<16xf32>
          %mul3A_223 = arith.mulf %mul3A_222, %add3A_217 : vector<16xf32>
          %select_n3A_224 = arith.select %gt3A_220, %add3A_217, %mul3A_223 : vector<16xi1>, vector<16xf32>
          %sub3A_225 = arith.subf %select_n3A_224, %get3A_8 : vector<16xf32>
          %exp3A_226 = math.exp %sub3A_225 : vector<16xf32>
          %swap3A_227 = arith.constant 112 : index
          %swap3A_228 = tpu.vector_load %arg15[%swap3A_227] {strides = array<i32>} : memref<128xf32, #tpu.memory_space<vmem>>, vector<16xf32>,
          tpu.vector_store %arg15[%swap3A_227], %exp3A_226 {strides = array<i32>} : memref<128xf32, #tpu.memory_space<vmem>>, vector<16xf32>,
          %mul3A_229 = arith.constant 8 : i32
          %mul3A_230 = arith.muli %scan3A_20, %mul3A_229 : i32
          %add3A_231 = arith.addi %mul3A_230, %scan3A_32 : i32
          %swap3A_232 = arith.index_cast %add3A_231 : i32 to index
          %swap3A_233 = arith.constant 112 : index
          %swap3A_234 = tpu.vector_load %arg16[%swap3A_232, %swap3A_233] {strides = array<i32>} : memref<168x128xf32, #tpu.memory_space<vmem>>, vector<16xf32>,
          tpu.vector_store %arg16[%swap3A_232, %swap3A_233], %exp3A_226 {strides = array<i32>} : memref<168x128xf32, #tpu.memory_space<vmem>>, vector<16xf32>,
          "tpu.region"() ({
            %run_scoped3A = tpu.sem_alloc : memref<!tpu.dma_semaphore, #tpu.memory_space<semaphore_mem>>
            %dma_start3A = arith.constant 0 : i32
            %dma_start3A_235 = tpu.memref_slice %arg14[%scan3A_32, %dma_start3A] : memref<8x128xi32, #tpu.memory_space<vmem>> -> memref<1x128xi32, #tpu.memory_space<vmem>>
            %dma_start3A_236 = tpu.memref_squeeze %dma_start3A_235 : memref<1x128xi32, #tpu.memory_space<vmem>> -> memref<128xi32, #tpu.memory_space<vmem>>
            %dma_start3A_237 = arith.constant 0 : i32
            %dma_start3A_238 = tpu.memref_slice %arg17[%dma_start3A_237] : memref<10112xf32, #tpu.memory_space<vmem_shared>> -> memref<10112xf32, #tpu.memory_space<vmem_shared>>
            tpu.enqueue_indirect_dma source(%arg15 : memref<128xf32, #tpu.memory_space<vmem>>) target(%dma_start3A_238 : memref<10112xf32, #tpu.memory_space<vmem_shared>>) offsets(%dma_start3A_236 : memref<128xi32, #tpu.memory_space<vmem>>) semaphore(%run_scoped3A : memref<!tpu.dma_semaphore, #tpu.memory_space<semaphore_mem>>) {add = true}
            %dma_wait3A = arith.constant 0 : i32
            %dma_wait3A_239 = tpu.memref_slice %arg14[%scan3A_32, %dma_wait3A] : memref<8x128xi32, #tpu.memory_space<vmem>> -> memref<1x128xi32, #tpu.memory_space<vmem>>
            %dma_wait3A_240 = tpu.memref_squeeze %dma_wait3A_239 : memref<1x128xi32, #tpu.memory_space<vmem>> -> memref<128xi32, #tpu.memory_space<vmem>>
            %dma_wait3A_241 = arith.constant 0 : i32
            %dma_wait3A_242 = tpu.memref_slice %arg17[%dma_wait3A_241] : memref<10112xf32, #tpu.memory_space<vmem_shared>> -> memref<10112xf32, #tpu.memory_space<vmem_shared>>
            tpu.wait_indirect_dma semaphore(%run_scoped3A : memref<!tpu.dma_semaphore, #tpu.memory_space<semaphore_mem>>) src(%arg15 : memref<128xf32, #tpu.memory_space<vmem>>) dst(%dma_wait3A_242 : memref<10112xf32, #tpu.memory_space<vmem_shared>>)
            tpu.yield
          }) : () -> ()
        }
        %scan3A_31 = arith.constant 8 : i32
      }
      %scan3A_13 = arith.constant 21 : i32
      %barrier3A_14 = arith.constant 0 : index
      tpu.barrier barrier_id(%barrier3A_14)
      "tpu.region"() ({
        %run_scoped3A = tpu.sem_alloc : memref<!tpu.dma_semaphore, #tpu.memory_space<semaphore_mem>>
        %dma_start3A = arith.constant 0 : i32
        %dma_start3A_20 = tpu.memref_slice %arg8[%mul3A_2, %dma_start3A] : memref<2688x128xf32, #tpu.memory_space<hbm>> -> memref<168x128xf32, #tpu.memory_space<hbm>>
        %dma_start3A_21 = arith.constant 0 : i32
        %dma_start3A_22 = tpu.memref_slice %arg8[%mul3A_2, %dma_start3A_21] : memref<2688x128xf32, #tpu.memory_space<hbm>> -> memref<168x128xf32, #tpu.memory_space<hbm>>
        tpu.enqueue_dma source(%arg16 : memref<168x128xf32, #tpu.memory_space<vmem>>) target(%dma_start3A_22 : memref<168x128xf32, #tpu.memory_space<hbm>>) target_semaphore(%run_scoped3A : memref<!tpu.dma_semaphore, #tpu.memory_space<semaphore_mem>>)
        %dma_wait3A = arith.constant 0 : i32
        %dma_wait3A_23 = tpu.memref_slice %arg8[%mul3A_2, %dma_wait3A] : memref<2688x128xf32, #tpu.memory_space<hbm>> -> memref<168x128xf32, #tpu.memory_space<hbm>>
        %dma_wait3A_24 = arith.constant 0 : i32
        %dma_wait3A_25 = tpu.memref_slice %arg8[%mul3A_2, %dma_wait3A_24] : memref<2688x128xf32, #tpu.memory_space<hbm>> -> memref<168x128xf32, #tpu.memory_space<hbm>>
        tpu.wait_dma2 semaphore(%run_scoped3A : memref<!tpu.dma_semaphore, #tpu.memory_space<semaphore_mem>>) src(%arg16 : memref<168x128xf32, #tpu.memory_space<vmem>>) dst(%dma_wait3A_25 : memref<168x128xf32, #tpu.memory_space<hbm>>)
        tpu.yield
      }) : () -> ()
      %eq3A_15 = arith.constant 0 : i32
      %eq3A_16 = arith.cmpi eq, %arg1, %eq3A_15 : i32
      %convert_element_type3A_17 = arith.extui %eq3A_16 : i1 to i32
      %cond3A_18 = arith.constant 0 : i32
      %cond3A_19 = arith.cmpi ne, %convert_element_type3A_17, %cond3A_18 : i32
      scf.if %cond3A_19 {
        "tpu.region"() ({
          %run_scoped3A = tpu.sem_alloc : memref<!tpu.dma_semaphore, #tpu.memory_space<semaphore_mem>>
          tpu.enqueue_dma source(%arg17 : memref<10112xf32, #tpu.memory_space<vmem_shared>>) target(%arg9 : memref<10112xf32, #tpu.memory_space<hbm>>) target_semaphore(%run_scoped3A : memref<!tpu.dma_semaphore, #tpu.memory_space<semaphore_mem>>)
          tpu.wait_dma2 semaphore(%run_scoped3A : memref<!tpu.dma_semaphore, #tpu.memory_space<semaphore_mem>>) src(%arg17 : memref<10112xf32, #tpu.memory_space<vmem_shared>>) dst(%arg9 : memref<10112xf32, #tpu.memory_space<hbm>>)
          tpu.yield
        }) : () -> ()
      } else {
      }
    } else {
    }
    return
  }
}

#map = affine_map<(d0, d1) -> (0, 0)>
#map1 = affine_map<(d0, d1) -> (0)>
module attributes {stable_mosaic.version = 14 : i64} {
  func.func @_sc_eden_body(%arg0: i32, %arg1: i32, %arg2: memref<2688x128xi32, #tpu.memory_space<hbm>>, %arg3: memref<2688x128xi32, #tpu.memory_space<hbm>>, %arg4: memref<10112xf32, #tpu.memory_space<hbm>>, %arg5: memref<10112xf32, #tpu.memory_space<hbm>>, %arg6: memref<16xf32, #tpu.memory_space<hbm>>, %arg7: memref<10112xf32, #tpu.memory_space<hbm>>, %arg8: memref<2688x128xf32, #tpu.memory_space<hbm>>, %arg9: memref<10112xf32, #tpu.memory_space<hbm>>, %arg10: memref<10112xf32, #tpu.memory_space<vmem>>, %arg11: memref<10112xf32, #tpu.memory_space<vmem>>, %arg12: memref<16xf32, #tpu.memory_space<vmem>>, %arg13: memref<8x128xi32, #tpu.memory_space<vmem>>, %arg14: memref<8x128xi32, #tpu.memory_space<vmem>>, %arg15: memref<128xf32, #tpu.memory_space<vmem>>, %arg16: memref<168x128xf32, #tpu.memory_space<vmem>>, %arg17: memref<10112xf32, #tpu.memory_space<vmem_shared>>) attributes {dimension_semantics = [#tpu.dimension_semantics<core_parallel>, #tpu.dimension_semantics<subcore_parallel>], iteration_bounds = array<i64: 2, 16>, scalar_prefetch = 0 : i64, scratch_operands = 8 : i64, tpu.core_type = #tpu.core_type<sc_vector_subcore>, window_params = [{transform_indices = #map}, {transform_indices = #map}, {transform_indices = #map1}, {transform_indices = #map1}, {transform_indices = #map1}, {transform_indices = #map1}, {transform_indices = #map}, {transform_indices = #map1}]} {
    %eq3A = arith.constant 0 : i32
    %eq3A_0 = arith.cmpi eq, %arg0, %eq3A : i32
    %convert_element_type3A = arith.extui %eq3A_0 : i1 to i32
    %cond3A = arith.constant 0 : i32
    %cond3A_1 = arith.cmpi ne, %convert_element_type3A, %cond3A : i32
    scf.if %cond3A_1 {
      "tpu.region"() ({
        %run_scoped3A = tpu.sem_alloc : memref<!tpu.dma_semaphore, #tpu.memory_space<semaphore_mem>>
        tpu.enqueue_dma source(%arg4 : memref<10112xf32, #tpu.memory_space<hbm>>) target(%arg10 : memref<10112xf32, #tpu.memory_space<vmem>>) target_semaphore(%run_scoped3A : memref<!tpu.dma_semaphore, #tpu.memory_space<semaphore_mem>>)
        tpu.wait_dma2 semaphore(%run_scoped3A : memref<!tpu.dma_semaphore, #tpu.memory_space<semaphore_mem>>) src(%arg4 : memref<10112xf32, #tpu.memory_space<hbm>>) dst(%arg10 : memref<10112xf32, #tpu.memory_space<vmem>>)
        tpu.yield
      }) : () -> ()
      "tpu.region"() ({
        %run_scoped3A = tpu.sem_alloc : memref<!tpu.dma_semaphore, #tpu.memory_space<semaphore_mem>>
        tpu.enqueue_dma source(%arg5 : memref<10112xf32, #tpu.memory_space<hbm>>) target(%arg11 : memref<10112xf32, #tpu.memory_space<vmem>>) target_semaphore(%run_scoped3A : memref<!tpu.dma_semaphore, #tpu.memory_space<semaphore_mem>>)
        tpu.wait_dma2 semaphore(%run_scoped3A : memref<!tpu.dma_semaphore, #tpu.memory_space<semaphore_mem>>) src(%arg5 : memref<10112xf32, #tpu.memory_space<hbm>>) dst(%arg11 : memref<10112xf32, #tpu.memory_space<vmem>>)
        tpu.yield
      }) : () -> ()
      "tpu.region"() ({
        %run_scoped3A = tpu.sem_alloc : memref<!tpu.dma_semaphore, #tpu.memory_space<semaphore_mem>>
        tpu.enqueue_dma source(%arg6 : memref<16xf32, #tpu.memory_space<hbm>>) target(%arg12 : memref<16xf32, #tpu.memory_space<vmem>>) target_semaphore(%run_scoped3A : memref<!tpu.dma_semaphore, #tpu.memory_space<semaphore_mem>>)
        tpu.wait_dma2 semaphore(%run_scoped3A : memref<!tpu.dma_semaphore, #tpu.memory_space<semaphore_mem>>) src(%arg6 : memref<16xf32, #tpu.memory_space<hbm>>) dst(%arg12 : memref<16xf32, #tpu.memory_space<vmem>>)
        tpu.yield
      }) : () -> ()
      %mul3A = arith.constant 168 : i32
      %mul3A_2 = arith.muli %arg1, %mul3A : i32
      %eq3A_3 = arith.constant 0 : i32
      %eq3A_4 = arith.cmpi eq, %arg1, %eq3A_3 : i32
      %convert_element_type3A_5 = arith.extui %eq3A_4 : i1 to i32
      %cond3A_6 = arith.constant 0 : i32
      %cond3A_7 = arith.cmpi ne, %convert_element_type3A_5, %cond3A_6 : i32
      scf.if %cond3A_7 {
        "tpu.region"() ({
          %run_scoped3A = tpu.sem_alloc : memref<!tpu.dma_semaphore, #tpu.memory_space<semaphore_mem>>
          tpu.enqueue_dma source(%arg7 : memref<10112xf32, #tpu.memory_space<hbm>>) target(%arg17 : memref<10112xf32, #tpu.memory_space<vmem_shared>>) target_semaphore(%run_scoped3A : memref<!tpu.dma_semaphore, #tpu.memory_space<semaphore_mem>>)
          tpu.wait_dma2 semaphore(%run_scoped3A : memref<!tpu.dma_semaphore, #tpu.memory_space<semaphore_mem>>) src(%arg7 : memref<10112xf32, #tpu.memory_space<hbm>>) dst(%arg17 : memref<10112xf32, #tpu.memory_space<vmem_shared>>)
          tpu.yield
        }) : () -> ()
      } else {
      }
      %barrier3A = arith.constant 0 : index
      tpu.barrier barrier_id(%barrier3A)
      %get3A = arith.constant 0 : index
      %get3A_8 = tpu.vector_load %arg12[%get3A] {strides = array<i32>} : memref<16xf32, #tpu.memory_space<vmem>>, vector<16xf32>,
      %scan3A = arith.constant 0 : i32
      %scan3A_9 = arith.constant 0 : i32
      %scan3A_10 = arith.constant 21 : i32
      %scan3A_11 = arith.addi %scan3A_9, %scan3A_10 : i32
      %scan3A_12 = arith.constant 1 : i32
      scf.for %scan3A_20 = %scan3A_9 to %scan3A_11 step %scan3A_12  : i32 {
        %mul3A_21 = arith.constant 8 : i32
        %mul3A_22 = arith.muli %scan3A_20, %mul3A_21 : i32
        %add3A = arith.addi %mul3A_2, %mul3A_22 : i32
        "tpu.region"() ({
          %run_scoped3A = tpu.sem_alloc : memref<!tpu.dma_semaphore, #tpu.memory_space<semaphore_mem>>
          %dma_start3A = arith.constant 0 : i32
          %dma_start3A_32 = tpu.memref_slice %arg2[%add3A, %dma_start3A] : memref<2688x128xi32, #tpu.memory_space<hbm>> -> memref<8x128xi32, #tpu.memory_space<hbm>>
          %dma_start3A_33 = arith.constant 0 : i32
          %dma_start3A_34 = tpu.memref_slice %arg2[%add3A, %dma_start3A_33] : memref<2688x128xi32, #tpu.memory_space<hbm>> -> memref<8x128xi32, #tpu.memory_space<hbm>>
          tpu.enqueue_dma source(%dma_start3A_34 : memref<8x128xi32, #tpu.memory_space<hbm>>) target(%arg13 : memref<8x128xi32, #tpu.memory_space<vmem>>) target_semaphore(%run_scoped3A : memref<!tpu.dma_semaphore, #tpu.memory_space<semaphore_mem>>)
          %dma_wait3A = arith.constant 0 : i32
          %dma_wait3A_35 = tpu.memref_slice %arg2[%add3A, %dma_wait3A] : memref<2688x128xi32, #tpu.memory_space<hbm>> -> memref<8x128xi32, #tpu.memory_space<hbm>>
          %dma_wait3A_36 = arith.constant 0 : i32
          %dma_wait3A_37 = tpu.memref_slice %arg2[%add3A, %dma_wait3A_36] : memref<2688x128xi32, #tpu.memory_space<hbm>> -> memref<8x128xi32, #tpu.memory_space<hbm>>
          tpu.wait_dma2 semaphore(%run_scoped3A : memref<!tpu.dma_semaphore, #tpu.memory_space<semaphore_mem>>) src(%dma_wait3A_37 : memref<8x128xi32, #tpu.memory_space<hbm>>) dst(%arg13 : memref<8x128xi32, #tpu.memory_space<vmem>>)
          tpu.yield
        }) : () -> ()
        %mul3A_23 = arith.constant 8 : i32
        %mul3A_24 = arith.muli %scan3A_20, %mul3A_23 : i32
        %add3A_25 = arith.addi %mul3A_2, %mul3A_24 : i32
        "tpu.region"() ({
          %run_scoped3A = tpu.sem_alloc : memref<!tpu.dma_semaphore, #tpu.memory_space<semaphore_mem>>
          %dma_start3A = arith.constant 0 : i32
          %dma_start3A_32 = tpu.memref_slice %arg3[%add3A_25, %dma_start3A] : memref<2688x128xi32, #tpu.memory_space<hbm>> -> memref<8x128xi32, #tpu.memory_space<hbm>>
          %dma_start3A_33 = arith.constant 0 : i32
          %dma_start3A_34 = tpu.memref_slice %arg3[%add3A_25, %dma_start3A_33] : memref<2688x128xi32, #tpu.memory_space<hbm>> -> memref<8x128xi32, #tpu.memory_space<hbm>>
          tpu.enqueue_dma source(%dma_start3A_34 : memref<8x128xi32, #tpu.memory_space<hbm>>) target(%arg14 : memref<8x128xi32, #tpu.memory_space<vmem>>) target_semaphore(%run_scoped3A : memref<!tpu.dma_semaphore, #tpu.memory_space<semaphore_mem>>)
          %dma_wait3A = arith.constant 0 : i32
          %dma_wait3A_35 = tpu.memref_slice %arg3[%add3A_25, %dma_wait3A] : memref<2688x128xi32, #tpu.memory_space<hbm>> -> memref<8x128xi32, #tpu.memory_space<hbm>>
          %dma_wait3A_36 = arith.constant 0 : i32
          %dma_wait3A_37 = tpu.memref_slice %arg3[%add3A_25, %dma_wait3A_36] : memref<2688x128xi32, #tpu.memory_space<hbm>> -> memref<8x128xi32, #tpu.memory_space<hbm>>
          tpu.wait_dma2 semaphore(%run_scoped3A : memref<!tpu.dma_semaphore, #tpu.memory_space<semaphore_mem>>) src(%dma_wait3A_37 : memref<8x128xi32, #tpu.memory_space<hbm>>) dst(%arg14 : memref<8x128xi32, #tpu.memory_space<vmem>>)
          tpu.yield
        }) : () -> ()
        %scan3A_26 = arith.constant 0 : i32
        %scan3A_27 = arith.constant 0 : i32
        %scan3A_28 = arith.constant 8 : i32
        %scan3A_29 = arith.addi %scan3A_27, %scan3A_28 : i32
        %scan3A_30 = arith.constant 1 : i32
        scf.for %scan3A_32 = %scan3A_27 to %scan3A_29 step %scan3A_30  : i32 {
          %get3A_33 = arith.index_cast %scan3A_32 : i32 to index
          %get3A_34 = arith.constant 0 : index
          %get3A_35 = tpu.vector_load %arg13[%get3A_33, %get3A_34] {strides = array<i32>} : memref<8x128xi32, #tpu.memory_space<vmem>>, vector<16xi32>,
          %get3A_36 = arith.index_cast %scan3A_32 : i32 to index
          %get3A_37 = arith.constant 0 : index
          %get3A_38 = tpu.vector_load %arg14[%get3A_36, %get3A_37] {strides = array<i32>} : memref<8x128xi32, #tpu.memory_space<vmem>>, vector<16xi32>,
          %gather3A = tpu.vector_load_idx %arg10[%get3A_35] : memref<10112xf32, #tpu.memory_space<vmem>>[vector<16xi32>], vector<16xf32>,
          %gather3A_39 = tpu.vector_load_idx %arg11[%get3A_38] : memref<10112xf32, #tpu.memory_space<vmem>>[vector<16xi32>], vector<16xf32>,
          %add3A_40 = arith.addf %gather3A, %gather3A_39 : vector<16xf32>
          %gt3A = arith.constant 0.000000e+00 : f32
          %gt3A_41 = vector.broadcast %gt3A : f32 to vector<16xf32>
          %gt3A_42 = arith.cmpf ogt, %add3A_40, %gt3A_41 : vector<16xf32>
          %mul3A_43 = arith.constant 2.000000e-01 : f32
          %mul3A_44 = vector.broadcast %mul3A_43 : f32 to vector<16xf32>
          %mul3A_45 = arith.mulf %mul3A_44, %add3A_40 : vector<16xf32>
          %select_n3A = arith.select %gt3A_42, %add3A_40, %mul3A_45 : vector<16xi1>, vector<16xf32>
          %sub3A = arith.subf %select_n3A, %get3A_8 : vector<16xf32>
          %exp3A = math.exp %sub3A : vector<16xf32>
          %swap3A = arith.constant 0 : index
          %swap3A_46 = tpu.vector_load %arg15[%swap3A] {strides = array<i32>} : memref<128xf32, #tpu.memory_space<vmem>>, vector<16xf32>,
          tpu.vector_store %arg15[%swap3A], %exp3A {strides = array<i32>} : memref<128xf32, #tpu.memory_space<vmem>>, vector<16xf32>,
          %mul3A_47 = arith.constant 8 : i32
          %mul3A_48 = arith.muli %scan3A_20, %mul3A_47 : i32
          %add3A_49 = arith.addi %mul3A_48, %scan3A_32 : i32
          %swap3A_50 = arith.index_cast %add3A_49 : i32 to index
          %swap3A_51 = arith.constant 0 : index
          %swap3A_52 = tpu.vector_load %arg16[%swap3A_50, %swap3A_51] {strides = array<i32>} : memref<168x128xf32, #tpu.memory_space<vmem>>, vector<16xf32>,
          tpu.vector_store %arg16[%swap3A_50, %swap3A_51], %exp3A {strides = array<i32>} : memref<168x128xf32, #tpu.memory_space<vmem>>, vector<16xf32>,
          %get3A_53 = arith.index_cast %scan3A_32 : i32 to index
          %get3A_54 = arith.constant 16 : index
          %get3A_55 = tpu.vector_load %arg13[%get3A_53, %get3A_54] {strides = array<i32>} : memref<8x128xi32, #tpu.memory_space<vmem>>, vector<16xi32>,
          %get3A_56 = arith.index_cast %scan3A_32 : i32 to index
          %get3A_57 = arith.constant 16 : index
          %get3A_58 = tpu.vector_load %arg14[%get3A_56, %get3A_57] {strides = array<i32>} : memref<8x128xi32, #tpu.memory_space<vmem>>, vector<16xi32>,
          %gather3A_59 = tpu.vector_load_idx %arg10[%get3A_55] : memref<10112xf32, #tpu.memory_space<vmem>>[vector<16xi32>], vector<16xf32>,
          %gather3A_60 = tpu.vector_load_idx %arg11[%get3A_58] : memref<10112xf32, #tpu.memory_space<vmem>>[vector<16xi32>], vector<16xf32>,
          %add3A_61 = arith.addf %gather3A_59, %gather3A_60 : vector<16xf32>
          %gt3A_62 = arith.constant 0.000000e+00 : f32
          %gt3A_63 = vector.broadcast %gt3A_62 : f32 to vector<16xf32>
          %gt3A_64 = arith.cmpf ogt, %add3A_61, %gt3A_63 : vector<16xf32>
          %mul3A_65 = arith.constant 2.000000e-01 : f32
          %mul3A_66 = vector.broadcast %mul3A_65 : f32 to vector<16xf32>
          %mul3A_67 = arith.mulf %mul3A_66, %add3A_61 : vector<16xf32>
          %select_n3A_68 = arith.select %gt3A_64, %add3A_61, %mul3A_67 : vector<16xi1>, vector<16xf32>
          %sub3A_69 = arith.subf %select_n3A_68, %get3A_8 : vector<16xf32>
          %exp3A_70 = math.exp %sub3A_69 : vector<16xf32>
          %swap3A_71 = arith.constant 16 : index
          %swap3A_72 = tpu.vector_load %arg15[%swap3A_71] {strides = array<i32>} : memref<128xf32, #tpu.memory_space<vmem>>, vector<16xf32>,
          tpu.vector_store %arg15[%swap3A_71], %exp3A_70 {strides = array<i32>} : memref<128xf32, #tpu.memory_space<vmem>>, vector<16xf32>,
          %mul3A_73 = arith.constant 8 : i32
          %mul3A_74 = arith.muli %scan3A_20, %mul3A_73 : i32
          %add3A_75 = arith.addi %mul3A_74, %scan3A_32 : i32
          %swap3A_76 = arith.index_cast %add3A_75 : i32 to index
          %swap3A_77 = arith.constant 16 : index
          %swap3A_78 = tpu.vector_load %arg16[%swap3A_76, %swap3A_77] {strides = array<i32>} : memref<168x128xf32, #tpu.memory_space<vmem>>, vector<16xf32>,
          tpu.vector_store %arg16[%swap3A_76, %swap3A_77], %exp3A_70 {strides = array<i32>} : memref<168x128xf32, #tpu.memory_space<vmem>>, vector<16xf32>,
          %get3A_79 = arith.index_cast %scan3A_32 : i32 to index
          %get3A_80 = arith.constant 32 : index
          %get3A_81 = tpu.vector_load %arg13[%get3A_79, %get3A_80] {strides = array<i32>} : memref<8x128xi32, #tpu.memory_space<vmem>>, vector<16xi32>,
          %get3A_82 = arith.index_cast %scan3A_32 : i32 to index
          %get3A_83 = arith.constant 32 : index
          %get3A_84 = tpu.vector_load %arg14[%get3A_82, %get3A_83] {strides = array<i32>} : memref<8x128xi32, #tpu.memory_space<vmem>>, vector<16xi32>,
          %gather3A_85 = tpu.vector_load_idx %arg10[%get3A_81] : memref<10112xf32, #tpu.memory_space<vmem>>[vector<16xi32>], vector<16xf32>,
          %gather3A_86 = tpu.vector_load_idx %arg11[%get3A_84] : memref<10112xf32, #tpu.memory_space<vmem>>[vector<16xi32>], vector<16xf32>,
          %add3A_87 = arith.addf %gather3A_85, %gather3A_86 : vector<16xf32>
          %gt3A_88 = arith.constant 0.000000e+00 : f32
          %gt3A_89 = vector.broadcast %gt3A_88 : f32 to vector<16xf32>
          %gt3A_90 = arith.cmpf ogt, %add3A_87, %gt3A_89 : vector<16xf32>
          %mul3A_91 = arith.constant 2.000000e-01 : f32
          %mul3A_92 = vector.broadcast %mul3A_91 : f32 to vector<16xf32>
          %mul3A_93 = arith.mulf %mul3A_92, %add3A_87 : vector<16xf32>
          %select_n3A_94 = arith.select %gt3A_90, %add3A_87, %mul3A_93 : vector<16xi1>, vector<16xf32>
          %sub3A_95 = arith.subf %select_n3A_94, %get3A_8 : vector<16xf32>
          %exp3A_96 = math.exp %sub3A_95 : vector<16xf32>
          %swap3A_97 = arith.constant 32 : index
          %swap3A_98 = tpu.vector_load %arg15[%swap3A_97] {strides = array<i32>} : memref<128xf32, #tpu.memory_space<vmem>>, vector<16xf32>,
          tpu.vector_store %arg15[%swap3A_97], %exp3A_96 {strides = array<i32>} : memref<128xf32, #tpu.memory_space<vmem>>, vector<16xf32>,
          %mul3A_99 = arith.constant 8 : i32
          %mul3A_100 = arith.muli %scan3A_20, %mul3A_99 : i32
          %add3A_101 = arith.addi %mul3A_100, %scan3A_32 : i32
          %swap3A_102 = arith.index_cast %add3A_101 : i32 to index
          %swap3A_103 = arith.constant 32 : index
          %swap3A_104 = tpu.vector_load %arg16[%swap3A_102, %swap3A_103] {strides = array<i32>} : memref<168x128xf32, #tpu.memory_space<vmem>>, vector<16xf32>,
          tpu.vector_store %arg16[%swap3A_102, %swap3A_103], %exp3A_96 {strides = array<i32>} : memref<168x128xf32, #tpu.memory_space<vmem>>, vector<16xf32>,
          %get3A_105 = arith.index_cast %scan3A_32 : i32 to index
          %get3A_106 = arith.constant 48 : index
          %get3A_107 = tpu.vector_load %arg13[%get3A_105, %get3A_106] {strides = array<i32>} : memref<8x128xi32, #tpu.memory_space<vmem>>, vector<16xi32>,
          %get3A_108 = arith.index_cast %scan3A_32 : i32 to index
          %get3A_109 = arith.constant 48 : index
          %get3A_110 = tpu.vector_load %arg14[%get3A_108, %get3A_109] {strides = array<i32>} : memref<8x128xi32, #tpu.memory_space<vmem>>, vector<16xi32>,
          %gather3A_111 = tpu.vector_load_idx %arg10[%get3A_107] : memref<10112xf32, #tpu.memory_space<vmem>>[vector<16xi32>], vector<16xf32>,
          %gather3A_112 = tpu.vector_load_idx %arg11[%get3A_110] : memref<10112xf32, #tpu.memory_space<vmem>>[vector<16xi32>], vector<16xf32>,
          %add3A_113 = arith.addf %gather3A_111, %gather3A_112 : vector<16xf32>
          %gt3A_114 = arith.constant 0.000000e+00 : f32
          %gt3A_115 = vector.broadcast %gt3A_114 : f32 to vector<16xf32>
          %gt3A_116 = arith.cmpf ogt, %add3A_113, %gt3A_115 : vector<16xf32>
          %mul3A_117 = arith.constant 2.000000e-01 : f32
          %mul3A_118 = vector.broadcast %mul3A_117 : f32 to vector<16xf32>
          %mul3A_119 = arith.mulf %mul3A_118, %add3A_113 : vector<16xf32>
          %select_n3A_120 = arith.select %gt3A_116, %add3A_113, %mul3A_119 : vector<16xi1>, vector<16xf32>
          %sub3A_121 = arith.subf %select_n3A_120, %get3A_8 : vector<16xf32>
          %exp3A_122 = math.exp %sub3A_121 : vector<16xf32>
          %swap3A_123 = arith.constant 48 : index
          %swap3A_124 = tpu.vector_load %arg15[%swap3A_123] {strides = array<i32>} : memref<128xf32, #tpu.memory_space<vmem>>, vector<16xf32>,
          tpu.vector_store %arg15[%swap3A_123], %exp3A_122 {strides = array<i32>} : memref<128xf32, #tpu.memory_space<vmem>>, vector<16xf32>,
          %mul3A_125 = arith.constant 8 : i32
          %mul3A_126 = arith.muli %scan3A_20, %mul3A_125 : i32
          %add3A_127 = arith.addi %mul3A_126, %scan3A_32 : i32
          %swap3A_128 = arith.index_cast %add3A_127 : i32 to index
          %swap3A_129 = arith.constant 48 : index
          %swap3A_130 = tpu.vector_load %arg16[%swap3A_128, %swap3A_129] {strides = array<i32>} : memref<168x128xf32, #tpu.memory_space<vmem>>, vector<16xf32>,
          tpu.vector_store %arg16[%swap3A_128, %swap3A_129], %exp3A_122 {strides = array<i32>} : memref<168x128xf32, #tpu.memory_space<vmem>>, vector<16xf32>,
          %get3A_131 = arith.index_cast %scan3A_32 : i32 to index
          %get3A_132 = arith.constant 64 : index
          %get3A_133 = tpu.vector_load %arg13[%get3A_131, %get3A_132] {strides = array<i32>} : memref<8x128xi32, #tpu.memory_space<vmem>>, vector<16xi32>,
          %get3A_134 = arith.index_cast %scan3A_32 : i32 to index
          %get3A_135 = arith.constant 64 : index
          %get3A_136 = tpu.vector_load %arg14[%get3A_134, %get3A_135] {strides = array<i32>} : memref<8x128xi32, #tpu.memory_space<vmem>>, vector<16xi32>,
          %gather3A_137 = tpu.vector_load_idx %arg10[%get3A_133] : memref<10112xf32, #tpu.memory_space<vmem>>[vector<16xi32>], vector<16xf32>,
          %gather3A_138 = tpu.vector_load_idx %arg11[%get3A_136] : memref<10112xf32, #tpu.memory_space<vmem>>[vector<16xi32>], vector<16xf32>,
          %add3A_139 = arith.addf %gather3A_137, %gather3A_138 : vector<16xf32>
          %gt3A_140 = arith.constant 0.000000e+00 : f32
          %gt3A_141 = vector.broadcast %gt3A_140 : f32 to vector<16xf32>
          %gt3A_142 = arith.cmpf ogt, %add3A_139, %gt3A_141 : vector<16xf32>
          %mul3A_143 = arith.constant 2.000000e-01 : f32
          %mul3A_144 = vector.broadcast %mul3A_143 : f32 to vector<16xf32>
          %mul3A_145 = arith.mulf %mul3A_144, %add3A_139 : vector<16xf32>
          %select_n3A_146 = arith.select %gt3A_142, %add3A_139, %mul3A_145 : vector<16xi1>, vector<16xf32>
          %sub3A_147 = arith.subf %select_n3A_146, %get3A_8 : vector<16xf32>
          %exp3A_148 = math.exp %sub3A_147 : vector<16xf32>
          %swap3A_149 = arith.constant 64 : index
          %swap3A_150 = tpu.vector_load %arg15[%swap3A_149] {strides = array<i32>} : memref<128xf32, #tpu.memory_space<vmem>>, vector<16xf32>,
          tpu.vector_store %arg15[%swap3A_149], %exp3A_148 {strides = array<i32>} : memref<128xf32, #tpu.memory_space<vmem>>, vector<16xf32>,
          %mul3A_151 = arith.constant 8 : i32
          %mul3A_152 = arith.muli %scan3A_20, %mul3A_151 : i32
          %add3A_153 = arith.addi %mul3A_152, %scan3A_32 : i32
          %swap3A_154 = arith.index_cast %add3A_153 : i32 to index
          %swap3A_155 = arith.constant 64 : index
          %swap3A_156 = tpu.vector_load %arg16[%swap3A_154, %swap3A_155] {strides = array<i32>} : memref<168x128xf32, #tpu.memory_space<vmem>>, vector<16xf32>,
          tpu.vector_store %arg16[%swap3A_154, %swap3A_155], %exp3A_148 {strides = array<i32>} : memref<168x128xf32, #tpu.memory_space<vmem>>, vector<16xf32>,
          %get3A_157 = arith.index_cast %scan3A_32 : i32 to index
          %get3A_158 = arith.constant 80 : index
          %get3A_159 = tpu.vector_load %arg13[%get3A_157, %get3A_158] {strides = array<i32>} : memref<8x128xi32, #tpu.memory_space<vmem>>, vector<16xi32>,
          %get3A_160 = arith.index_cast %scan3A_32 : i32 to index
          %get3A_161 = arith.constant 80 : index
          %get3A_162 = tpu.vector_load %arg14[%get3A_160, %get3A_161] {strides = array<i32>} : memref<8x128xi32, #tpu.memory_space<vmem>>, vector<16xi32>,
          %gather3A_163 = tpu.vector_load_idx %arg10[%get3A_159] : memref<10112xf32, #tpu.memory_space<vmem>>[vector<16xi32>], vector<16xf32>,
          %gather3A_164 = tpu.vector_load_idx %arg11[%get3A_162] : memref<10112xf32, #tpu.memory_space<vmem>>[vector<16xi32>], vector<16xf32>,
          %add3A_165 = arith.addf %gather3A_163, %gather3A_164 : vector<16xf32>
          %gt3A_166 = arith.constant 0.000000e+00 : f32
          %gt3A_167 = vector.broadcast %gt3A_166 : f32 to vector<16xf32>
          %gt3A_168 = arith.cmpf ogt, %add3A_165, %gt3A_167 : vector<16xf32>
          %mul3A_169 = arith.constant 2.000000e-01 : f32
          %mul3A_170 = vector.broadcast %mul3A_169 : f32 to vector<16xf32>
          %mul3A_171 = arith.mulf %mul3A_170, %add3A_165 : vector<16xf32>
          %select_n3A_172 = arith.select %gt3A_168, %add3A_165, %mul3A_171 : vector<16xi1>, vector<16xf32>
          %sub3A_173 = arith.subf %select_n3A_172, %get3A_8 : vector<16xf32>
          %exp3A_174 = math.exp %sub3A_173 : vector<16xf32>
          %swap3A_175 = arith.constant 80 : index
          %swap3A_176 = tpu.vector_load %arg15[%swap3A_175] {strides = array<i32>} : memref<128xf32, #tpu.memory_space<vmem>>, vector<16xf32>,
          tpu.vector_store %arg15[%swap3A_175], %exp3A_174 {strides = array<i32>} : memref<128xf32, #tpu.memory_space<vmem>>, vector<16xf32>,
          %mul3A_177 = arith.constant 8 : i32
          %mul3A_178 = arith.muli %scan3A_20, %mul3A_177 : i32
          %add3A_179 = arith.addi %mul3A_178, %scan3A_32 : i32
          %swap3A_180 = arith.index_cast %add3A_179 : i32 to index
          %swap3A_181 = arith.constant 80 : index
          %swap3A_182 = tpu.vector_load %arg16[%swap3A_180, %swap3A_181] {strides = array<i32>} : memref<168x128xf32, #tpu.memory_space<vmem>>, vector<16xf32>,
          tpu.vector_store %arg16[%swap3A_180, %swap3A_181], %exp3A_174 {strides = array<i32>} : memref<168x128xf32, #tpu.memory_space<vmem>>, vector<16xf32>,
          %get3A_183 = arith.index_cast %scan3A_32 : i32 to index
          %get3A_184 = arith.constant 96 : index
          %get3A_185 = tpu.vector_load %arg13[%get3A_183, %get3A_184] {strides = array<i32>} : memref<8x128xi32, #tpu.memory_space<vmem>>, vector<16xi32>,
          %get3A_186 = arith.index_cast %scan3A_32 : i32 to index
          %get3A_187 = arith.constant 96 : index
          %get3A_188 = tpu.vector_load %arg14[%get3A_186, %get3A_187] {strides = array<i32>} : memref<8x128xi32, #tpu.memory_space<vmem>>, vector<16xi32>,
          %gather3A_189 = tpu.vector_load_idx %arg10[%get3A_185] : memref<10112xf32, #tpu.memory_space<vmem>>[vector<16xi32>], vector<16xf32>,
          %gather3A_190 = tpu.vector_load_idx %arg11[%get3A_188] : memref<10112xf32, #tpu.memory_space<vmem>>[vector<16xi32>], vector<16xf32>,
          %add3A_191 = arith.addf %gather3A_189, %gather3A_190 : vector<16xf32>
          %gt3A_192 = arith.constant 0.000000e+00 : f32
          %gt3A_193 = vector.broadcast %gt3A_192 : f32 to vector<16xf32>
          %gt3A_194 = arith.cmpf ogt, %add3A_191, %gt3A_193 : vector<16xf32>
          %mul3A_195 = arith.constant 2.000000e-01 : f32
          %mul3A_196 = vector.broadcast %mul3A_195 : f32 to vector<16xf32>
          %mul3A_197 = arith.mulf %mul3A_196, %add3A_191 : vector<16xf32>
          %select_n3A_198 = arith.select %gt3A_194, %add3A_191, %mul3A_197 : vector<16xi1>, vector<16xf32>
          %sub3A_199 = arith.subf %select_n3A_198, %get3A_8 : vector<16xf32>
          %exp3A_200 = math.exp %sub3A_199 : vector<16xf32>
          %swap3A_201 = arith.constant 96 : index
          %swap3A_202 = tpu.vector_load %arg15[%swap3A_201] {strides = array<i32>} : memref<128xf32, #tpu.memory_space<vmem>>, vector<16xf32>,
          tpu.vector_store %arg15[%swap3A_201], %exp3A_200 {strides = array<i32>} : memref<128xf32, #tpu.memory_space<vmem>>, vector<16xf32>,
          %mul3A_203 = arith.constant 8 : i32
          %mul3A_204 = arith.muli %scan3A_20, %mul3A_203 : i32
          %add3A_205 = arith.addi %mul3A_204, %scan3A_32 : i32
          %swap3A_206 = arith.index_cast %add3A_205 : i32 to index
          %swap3A_207 = arith.constant 96 : index
          %swap3A_208 = tpu.vector_load %arg16[%swap3A_206, %swap3A_207] {strides = array<i32>} : memref<168x128xf32, #tpu.memory_space<vmem>>, vector<16xf32>,
          tpu.vector_store %arg16[%swap3A_206, %swap3A_207], %exp3A_200 {strides = array<i32>} : memref<168x128xf32, #tpu.memory_space<vmem>>, vector<16xf32>,
          %get3A_209 = arith.index_cast %scan3A_32 : i32 to index
          %get3A_210 = arith.constant 112 : index
          %get3A_211 = tpu.vector_load %arg13[%get3A_209, %get3A_210] {strides = array<i32>} : memref<8x128xi32, #tpu.memory_space<vmem>>, vector<16xi32>,
          %get3A_212 = arith.index_cast %scan3A_32 : i32 to index
          %get3A_213 = arith.constant 112 : index
          %get3A_214 = tpu.vector_load %arg14[%get3A_212, %get3A_213] {strides = array<i32>} : memref<8x128xi32, #tpu.memory_space<vmem>>, vector<16xi32>,
          %gather3A_215 = tpu.vector_load_idx %arg10[%get3A_211] : memref<10112xf32, #tpu.memory_space<vmem>>[vector<16xi32>], vector<16xf32>,
          %gather3A_216 = tpu.vector_load_idx %arg11[%get3A_214] : memref<10112xf32, #tpu.memory_space<vmem>>[vector<16xi32>], vector<16xf32>,
          %add3A_217 = arith.addf %gather3A_215, %gather3A_216 : vector<16xf32>
          %gt3A_218 = arith.constant 0.000000e+00 : f32
          %gt3A_219 = vector.broadcast %gt3A_218 : f32 to vector<16xf32>
          %gt3A_220 = arith.cmpf ogt, %add3A_217, %gt3A_219 : vector<16xf32>
          %mul3A_221 = arith.constant 2.000000e-01 : f32
          %mul3A_222 = vector.broadcast %mul3A_221 : f32 to vector<16xf32>
          %mul3A_223 = arith.mulf %mul3A_222, %add3A_217 : vector<16xf32>
          %select_n3A_224 = arith.select %gt3A_220, %add3A_217, %mul3A_223 : vector<16xi1>, vector<16xf32>
          %sub3A_225 = arith.subf %select_n3A_224, %get3A_8 : vector<16xf32>
          %exp3A_226 = math.exp %sub3A_225 : vector<16xf32>
          %swap3A_227 = arith.constant 112 : index
          %swap3A_228 = tpu.vector_load %arg15[%swap3A_227] {strides = array<i32>} : memref<128xf32, #tpu.memory_space<vmem>>, vector<16xf32>,
          tpu.vector_store %arg15[%swap3A_227], %exp3A_226 {strides = array<i32>} : memref<128xf32, #tpu.memory_space<vmem>>, vector<16xf32>,
          %mul3A_229 = arith.constant 8 : i32
          %mul3A_230 = arith.muli %scan3A_20, %mul3A_229 : i32
          %add3A_231 = arith.addi %mul3A_230, %scan3A_32 : i32
          %swap3A_232 = arith.index_cast %add3A_231 : i32 to index
          %swap3A_233 = arith.constant 112 : index
          %swap3A_234 = tpu.vector_load %arg16[%swap3A_232, %swap3A_233] {strides = array<i32>} : memref<168x128xf32, #tpu.memory_space<vmem>>, vector<16xf32>,
          tpu.vector_store %arg16[%swap3A_232, %swap3A_233], %exp3A_226 {strides = array<i32>} : memref<168x128xf32, #tpu.memory_space<vmem>>, vector<16xf32>,
          "tpu.region"() ({
            %run_scoped3A = tpu.sem_alloc : memref<!tpu.dma_semaphore, #tpu.memory_space<semaphore_mem>>
            %dma_start3A = arith.constant 0 : i32
            %dma_start3A_235 = tpu.memref_slice %arg14[%scan3A_32, %dma_start3A] : memref<8x128xi32, #tpu.memory_space<vmem>> -> memref<1x128xi32, #tpu.memory_space<vmem>>
            %dma_start3A_236 = tpu.memref_squeeze %dma_start3A_235 : memref<1x128xi32, #tpu.memory_space<vmem>> -> memref<128xi32, #tpu.memory_space<vmem>>
            %dma_start3A_237 = arith.constant 0 : i32
            %dma_start3A_238 = tpu.memref_slice %arg17[%dma_start3A_237] : memref<10112xf32, #tpu.memory_space<vmem_shared>> -> memref<10112xf32, #tpu.memory_space<vmem_shared>>
            tpu.enqueue_indirect_dma source(%arg15 : memref<128xf32, #tpu.memory_space<vmem>>) target(%dma_start3A_238 : memref<10112xf32, #tpu.memory_space<vmem_shared>>) offsets(%dma_start3A_236 : memref<128xi32, #tpu.memory_space<vmem>>) semaphore(%run_scoped3A : memref<!tpu.dma_semaphore, #tpu.memory_space<semaphore_mem>>) {add = true}
            %dma_wait3A = arith.constant 0 : i32
            %dma_wait3A_239 = tpu.memref_slice %arg14[%scan3A_32, %dma_wait3A] : memref<8x128xi32, #tpu.memory_space<vmem>> -> memref<1x128xi32, #tpu.memory_space<vmem>>
            %dma_wait3A_240 = tpu.memref_squeeze %dma_wait3A_239 : memref<1x128xi32, #tpu.memory_space<vmem>> -> memref<128xi32, #tpu.memory_space<vmem>>
            %dma_wait3A_241 = arith.constant 0 : i32
            %dma_wait3A_242 = tpu.memref_slice %arg17[%dma_wait3A_241] : memref<10112xf32, #tpu.memory_space<vmem_shared>> -> memref<10112xf32, #tpu.memory_space<vmem_shared>>
            tpu.wait_indirect_dma semaphore(%run_scoped3A : memref<!tpu.dma_semaphore, #tpu.memory_space<semaphore_mem>>) src(%arg15 : memref<128xf32, #tpu.memory_space<vmem>>) dst(%dma_wait3A_242 : memref<10112xf32, #tpu.memory_space<vmem_shared>>)
            tpu.yield
          }) : () -> ()
        }
        %scan3A_31 = arith.constant 8 : i32
      }
      %scan3A_13 = arith.constant 21 : i32
      %barrier3A_14 = arith.constant 0 : index
      tpu.barrier barrier_id(%barrier3A_14)
      "tpu.region"() ({
        %run_scoped3A = tpu.sem_alloc : memref<!tpu.dma_semaphore, #tpu.memory_space<semaphore_mem>>
        %dma_start3A = arith.constant 0 : i32
        %dma_start3A_20 = tpu.memref_slice %arg8[%mul3A_2, %dma_start3A] : memref<2688x128xf32, #tpu.memory_space<hbm>> -> memref<168x128xf32, #tpu.memory_space<hbm>>
        %dma_start3A_21 = arith.constant 0 : i32
        %dma_start3A_22 = tpu.memref_slice %arg8[%mul3A_2, %dma_start3A_21] : memref<2688x128xf32, #tpu.memory_space<hbm>> -> memref<168x128xf32, #tpu.memory_space<hbm>>
        tpu.enqueue_dma source(%arg16 : memref<168x128xf32, #tpu.memory_space<vmem>>) target(%dma_start3A_22 : memref<168x128xf32, #tpu.memory_space<hbm>>) target_semaphore(%run_scoped3A : memref<!tpu.dma_semaphore, #tpu.memory_space<semaphore_mem>>)
        %dma_wait3A = arith.constant 0 : i32
        %dma_wait3A_23 = tpu.memref_slice %arg8[%mul3A_2, %dma_wait3A] : memref<2688x128xf32, #tpu.memory_space<hbm>> -> memref<168x128xf32, #tpu.memory_space<hbm>>
        %dma_wait3A_24 = arith.constant 0 : i32
        %dma_wait3A_25 = tpu.memref_slice %arg8[%mul3A_2, %dma_wait3A_24] : memref<2688x128xf32, #tpu.memory_space<hbm>> -> memref<168x128xf32, #tpu.memory_space<hbm>>
        tpu.wait_dma2 semaphore(%run_scoped3A : memref<!tpu.dma_semaphore, #tpu.memory_space<semaphore_mem>>) src(%arg16 : memref<168x128xf32, #tpu.memory_space<vmem>>) dst(%dma_wait3A_25 : memref<168x128xf32, #tpu.memory_space<hbm>>)
        tpu.yield
      }) : () -> ()
      %eq3A_15 = arith.constant 0 : i32
      %eq3A_16 = arith.cmpi eq, %arg1, %eq3A_15 : i32
      %convert_element_type3A_17 = arith.extui %eq3A_16 : i1 to i32
      %cond3A_18 = arith.constant 0 : i32
      %cond3A_19 = arith.cmpi ne, %convert_element_type3A_17, %cond3A_18 : i32
      scf.if %cond3A_19 {
        "tpu.region"() ({
          %run_scoped3A = tpu.sem_alloc : memref<!tpu.dma_semaphore, #tpu.memory_space<semaphore_mem>>
          tpu.enqueue_dma source(%arg17 : memref<10112xf32, #tpu.memory_space<vmem_shared>>) target(%arg9 : memref<10112xf32, #tpu.memory_space<hbm>>) target_semaphore(%run_scoped3A : memref<!tpu.dma_semaphore, #tpu.memory_space<semaphore_mem>>)
          tpu.wait_dma2 semaphore(%run_scoped3A : memref<!tpu.dma_semaphore, #tpu.memory_space<semaphore_mem>>) src(%arg17 : memref<10112xf32, #tpu.memory_space<vmem_shared>>) dst(%arg9 : memref<10112xf32, #tpu.memory_space<hbm>>)
          tpu.yield
        }) : () -> ()
      } else {
      }
    } else {
    }
    return
  }
}

module attributes {stable_mosaic.version = 14 : i64} {
  func.func @_k1_body(%arg0: i32, %arg1: memref<1000x128xf32, #tpu.memory_space<vmem>>, %arg2: memref<128x256xf32, #tpu.memory_space<vmem>>, %arg3: memref<1x256xf32, #tpu.memory_space<vmem>>, %arg4: memref<1x256xf32, #tpu.memory_space<vmem>>, %arg5: memref<1000x256xf32, #tpu.memory_space<vmem>>, %arg6: memref<1000x1xf32, #tpu.memory_space<vmem>>, %arg7: memref<1000x1xf32, #tpu.memory_space<vmem>>, %arg8: memref<1x1xf32, #tpu.memory_space<vmem>>, %arg9: memref<1x1xf32, #tpu.memory_space<smem>>, %arg10: memref<1x1xf32, #tpu.memory_space<smem>>) attributes {dimension_semantics = [#tpu.dimension_semantics<arbitrary>], iteration_bounds = array<i64: 10>, scalar_prefetch = 0 : i64, scratch_operands = 2 : i64, tpu.core_type = #tpu.core_type<tc>, window_params = [{transform_indices = @transform_0, window_bounds = array<i64: 1000, 128>}, {pipeline_mode = #tpu.pipeline_mode<synchronous>, transform_indices = @transform_1, window_bounds = array<i64: 128, 256>}, {pipeline_mode = #tpu.pipeline_mode<synchronous>, transform_indices = @transform_2, window_bounds = array<i64: 1, 256>}, {pipeline_mode = #tpu.pipeline_mode<synchronous>, transform_indices = @transform_3, window_bounds = array<i64: 1, 256>}, {transform_indices = @transform_4, window_bounds = array<i64: 1000, 256>}, {transform_indices = @transform_5, window_bounds = array<i64: 1000, 1>}, {transform_indices = @transform_6, window_bounds = array<i64: 1000, 1>}, {pipeline_mode = #tpu.pipeline_mode<synchronous>, transform_indices = @transform_7, window_bounds = array<i64: 1, 1>}]} {
    %get3A = arith.constant 0 : index
    %get3A_0 = arith.constant 0 : index
    %get3A_1 = vector.load %arg1[%get3A, %get3A_0] : memref<1000x128xf32, #tpu.memory_space<vmem>>, vector<1000x128xf32>
    %get3A_2 = arith.constant 0 : index
    %get3A_3 = arith.constant 0 : index
    %get3A_4 = vector.load %arg2[%get3A_2, %get3A_3] : memref<128x256xf32, #tpu.memory_space<vmem>>, vector<128x256xf32>
    %dot_general3A = arith.constant dense<0.000000e+00> : vector<1000x256xf32>
    %dot_general3A_5 = tpu.matmul %get3A_1, %get3A_4, %dot_general3A {dimension_numbers = #tpu.dot_dimension_numbers<[1], [0], [0], [1], [0, 0, 1, 1], [], []>, transpose_lhs_hint = false} : vector<1000x128xf32>, vector<128x256xf32>, vector<1000x256xf32> -> vector<1000x256xf32>
    %swap3A = arith.constant 0 : index
    %swap3A_6 = arith.constant 0 : index
    %swap3A_7 = vector.load %arg5[%swap3A, %swap3A_6] : memref<1000x256xf32, #tpu.memory_space<vmem>>, vector<1000x256xf32>
    tpu.vector_store %arg5[%swap3A, %swap3A_6], %dot_general3A_5 {strides = array<i32>} : memref<1000x256xf32, #tpu.memory_space<vmem>>, vector<1000x256xf32>,
    %get3A_8 = arith.constant 0 : index
    %get3A_9 = arith.constant 0 : index
    %get3A_10 = vector.load %arg3[%get3A_8, %get3A_9] : memref<1x256xf32, #tpu.memory_space<vmem>>, vector<1x256xf32>
    %mul3A = vector.broadcast %get3A_10 : vector<1x256xf32> to vector<1000x256xf32>
    %mul3A_11 = arith.mulf %dot_general3A_5, %mul3A : vector<1000x256xf32>
    %reduce_sum3A = arith.constant dense<0.000000e+00> : vector<1000xf32>
    %reduce_sum3A_12 = vector.multi_reduction <add>, %mul3A_11, %reduce_sum3A [1] : vector<1000x256xf32> to vector<1000xf32>
    %broadcast_in_dim3A = vector.shape_cast %reduce_sum3A_12 : vector<1000xf32> to vector<1000x1xf32>
    %get3A_13 = arith.constant 0 : index
    %get3A_14 = arith.constant 0 : index
    %get3A_15 = vector.load %arg4[%get3A_13, %get3A_14] : memref<1x256xf32, #tpu.memory_space<vmem>>, vector<1x256xf32>
    %mul3A_16 = vector.broadcast %get3A_15 : vector<1x256xf32> to vector<1000x256xf32>
    %mul3A_17 = arith.mulf %dot_general3A_5, %mul3A_16 : vector<1000x256xf32>
    %reduce_sum3A_18 = arith.constant dense<0.000000e+00> : vector<1000xf32>
    %reduce_sum3A_19 = vector.multi_reduction <add>, %mul3A_17, %reduce_sum3A_18 [1] : vector<1000x256xf32> to vector<1000xf32>
    %broadcast_in_dim3A_20 = vector.shape_cast %reduce_sum3A_19 : vector<1000xf32> to vector<1000x1xf32>
    %swap3A_21 = arith.constant 0 : index
    %swap3A_22 = arith.constant 0 : index
    %swap3A_23 = vector.load %arg6[%swap3A_21, %swap3A_22] : memref<1000x1xf32, #tpu.memory_space<vmem>>, vector<1000x1xf32>
    tpu.vector_store %arg6[%swap3A_21, %swap3A_22], %broadcast_in_dim3A {strides = array<i32>} : memref<1000x1xf32, #tpu.memory_space<vmem>>, vector<1000x1xf32>,
    %swap3A_24 = arith.constant 0 : index
    %swap3A_25 = arith.constant 0 : index
    %swap3A_26 = vector.load %arg7[%swap3A_24, %swap3A_25] : memref<1000x1xf32, #tpu.memory_space<vmem>>, vector<1000x1xf32>
    tpu.vector_store %arg7[%swap3A_24, %swap3A_25], %broadcast_in_dim3A_20 {strides = array<i32>} : memref<1000x1xf32, #tpu.memory_space<vmem>>, vector<1000x1xf32>,
    %reduce_max3A = vector.shape_cast %broadcast_in_dim3A : vector<1000x1xf32> to vector<1x1000x1xf32>
    %reduce_max3A_27 = arith.constant dense<0xFF800000> : vector<1xf32>
    %reduce_max3A_28 = vector.multi_reduction <maximumf>, %reduce_max3A, %reduce_max3A_27 [1, 2] : vector<1x1000x1xf32> to vector<1xf32>
    %reduce_max3A_29 = vector.shape_cast %reduce_max3A_28 : vector<1xf32> to vector<1x1x1xf32>
    %reduce_max3A_30 = vector.extract %reduce_max3A_29[0, 0, 0] : f32 from vector<1x1x1xf32>
    %reduce_max3A_31 = vector.shape_cast %broadcast_in_dim3A_20 : vector<1000x1xf32> to vector<1x1000x1xf32>
    %reduce_max3A_32 = arith.constant dense<0xFF800000> : vector<1xf32>
    %reduce_max3A_33 = vector.multi_reduction <maximumf>, %reduce_max3A_31, %reduce_max3A_32 [1, 2] : vector<1x1000x1xf32> to vector<1xf32>
    %reduce_max3A_34 = vector.shape_cast %reduce_max3A_33 : vector<1xf32> to vector<1x1x1xf32>
    %reduce_max3A_35 = vector.extract %reduce_max3A_34[0, 0, 0] : f32 from vector<1x1x1xf32>
    %eq3A = arith.constant 0 : i32
    %eq3A_36 = arith.cmpi eq, %arg0, %eq3A : i32
    %get3A_37 = arith.constant 0 : index
    %get3A_38 = arith.constant 0 : index
    %get3A_39 = memref.load %arg9[%get3A_37, %get3A_38] : memref<1x1xf32, #tpu.memory_space<smem>>
    %max3A = arith.maximumf %get3A_39, %reduce_max3A_30 : f32
    %select_n3A = arith.select %eq3A_36, %reduce_max3A_30, %max3A : f32
    %eq3A_40 = arith.constant 0 : i32
    %eq3A_41 = arith.cmpi eq, %arg0, %eq3A_40 : i32
    %get3A_42 = arith.constant 0 : index
    %get3A_43 = arith.constant 0 : index
    %get3A_44 = memref.load %arg10[%get3A_42, %get3A_43] : memref<1x1xf32, #tpu.memory_space<smem>>
    %max3A_45 = arith.maximumf %get3A_44, %reduce_max3A_35 : f32
    %select_n3A_46 = arith.select %eq3A_41, %reduce_max3A_35, %max3A_45 : f32
    %swap3A_47 = arith.constant 0 : index
    %swap3A_48 = arith.constant 0 : index
    %swap3A_49 = memref.load %arg9[%swap3A_47, %swap3A_48] : memref<1x1xf32, #tpu.memory_space<smem>>
    memref.store %select_n3A, %arg9[%swap3A_47, %swap3A_48] : memref<1x1xf32, #tpu.memory_space<smem>>
    %swap3A_50 = arith.constant 0 : index
    %swap3A_51 = arith.constant 0 : index
    %swap3A_52 = memref.load %arg10[%swap3A_50, %swap3A_51] : memref<1x1xf32, #tpu.memory_space<smem>>
    memref.store %select_n3A_46, %arg10[%swap3A_50, %swap3A_51] : memref<1x1xf32, #tpu.memory_space<smem>>
    %eq3A_53 = arith.constant 9 : i32
    %eq3A_54 = arith.cmpi eq, %arg0, %eq3A_53 : i32
    %convert_element_type3A = arith.extui %eq3A_54 : i1 to i32
    %cond3A = arith.constant 0 : i32
    %cond3A_55 = arith.cmpi ne, %convert_element_type3A, %cond3A : i32
    scf.if %cond3A_55 {
      %add3A = arith.addf %select_n3A, %select_n3A_46 : f32
      %max3A_56 = arith.constant 0.000000e+00 : f32
      %max3A_57 = arith.maximumf %add3A, %max3A_56 : f32
      %gt3A = arith.constant 0.000000e+00 : f32
      %gt3A_58 = arith.cmpf ogt, %max3A_57, %gt3A : f32
      %mul3A_59 = arith.constant 2.000000e-01 : f32
      %mul3A_60 = arith.mulf %mul3A_59, %max3A_57 : f32
      %select_n3A_61 = arith.select %gt3A_58, %max3A_57, %mul3A_60 : f32
      %reshape3A = vector.broadcast %select_n3A_61 : f32 to vector<1x1xf32>
      %swap3A_62 = arith.constant 0 : index
      %swap3A_63 = arith.constant 0 : index
      %swap3A_64 = vector.load %arg8[%swap3A_62, %swap3A_63] : memref<1x1xf32, #tpu.memory_space<vmem>>, vector<1x1xf32>
      tpu.vector_store %arg8[%swap3A_62, %swap3A_63], %reshape3A {strides = array<i32>} : memref<1x1xf32, #tpu.memory_space<vmem>>, vector<1x1xf32>,
    } else {
    }
    return
  }
  func.func @transform_0(%arg0: i32) -> (i32, i32) {
    %c0_i32 = arith.constant 0 : i32
    %c0_i32_0 = arith.constant 0 : i32
    return %arg0, %c0_i32 : i32, i32
  }
  func.func @transform_1(%arg0: i32) -> (i32, i32) {
    %c0_i32 = arith.constant 0 : i32
    %c0_i32_0 = arith.constant 0 : i32
    %c0_i32_1 = arith.constant 0 : i32
    return %c0_i32, %c0_i32_0 : i32, i32
  }
  func.func @transform_2(%arg0: i32) -> (i32, i32) {
    %c0_i32 = arith.constant 0 : i32
    %c0_i32_0 = arith.constant 0 : i32
    %c0_i32_1 = arith.constant 0 : i32
    return %c0_i32, %c0_i32_0 : i32, i32
  }
  func.func @transform_3(%arg0: i32) -> (i32, i32) {
    %c0_i32 = arith.constant 0 : i32
    %c0_i32_0 = arith.constant 0 : i32
    %c0_i32_1 = arith.constant 0 : i32
    return %c0_i32, %c0_i32_0 : i32, i32
  }
  func.func @transform_4(%arg0: i32) -> (i32, i32) {
    %c0_i32 = arith.constant 0 : i32
    %c0_i32_0 = arith.constant 0 : i32
    return %arg0, %c0_i32 : i32, i32
  }
  func.func @transform_5(%arg0: i32) -> (i32, i32) {
    %c0_i32 = arith.constant 0 : i32
    %c0_i32_0 = arith.constant 0 : i32
    return %arg0, %c0_i32 : i32, i32
  }
  func.func @transform_6(%arg0: i32) -> (i32, i32) {
    %c0_i32 = arith.constant 0 : i32
    %c0_i32_0 = arith.constant 0 : i32
    return %arg0, %c0_i32 : i32, i32
  }
  func.func @transform_7(%arg0: i32) -> (i32, i32) {
    %c0_i32 = arith.constant 0 : i32
    %c0_i32_0 = arith.constant 0 : i32
    %c0_i32_1 = arith.constant 0 : i32
    return %c0_i32, %c0_i32_0 : i32, i32
  }
}

module attributes {stable_mosaic.version = 14 : i64} {
  func.func @_k2_body(%arg0: i32, %arg1: memref<1000x256xf32, #tpu.memory_space<vmem>>, %arg2: memref<1000x1xf32, #tpu.memory_space<vmem>>, %arg3: memref<1x256xf32, #tpu.memory_space<vmem>>, %arg4: memref<256x256xf32, #tpu.memory_space<vmem>>, %arg5: memref<1x256xf32, #tpu.memory_space<vmem>>, %arg6: memref<1x256xf32, #tpu.memory_space<vmem>>, %arg7: memref<1000x256xf32, #tpu.memory_space<vmem>>, %arg8: memref<1000x1xf32, #tpu.memory_space<vmem>>, %arg9: memref<1000x1xf32, #tpu.memory_space<vmem>>, %arg10: memref<1x1xf32, #tpu.memory_space<vmem>>, %arg11: memref<1x1xf32, #tpu.memory_space<smem>>, %arg12: memref<1x1xf32, #tpu.memory_space<smem>>) attributes {dimension_semantics = [#tpu.dimension_semantics<arbitrary>], iteration_bounds = array<i64: 10>, scalar_prefetch = 0 : i64, scratch_operands = 2 : i64, tpu.core_type = #tpu.core_type<tc>, window_params = [{transform_indices = @transform_0, window_bounds = array<i64: 1000, 256>}, {transform_indices = @transform_1, window_bounds = array<i64: 1000, 1>}, {pipeline_mode = #tpu.pipeline_mode<synchronous>, transform_indices = @transform_2, window_bounds = array<i64: 1, 256>}, {pipeline_mode = #tpu.pipeline_mode<synchronous>, transform_indices = @transform_3, window_bounds = array<i64: 256, 256>}, {pipeline_mode = #tpu.pipeline_mode<synchronous>, transform_indices = @transform_4, window_bounds = array<i64: 1, 256>}, {pipeline_mode = #tpu.pipeline_mode<synchronous>, transform_indices = @transform_5, window_bounds = array<i64: 1, 256>}, {transform_indices = @transform_6, window_bounds = array<i64: 1000, 256>}, {transform_indices = @transform_7, window_bounds = array<i64: 1000, 1>}, {transform_indices = @transform_8, window_bounds = array<i64: 1000, 1>}, {pipeline_mode = #tpu.pipeline_mode<synchronous>, transform_indices = @transform_9, window_bounds = array<i64: 1, 1>}]} {
    %get3A = arith.constant 0 : index
    %get3A_0 = arith.constant 0 : index
    %get3A_1 = vector.load %arg1[%get3A, %get3A_0] : memref<1000x256xf32, #tpu.memory_space<vmem>>, vector<1000x256xf32>
    %get3A_2 = arith.constant 0 : index
    %get3A_3 = arith.constant 0 : index
    %get3A_4 = vector.load %arg2[%get3A_2, %get3A_3] : memref<1000x1xf32, #tpu.memory_space<vmem>>, vector<1000x1xf32>
    %add3A = arith.constant 1.000000e-16 : f32
    %add3A_5 = vector.broadcast %add3A : f32 to vector<1000x1xf32>
    %add3A_6 = arith.addf %get3A_4, %add3A_5 : vector<1000x1xf32>
    %div3A = vector.broadcast %add3A_6 : vector<1000x1xf32> to vector<1000x256xf32>
    %div3A_7 = arith.divf %get3A_1, %div3A : vector<1000x256xf32>
    %get3A_8 = arith.constant 0 : index
    %get3A_9 = arith.constant 0 : index
    %get3A_10 = vector.load %arg3[%get3A_8, %get3A_9] : memref<1x256xf32, #tpu.memory_space<vmem>>, vector<1x256xf32>
    %add3A_11 = vector.broadcast %get3A_10 : vector<1x256xf32> to vector<1000x256xf32>
    %add3A_12 = arith.addf %div3A_7, %add3A_11 : vector<1000x256xf32>
    %gt3A = arith.constant 0.000000e+00 : f32
    %gt3A_13 = vector.broadcast %gt3A : f32 to vector<1000x256xf32>
    %gt3A_14 = arith.cmpf ogt, %add3A_12, %gt3A_13 : vector<1000x256xf32>
    %exp3A = math.exp %add3A_12 : vector<1000x256xf32>
    %sub3A = arith.constant 1.000000e+00 : f32
    %sub3A_15 = vector.broadcast %sub3A : f32 to vector<1000x256xf32>
    %sub3A_16 = arith.subf %exp3A, %sub3A_15 : vector<1000x256xf32>
    %mul3A = arith.constant 1.67326319 : f32
    %mul3A_17 = vector.broadcast %mul3A : f32 to vector<1000x256xf32>
    %mul3A_18 = arith.mulf %mul3A_17, %sub3A_16 : vector<1000x256xf32>
    %select_n3A = arith.select %gt3A_14, %add3A_12, %mul3A_18 : vector<1000x256xi1>, vector<1000x256xf32>
    %mul3A_19 = arith.constant 1.05070102 : f32
    %mul3A_20 = vector.broadcast %mul3A_19 : f32 to vector<1000x256xf32>
    %mul3A_21 = arith.mulf %mul3A_20, %select_n3A : vector<1000x256xf32>
    %get3A_22 = arith.constant 0 : index
    %get3A_23 = arith.constant 0 : index
    %get3A_24 = vector.load %arg4[%get3A_22, %get3A_23] : memref<256x256xf32, #tpu.memory_space<vmem>>, vector<256x256xf32>
    %dot_general3A = arith.constant dense<0.000000e+00> : vector<1000x256xf32>
    %dot_general3A_25 = tpu.matmul %mul3A_21, %get3A_24, %dot_general3A {dimension_numbers = #tpu.dot_dimension_numbers<[1], [0], [0], [1], [0, 0, 1, 1], [], []>, transpose_lhs_hint = false} : vector<1000x256xf32>, vector<256x256xf32>, vector<1000x256xf32> -> vector<1000x256xf32>
    %swap3A = arith.constant 0 : index
    %swap3A_26 = arith.constant 0 : index
    %swap3A_27 = vector.load %arg7[%swap3A, %swap3A_26] : memref<1000x256xf32, #tpu.memory_space<vmem>>, vector<1000x256xf32>
    tpu.vector_store %arg7[%swap3A, %swap3A_26], %dot_general3A_25 {strides = array<i32>} : memref<1000x256xf32, #tpu.memory_space<vmem>>, vector<1000x256xf32>,
    %get3A_28 = arith.constant 0 : index
    %get3A_29 = arith.constant 0 : index
    %get3A_30 = vector.load %arg5[%get3A_28, %get3A_29] : memref<1x256xf32, #tpu.memory_space<vmem>>, vector<1x256xf32>
    %mul3A_31 = vector.broadcast %get3A_30 : vector<1x256xf32> to vector<1000x256xf32>
    %mul3A_32 = arith.mulf %dot_general3A_25, %mul3A_31 : vector<1000x256xf32>
    %reduce_sum3A = arith.constant dense<0.000000e+00> : vector<1000xf32>
    %reduce_sum3A_33 = vector.multi_reduction <add>, %mul3A_32, %reduce_sum3A [1] : vector<1000x256xf32> to vector<1000xf32>
    %broadcast_in_dim3A = vector.shape_cast %reduce_sum3A_33 : vector<1000xf32> to vector<1000x1xf32>
    %get3A_34 = arith.constant 0 : index
    %get3A_35 = arith.constant 0 : index
    %get3A_36 = vector.load %arg6[%get3A_34, %get3A_35] : memref<1x256xf32, #tpu.memory_space<vmem>>, vector<1x256xf32>
    %mul3A_37 = vector.broadcast %get3A_36 : vector<1x256xf32> to vector<1000x256xf32>
    %mul3A_38 = arith.mulf %dot_general3A_25, %mul3A_37 : vector<1000x256xf32>
    %reduce_sum3A_39 = arith.constant dense<0.000000e+00> : vector<1000xf32>
    %reduce_sum3A_40 = vector.multi_reduction <add>, %mul3A_38, %reduce_sum3A_39 [1] : vector<1000x256xf32> to vector<1000xf32>
    %broadcast_in_dim3A_41 = vector.shape_cast %reduce_sum3A_40 : vector<1000xf32> to vector<1000x1xf32>
    %swap3A_42 = arith.constant 0 : index
    %swap3A_43 = arith.constant 0 : index
    %swap3A_44 = vector.load %arg8[%swap3A_42, %swap3A_43] : memref<1000x1xf32, #tpu.memory_space<vmem>>, vector<1000x1xf32>
    tpu.vector_store %arg8[%swap3A_42, %swap3A_43], %broadcast_in_dim3A {strides = array<i32>} : memref<1000x1xf32, #tpu.memory_space<vmem>>, vector<1000x1xf32>,
    %swap3A_45 = arith.constant 0 : index
    %swap3A_46 = arith.constant 0 : index
    %swap3A_47 = vector.load %arg9[%swap3A_45, %swap3A_46] : memref<1000x1xf32, #tpu.memory_space<vmem>>, vector<1000x1xf32>
    tpu.vector_store %arg9[%swap3A_45, %swap3A_46], %broadcast_in_dim3A_41 {strides = array<i32>} : memref<1000x1xf32, #tpu.memory_space<vmem>>, vector<1000x1xf32>,
    %reduce_max3A = vector.shape_cast %broadcast_in_dim3A : vector<1000x1xf32> to vector<1x1000x1xf32>
    %reduce_max3A_48 = arith.constant dense<0xFF800000> : vector<1xf32>
    %reduce_max3A_49 = vector.multi_reduction <maximumf>, %reduce_max3A, %reduce_max3A_48 [1, 2] : vector<1x1000x1xf32> to vector<1xf32>
    %reduce_max3A_50 = vector.shape_cast %reduce_max3A_49 : vector<1xf32> to vector<1x1x1xf32>
    %reduce_max3A_51 = vector.extract %reduce_max3A_50[0, 0, 0] : f32 from vector<1x1x1xf32>
    %reduce_max3A_52 = vector.shape_cast %broadcast_in_dim3A_41 : vector<1000x1xf32> to vector<1x1000x1xf32>
    %reduce_max3A_53 = arith.constant dense<0xFF800000> : vector<1xf32>
    %reduce_max3A_54 = vector.multi_reduction <maximumf>, %reduce_max3A_52, %reduce_max3A_53 [1, 2] : vector<1x1000x1xf32> to vector<1xf32>
    %reduce_max3A_55 = vector.shape_cast %reduce_max3A_54 : vector<1xf32> to vector<1x1x1xf32>
    %reduce_max3A_56 = vector.extract %reduce_max3A_55[0, 0, 0] : f32 from vector<1x1x1xf32>
    %eq3A = arith.constant 0 : i32
    %eq3A_57 = arith.cmpi eq, %arg0, %eq3A : i32
    %get3A_58 = arith.constant 0 : index
    %get3A_59 = arith.constant 0 : index
    %get3A_60 = memref.load %arg11[%get3A_58, %get3A_59] : memref<1x1xf32, #tpu.memory_space<smem>>
    %max3A = arith.maximumf %get3A_60, %reduce_max3A_51 : f32
    %select_n3A_61 = arith.select %eq3A_57, %reduce_max3A_51, %max3A : f32
    %eq3A_62 = arith.constant 0 : i32
    %eq3A_63 = arith.cmpi eq, %arg0, %eq3A_62 : i32
    %get3A_64 = arith.constant 0 : index
    %get3A_65 = arith.constant 0 : index
    %get3A_66 = memref.load %arg12[%get3A_64, %get3A_65] : memref<1x1xf32, #tpu.memory_space<smem>>
    %max3A_67 = arith.maximumf %get3A_66, %reduce_max3A_56 : f32
    %select_n3A_68 = arith.select %eq3A_63, %reduce_max3A_56, %max3A_67 : f32
    %swap3A_69 = arith.constant 0 : index
    %swap3A_70 = arith.constant 0 : index
    %swap3A_71 = memref.load %arg11[%swap3A_69, %swap3A_70] : memref<1x1xf32, #tpu.memory_space<smem>>
    memref.store %select_n3A_61, %arg11[%swap3A_69, %swap3A_70] : memref<1x1xf32, #tpu.memory_space<smem>>
    %swap3A_72 = arith.constant 0 : index
    %swap3A_73 = arith.constant 0 : index
    %swap3A_74 = memref.load %arg12[%swap3A_72, %swap3A_73] : memref<1x1xf32, #tpu.memory_space<smem>>
    memref.store %select_n3A_68, %arg12[%swap3A_72, %swap3A_73] : memref<1x1xf32, #tpu.memory_space<smem>>
    %eq3A_75 = arith.constant 9 : i32
    %eq3A_76 = arith.cmpi eq, %arg0, %eq3A_75 : i32
    %convert_element_type3A = arith.extui %eq3A_76 : i1 to i32
    %cond3A = arith.constant 0 : i32
    %cond3A_77 = arith.cmpi ne, %convert_element_type3A, %cond3A : i32
    scf.if %cond3A_77 {
      %add3A_78 = arith.addf %select_n3A_61, %select_n3A_68 : f32
      %max3A_79 = arith.constant 0.000000e+00 : f32
      %max3A_80 = arith.maximumf %add3A_78, %max3A_79 : f32
      %gt3A_81 = arith.constant 0.000000e+00 : f32
      %gt3A_82 = arith.cmpf ogt, %max3A_80, %gt3A_81 : f32
      %mul3A_83 = arith.constant 2.000000e-01 : f32
      %mul3A_84 = arith.mulf %mul3A_83, %max3A_80 : f32
      %select_n3A_85 = arith.select %gt3A_82, %max3A_80, %mul3A_84 : f32
      %reshape3A = vector.broadcast %select_n3A_85 : f32 to vector<1x1xf32>
      %swap3A_86 = arith.constant 0 : index
      %swap3A_87 = arith.constant 0 : index
      %swap3A_88 = vector.load %arg10[%swap3A_86, %swap3A_87] : memref<1x1xf32, #tpu.memory_space<vmem>>, vector<1x1xf32>
      tpu.vector_store %arg10[%swap3A_86, %swap3A_87], %reshape3A {strides = array<i32>} : memref<1x1xf32, #tpu.memory_space<vmem>>, vector<1x1xf32>,
    } else {
    }
    return
  }
  func.func @transform_0(%arg0: i32) -> (i32, i32) {
    %c0_i32 = arith.constant 0 : i32
    %c0_i32_0 = arith.constant 0 : i32
    return %arg0, %c0_i32 : i32, i32
  }
  func.func @transform_1(%arg0: i32) -> (i32, i32) {
    %c0_i32 = arith.constant 0 : i32
    %c0_i32_0 = arith.constant 0 : i32
    return %arg0, %c0_i32 : i32, i32
  }
  func.func @transform_2(%arg0: i32) -> (i32, i32) {
    %c0_i32 = arith.constant 0 : i32
    %c0_i32_0 = arith.constant 0 : i32
    %c0_i32_1 = arith.constant 0 : i32
    return %c0_i32, %c0_i32_0 : i32, i32
  }
  func.func @transform_3(%arg0: i32) -> (i32, i32) {
    %c0_i32 = arith.constant 0 : i32
    %c0_i32_0 = arith.constant 0 : i32
    %c0_i32_1 = arith.constant 0 : i32
    return %c0_i32, %c0_i32_0 : i32, i32
  }
  func.func @transform_4(%arg0: i32) -> (i32, i32) {
    %c0_i32 = arith.constant 0 : i32
    %c0_i32_0 = arith.constant 0 : i32
    %c0_i32_1 = arith.constant 0 : i32
    return %c0_i32, %c0_i32_0 : i32, i32
  }
  func.func @transform_5(%arg0: i32) -> (i32, i32) {
    %c0_i32 = arith.constant 0 : i32
    %c0_i32_0 = arith.constant 0 : i32
    %c0_i32_1 = arith.constant 0 : i32
    return %c0_i32, %c0_i32_0 : i32, i32
  }
  func.func @transform_6(%arg0: i32) -> (i32, i32) {
    %c0_i32 = arith.constant 0 : i32
    %c0_i32_0 = arith.constant 0 : i32
    return %arg0, %c0_i32 : i32, i32
  }
  func.func @transform_7(%arg0: i32) -> (i32, i32) {
    %c0_i32 = arith.constant 0 : i32
    %c0_i32_0 = arith.constant 0 : i32
    return %arg0, %c0_i32 : i32, i32
  }
  func.func @transform_8(%arg0: i32) -> (i32, i32) {
    %c0_i32 = arith.constant 0 : i32
    %c0_i32_0 = arith.constant 0 : i32
    return %arg0, %c0_i32 : i32, i32
  }
  func.func @transform_9(%arg0: i32) -> (i32, i32) {
    %c0_i32 = arith.constant 0 : i32
    %c0_i32_0 = arith.constant 0 : i32
    %c0_i32_1 = arith.constant 0 : i32
    return %c0_i32, %c0_i32_0 : i32, i32
  }
}

module attributes {stable_mosaic.version = 14 : i64} {
  func.func @_k3_body(%arg0: i32, %arg1: memref<1000x256xf32, #tpu.memory_space<vmem>>, %arg2: memref<1000x1xf32, #tpu.memory_space<vmem>>, %arg3: memref<1x256xf32, #tpu.memory_space<vmem>>, %arg4: memref<1000x1xi32, #tpu.memory_space<vmem>>, %arg5: memref<256x128xf32, #tpu.memory_space<vmem>>, %arg6: memref<1x128xf32, #tpu.memory_space<vmem>>, %arg7: memref<128x2xf32, #tpu.memory_space<vmem>>, %arg8: memref<1x2xf32, #tpu.memory_space<vmem>>, %arg9: memref<64x2xf32, #tpu.memory_space<vmem>>, %arg10: memref<64x256xf32, #tpu.memory_space<vmem>>, %arg11: memref<1x64xf32, #tpu.memory_space<vmem>>) attributes {dimension_semantics = [#tpu.dimension_semantics<arbitrary>], iteration_bounds = array<i64: 10>, scalar_prefetch = 0 : i64, scratch_operands = 2 : i64, tpu.core_type = #tpu.core_type<tc>, window_params = [{transform_indices = @transform_0, window_bounds = array<i64: 1000, 256>}, {transform_indices = @transform_1, window_bounds = array<i64: 1000, 1>}, {pipeline_mode = #tpu.pipeline_mode<synchronous>, transform_indices = @transform_2, window_bounds = array<i64: 1, 256>}, {transform_indices = @transform_3, window_bounds = array<i64: 1000, 1>}, {pipeline_mode = #tpu.pipeline_mode<synchronous>, transform_indices = @transform_4, window_bounds = array<i64: 256, 128>}, {pipeline_mode = #tpu.pipeline_mode<synchronous>, transform_indices = @transform_5, window_bounds = array<i64: 1, 128>}, {pipeline_mode = #tpu.pipeline_mode<synchronous>, transform_indices = @transform_6, window_bounds = array<i64: 128, 2>}, {pipeline_mode = #tpu.pipeline_mode<synchronous>, transform_indices = @transform_7, window_bounds = array<i64: 1, 2>}, {pipeline_mode = #tpu.pipeline_mode<synchronous>, transform_indices = @transform_8, window_bounds = array<i64: 64, 2>}]} {
    %get3A = arith.constant 0 : index
    %get3A_0 = arith.constant 0 : index
    %get3A_1 = vector.load %arg1[%get3A, %get3A_0] : memref<1000x256xf32, #tpu.memory_space<vmem>>, vector<1000x256xf32>
    %get3A_2 = arith.constant 0 : index
    %get3A_3 = arith.constant 0 : index
    %get3A_4 = vector.load %arg2[%get3A_2, %get3A_3] : memref<1000x1xf32, #tpu.memory_space<vmem>>, vector<1000x1xf32>
    %add3A = arith.constant 1.000000e-16 : f32
    %add3A_5 = vector.broadcast %add3A : f32 to vector<1000x1xf32>
    %add3A_6 = arith.addf %get3A_4, %add3A_5 : vector<1000x1xf32>
    %div3A = vector.broadcast %add3A_6 : vector<1000x1xf32> to vector<1000x256xf32>
    %div3A_7 = arith.divf %get3A_1, %div3A : vector<1000x256xf32>
    %get3A_8 = arith.constant 0 : index
    %get3A_9 = arith.constant 0 : index
    %get3A_10 = vector.load %arg3[%get3A_8, %get3A_9] : memref<1x256xf32, #tpu.memory_space<vmem>>, vector<1x256xf32>
    %add3A_11 = vector.broadcast %get3A_10 : vector<1x256xf32> to vector<1000x256xf32>
    %add3A_12 = arith.addf %div3A_7, %add3A_11 : vector<1000x256xf32>
    %gt3A = arith.constant 0.000000e+00 : f32
    %gt3A_13 = vector.broadcast %gt3A : f32 to vector<1000x256xf32>
    %gt3A_14 = arith.cmpf ogt, %add3A_12, %gt3A_13 : vector<1000x256xf32>
    %exp3A = math.exp %add3A_12 : vector<1000x256xf32>
    %sub3A = arith.constant 1.000000e+00 : f32
    %sub3A_15 = vector.broadcast %sub3A : f32 to vector<1000x256xf32>
    %sub3A_16 = arith.subf %exp3A, %sub3A_15 : vector<1000x256xf32>
    %mul3A = arith.constant 1.67326319 : f32
    %mul3A_17 = vector.broadcast %mul3A : f32 to vector<1000x256xf32>
    %mul3A_18 = arith.mulf %mul3A_17, %sub3A_16 : vector<1000x256xf32>
    %select_n3A = arith.select %gt3A_14, %add3A_12, %mul3A_18 : vector<1000x256xi1>, vector<1000x256xf32>
    %mul3A_19 = arith.constant 1.05070102 : f32
    %mul3A_20 = vector.broadcast %mul3A_19 : f32 to vector<1000x256xf32>
    %mul3A_21 = arith.mulf %mul3A_20, %select_n3A : vector<1000x256xf32>
    %iota3A = tpu.iota {dimensions = array<i32: 1>} : vector<1x64xi32>
    %get3A_22 = arith.constant 0 : index
    %get3A_23 = arith.constant 0 : index
    %get3A_24 = vector.load %arg4[%get3A_22, %get3A_23] : memref<1000x1xi32, #tpu.memory_space<vmem>>, vector<1000x1xi32>
    %eq3A = vector.broadcast %get3A_24 : vector<1000x1xi32> to vector<1000x64xi32>
    %eq3A_25 = vector.broadcast %iota3A : vector<1x64xi32> to vector<1000x64xi32>
    %eq3A_26 = arith.cmpi eq, %eq3A, %eq3A_25 : vector<1000x64xi32>
    %convert_element_type3A = arith.extui %eq3A_26 : vector<1000x64xi1> to vector<1000x64xi32>
    %convert_element_type3A_27 = arith.sitofp %convert_element_type3A : vector<1000x64xi32> to vector<1000x64xf32>
    %dot_general3A = arith.constant dense<0.000000e+00> : vector<64x256xf32>
    %dot_general3A_28 = tpu.matmul %convert_element_type3A_27, %mul3A_21, %dot_general3A {dimension_numbers = #tpu.dot_dimension_numbers<[0], [0], [1], [1], [0, 1, 1, 1], [], []>, transpose_lhs_hint = false} : vector<1000x64xf32>, vector<1000x256xf32>, vector<64x256xf32> -> vector<64x256xf32>
    %reduce_sum3A = arith.constant dense<0.000000e+00> : vector<64xf32>
    %reduce_sum3A_29 = vector.multi_reduction <add>, %convert_element_type3A_27, %reduce_sum3A [0] : vector<1000x64xf32> to vector<64xf32>
    %broadcast_in_dim3A = vector.shape_cast %reduce_sum3A_29 : vector<64xf32> to vector<1x64xf32>
    %eq3A_30 = arith.constant 0 : i32
    %eq3A_31 = arith.cmpi eq, %arg0, %eq3A_30 : i32
    %get3A_32 = arith.constant 0 : index
    %get3A_33 = arith.constant 0 : index
    %get3A_34 = vector.load %arg10[%get3A_32, %get3A_33] : memref<64x256xf32, #tpu.memory_space<vmem>>, vector<64x256xf32>
    %add3A_35 = arith.addf %get3A_34, %dot_general3A_28 : vector<64x256xf32>
    %select_n3A_36 = arith.select %eq3A_31, %dot_general3A_28, %add3A_35 : vector<64x256xf32>
    %eq3A_37 = arith.constant 0 : i32
    %eq3A_38 = arith.cmpi eq, %arg0, %eq3A_37 : i32
    %get3A_39 = arith.constant 0 : index
    %get3A_40 = arith.constant 0 : index
    %get3A_41 = vector.load %arg11[%get3A_39, %get3A_40] : memref<1x64xf32, #tpu.memory_space<vmem>>, vector<1x64xf32>
    %add3A_42 = arith.addf %get3A_41, %broadcast_in_dim3A : vector<1x64xf32>
    %select_n3A_43 = arith.select %eq3A_38, %broadcast_in_dim3A, %add3A_42 : vector<1x64xf32>
    %swap3A = arith.constant 0 : index
    %swap3A_44 = arith.constant 0 : index
    %swap3A_45 = vector.load %arg10[%swap3A, %swap3A_44] : memref<64x256xf32, #tpu.memory_space<vmem>>, vector<64x256xf32>
    tpu.vector_store %arg10[%swap3A, %swap3A_44], %select_n3A_36 {strides = array<i32>} : memref<64x256xf32, #tpu.memory_space<vmem>>, vector<64x256xf32>,
    %swap3A_46 = arith.constant 0 : index
    %swap3A_47 = arith.constant 0 : index
    %swap3A_48 = vector.load %arg11[%swap3A_46, %swap3A_47] : memref<1x64xf32, #tpu.memory_space<vmem>>, vector<1x64xf32>
    tpu.vector_store %arg11[%swap3A_46, %swap3A_47], %select_n3A_43 {strides = array<i32>} : memref<1x64xf32, #tpu.memory_space<vmem>>, vector<1x64xf32>,
    %eq3A_49 = arith.constant 9 : i32
    %eq3A_50 = arith.cmpi eq, %arg0, %eq3A_49 : i32
    %convert_element_type3A_51 = arith.extui %eq3A_50 : i1 to i32
    %cond3A = arith.constant 0 : i32
    %cond3A_52 = arith.cmpi ne, %convert_element_type3A_51, %cond3A : i32
    scf.if %cond3A_52 {
      %max3A = arith.constant 1.000000e+00 : f32
      %max3A_53 = vector.broadcast %max3A : f32 to vector<1x64xf32>
      %max3A_54 = arith.maximumf %select_n3A_43, %max3A_53 : vector<1x64xf32>
      %transpose3A = tpu.transpose %max3A_54, [1, 0] : vector<1x64xf32> -> vector<64x1xf32>
      %div3A_55 = vector.broadcast %transpose3A : vector<64x1xf32> to vector<64x256xf32>
      %div3A_56 = arith.divf %select_n3A_36, %div3A_55 : vector<64x256xf32>
      %gt3A_57 = arith.constant 0.000000e+00 : f32
      %gt3A_58 = vector.broadcast %gt3A_57 : f32 to vector<64x256xf32>
      %gt3A_59 = arith.cmpf ogt, %div3A_56, %gt3A_58 : vector<64x256xf32>
      %exp3A_60 = math.exp %div3A_56 : vector<64x256xf32>
      %sub3A_61 = arith.constant 1.000000e+00 : f32
      %sub3A_62 = vector.broadcast %sub3A_61 : f32 to vector<64x256xf32>
      %sub3A_63 = arith.subf %exp3A_60, %sub3A_62 : vector<64x256xf32>
      %mul3A_64 = arith.constant 1.67326319 : f32
      %mul3A_65 = vector.broadcast %mul3A_64 : f32 to vector<64x256xf32>
      %mul3A_66 = arith.mulf %mul3A_65, %sub3A_63 : vector<64x256xf32>
      %select_n3A_67 = arith.select %gt3A_59, %div3A_56, %mul3A_66 : vector<64x256xi1>, vector<64x256xf32>
      %mul3A_68 = arith.constant 1.05070102 : f32
      %mul3A_69 = vector.broadcast %mul3A_68 : f32 to vector<64x256xf32>
      %mul3A_70 = arith.mulf %mul3A_69, %select_n3A_67 : vector<64x256xf32>
      %get3A_71 = arith.constant 0 : index
      %get3A_72 = arith.constant 0 : index
      %get3A_73 = vector.load %arg5[%get3A_71, %get3A_72] : memref<256x128xf32, #tpu.memory_space<vmem>>, vector<256x128xf32>
      %dot_general3A_74 = arith.constant dense<0.000000e+00> : vector<64x128xf32>
      %dot_general3A_75 = tpu.matmul %mul3A_70, %get3A_73, %dot_general3A_74 {dimension_numbers = #tpu.dot_dimension_numbers<[1], [0], [0], [1], [0, 0, 1, 1], [], []>, transpose_lhs_hint = false} : vector<64x256xf32>, vector<256x128xf32>, vector<64x128xf32> -> vector<64x128xf32>
      %get3A_76 = arith.constant 0 : index
      %get3A_77 = arith.constant 0 : index
      %get3A_78 = vector.load %arg6[%get3A_76, %get3A_77] : memref<1x128xf32, #tpu.memory_space<vmem>>, vector<1x128xf32>
      %add3A_79 = vector.broadcast %get3A_78 : vector<1x128xf32> to vector<64x128xf32>
      %add3A_80 = arith.addf %dot_general3A_75, %add3A_79 : vector<64x128xf32>
      %gt3A_81 = arith.constant 0.000000e+00 : f32
      %gt3A_82 = vector.broadcast %gt3A_81 : f32 to vector<64x128xf32>
      %gt3A_83 = arith.cmpf ogt, %add3A_80, %gt3A_82 : vector<64x128xf32>
      %exp3A_84 = math.exp %add3A_80 : vector<64x128xf32>
      %sub3A_85 = arith.constant 1.000000e+00 : f32
      %sub3A_86 = vector.broadcast %sub3A_85 : f32 to vector<64x128xf32>
      %sub3A_87 = arith.subf %exp3A_84, %sub3A_86 : vector<64x128xf32>
      %mul3A_88 = arith.constant 1.67326319 : f32
      %mul3A_89 = vector.broadcast %mul3A_88 : f32 to vector<64x128xf32>
      %mul3A_90 = arith.mulf %mul3A_89, %sub3A_87 : vector<64x128xf32>
      %select_n3A_91 = arith.select %gt3A_83, %add3A_80, %mul3A_90 : vector<64x128xi1>, vector<64x128xf32>
      %mul3A_92 = arith.constant 1.05070102 : f32
      %mul3A_93 = vector.broadcast %mul3A_92 : f32 to vector<64x128xf32>
      %mul3A_94 = arith.mulf %mul3A_93, %select_n3A_91 : vector<64x128xf32>
      %get3A_95 = arith.constant 0 : index
      %get3A_96 = arith.constant 0 : index
      %get3A_97 = vector.load %arg7[%get3A_95, %get3A_96] : memref<128x2xf32, #tpu.memory_space<vmem>>, vector<128x2xf32>
      %dot_general3A_98 = arith.constant dense<0.000000e+00> : vector<64x2xf32>
      %dot_general3A_99 = tpu.matmul %mul3A_94, %get3A_97, %dot_general3A_98 {dimension_numbers = #tpu.dot_dimension_numbers<[1], [0], [0], [1], [0, 0, 1, 1], [], []>, transpose_lhs_hint = false} : vector<64x128xf32>, vector<128x2xf32>, vector<64x2xf32> -> vector<64x2xf32>
      %get3A_100 = arith.constant 0 : index
      %get3A_101 = arith.constant 0 : index
      %get3A_102 = vector.load %arg8[%get3A_100, %get3A_101] : memref<1x2xf32, #tpu.memory_space<vmem>>, vector<1x2xf32>
      %add3A_103 = vector.broadcast %get3A_102 : vector<1x2xf32> to vector<64x2xf32>
      %add3A_104 = arith.addf %dot_general3A_99, %add3A_103 : vector<64x2xf32>
      %reduce_max3A = arith.constant dense<0xFF800000> : vector<64xf32>
      %reduce_max3A_105 = vector.multi_reduction <maximumf>, %add3A_104, %reduce_max3A [1] : vector<64x2xf32> to vector<64xf32>
      %broadcast_in_dim3A_106 = vector.shape_cast %reduce_max3A_105 : vector<64xf32> to vector<64x1xf32>
      %sub3A_107 = vector.broadcast %broadcast_in_dim3A_106 : vector<64x1xf32> to vector<64x2xf32>
      %sub3A_108 = arith.subf %add3A_104, %sub3A_107 : vector<64x2xf32>
      %exp3A_109 = math.exp %sub3A_108 : vector<64x2xf32>
      %reduce_sum3A_110 = arith.constant dense<0.000000e+00> : vector<64xf32>
      %reduce_sum3A_111 = vector.multi_reduction <add>, %exp3A_109, %reduce_sum3A_110 [1] : vector<64x2xf32> to vector<64xf32>
      %broadcast_in_dim3A_112 = vector.shape_cast %reduce_sum3A_111 : vector<64xf32> to vector<64x1xf32>
      %log3A = math.log %broadcast_in_dim3A_112 : vector<64x1xf32>
      %add3A_113 = arith.addf %broadcast_in_dim3A_106, %log3A : vector<64x1xf32>
      %sub3A_114 = vector.broadcast %add3A_113 : vector<64x1xf32> to vector<64x2xf32>
      %sub3A_115 = arith.subf %add3A_104, %sub3A_114 : vector<64x2xf32>
      %swap3A_116 = arith.constant 0 : index
      %swap3A_117 = arith.constant 0 : index
      %swap3A_118 = vector.load %arg9[%swap3A_116, %swap3A_117] : memref<64x2xf32, #tpu.memory_space<vmem>>, vector<64x2xf32>
      tpu.vector_store %arg9[%swap3A_116, %swap3A_117], %sub3A_115 {strides = array<i32>} : memref<64x2xf32, #tpu.memory_space<vmem>>, vector<64x2xf32>,
    } else {
    }
    return
  }
  func.func @transform_0(%arg0: i32) -> (i32, i32) {
    %c0_i32 = arith.constant 0 : i32
    %c0_i32_0 = arith.constant 0 : i32
    return %arg0, %c0_i32 : i32, i32
  }
  func.func @transform_1(%arg0: i32) -> (i32, i32) {
    %c0_i32 = arith.constant 0 : i32
    %c0_i32_0 = arith.constant 0 : i32
    return %arg0, %c0_i32 : i32, i32
  }
  func.func @transform_2(%arg0: i32) -> (i32, i32) {
    %c0_i32 = arith.constant 0 : i32
    %c0_i32_0 = arith.constant 0 : i32
    %c0_i32_1 = arith.constant 0 : i32
    return %c0_i32, %c0_i32_0 : i32, i32
  }
  func.func @transform_3(%arg0: i32) -> (i32, i32) {
    %c0_i32 = arith.constant 0 : i32
    %c0_i32_0 = arith.constant 0 : i32
    return %arg0, %c0_i32 : i32, i32
  }
  func.func @transform_4(%arg0: i32) -> (i32, i32) {
    %c0_i32 = arith.constant 0 : i32
    %c0_i32_0 = arith.constant 0 : i32
    %c0_i32_1 = arith.constant 0 : i32
    return %c0_i32, %c0_i32_0 : i32, i32
  }
  func.func @transform_5(%arg0: i32) -> (i32, i32) {
    %c0_i32 = arith.constant 0 : i32
    %c0_i32_0 = arith.constant 0 : i32
    %c0_i32_1 = arith.constant 0 : i32
    return %c0_i32, %c0_i32_0 : i32, i32
  }
  func.func @transform_6(%arg0: i32) -> (i32, i32) {
    %c0_i32 = arith.constant 0 : i32
    %c0_i32_0 = arith.constant 0 : i32
    %c0_i32_1 = arith.constant 0 : i32
    return %c0_i32, %c0_i32_0 : i32, i32
  }
  func.func @transform_7(%arg0: i32) -> (i32, i32) {
    %c0_i32 = arith.constant 0 : i32
    %c0_i32_0 = arith.constant 0 : i32
    %c0_i32_1 = arith.constant 0 : i32
    return %c0_i32, %c0_i32_0 : i32, i32
  }
  func.func @transform_8(%arg0: i32) -> (i32, i32) {
    %c0_i32 = arith.constant 0 : i32
    %c0_i32_0 = arith.constant 0 : i32
    %c0_i32_1 = arith.constant 0 : i32
    return %c0_i32, %c0_i32_0 : i32, i32
  }
}

</mosaic_0001>

<sc_bundles>
// kernel: kernel.10.cloned.1.call-start
scs
__scs_entry_jumppad:
0x0: {  	(pc) =	sbr.rel $0x88, $3  }
0x1: {  	(tag) =	ssettag $0x0;
	lr =	simm.s32 $0x1  }
0x2: {  	[smem:$0x3F92] =	sst lr;
	_ =	strace $0xD0000000  }
0x3: {  	_ = 	snop  }
0x4: {  	_ = 	snop  }
0x5: {  	_ = 	snop  }
0x6: {  	_ = 	snop  }
0x7: {  	_ = 	snop  }
__scs_overlays_trampoline_lowered:
0x8: {  	[smem:$0x3FA1] =	sst s0  }
0x9: {  	[smem:$0x3FA2] =	sst s1  }
0xa: {  	[smem:$0x3FA3] =	sst s2  }
0xb: {  	[smem:$0x3FA4] =	sst s3  }
0xc: {  	[smem:$0x3FA5] =	sst s4  }
0xd: {  	[smem:$0x3FA6] =	sst s5  }
0xe: {  	[smem:$0x3FA7] =	sst s6  }
0xf: {  	[smem:$0x3FA8] =	sst s7  }
0x10: {  	[smem:$0x3FA9] =	sst s8  }
0x11: {  	[smem:$0x3FAA] =	sst s9;
	s0 =	simm.s32 @!p0 $0x0  }
0x12: {  	s1 =	sld [smem:$0x3F90];
	s0 =	simm.s32 @p0 $0x1  }
0x13: {  	[smem:$0x3FAB] =	sst s0;
	s0 =	simm.s32 @!p1 $0x0  }
0x14: {  	s2 =	sld [smem:$0x3F8F];
	s0 =	simm.s32 @p1 $0x1  }
0x15: {  	[smem:$0x3FAC] =	sst s0;
	s0 =	simm.s32 @!p2 $0x0  }
0x16: {  	s3 =	sld [smem:$0x3FDB];
	s0 =	simm.s32 @p2 $0x1  }
0x17: {  	s4 =	simm.s32 $0x1BF5;
	[smem:$0x3FAE] =	sst s0  }
0x18: {  	s0 =	sld [smem:$0x3F91];
	_ =	swait.ge [sflag:s4], $0x0  }
0x19: {  	s7 =	sld [smem:$0x3F92]  }
0x1a: {  	s8 =	sadd.s32 $0xFFFFE003, lr  }
0x1b: {  	s9 =	sadd.s32 $0xFFFFFEF7, lr;
	s5 =	simm.s32 $0xFFFFFFFF;
	p2 =	slt.u32 s8, $0xFFFFF086  }
0x1c: {  	p1 =	slt.u32 s9, $0xF7A;
	s5 =	simm.s32 @!p2 $0x0  }
0x1d: {  	s5 =	simm.s32 @p1 $0x1;
	p0 =	seq.s32 s7, s2  }
0x1e: {  	s7 =	smul.u32 @!p0 $0xF7A, s2;
	p2 =	seq.s32 @!p0 s5, $0x0  }
0x1f: {  	s9 =	smul.u32 $0xF7A, s1;
	s8 =	simm.s32 @!p0 $0x1BF5;
	p2 =	por !p2, p0  }
0x20: {  	[sflag:s8] =	ssyncset.s32 @!p0 $0xFFFFF086;
	s6 =	sadd.s32 @!p0 s3, s7;
	s7 =	simm.s32 @!p0 $0x108  }
0x21: {  	s3 =	sadd.s32 s3, s9;
	s6 =	sadd.s32 @!p0 $0x88, s6;
	s7 =	simm.s32 @p2 $0x1082  }
0x22: {  	[simem:s7], [sflag:s8] =	dma.local @!p0 [hbm:s6], $0xF7A  }
0x23: {  	s9 =	sor.u32 $0xD0000000, s2;
	s6 =	simm.s32 $0x108;
	_ =	swait.ge @!p0 [sflag:s8], $0x0  }
0x24: {  	s3 =	sadd.s32 $0x88, s3;
	s6 =	simm.s32 @!p1 $0x1082;
	[sflag:s4] =	ssyncset.s32 $0xFFFFF086  }
0x25: {  	[simem:s6], [sflag:s4] =	dma.local [hbm:s3], $0xF7A  }
0x26: {  	[smem:$0x3F92] =	sst s1;
	(tag) =	ssettag s2;
	_ =	strace s9  }
0x27: {  	s1 =	sld [smem:$0x3FA2]  }
0x28: {  	s2 =	sld [smem:$0x3FA3]  }
0x29: {  	s4 =	sld [smem:$0x3FA5]  }
0x2a: {  	p0 =	seq.s32 s5, $0x0;
	s5 =	sld [smem:$0x3FA6]  }
0x2b: {  	s6 =	sld [smem:$0x3FA7]  }
0x2c: {  	s7 =	sld [smem:$0x3FA8]  }
0x2d: {  	s3 =	simm.s32 $0x108;
	s8 =	sld [smem:$0x3FA9]  }
0x2e: {  	s3 =	simm.s32 @!p0 $0x1082;
	s9 =	sld [smem:$0x3FAA]  }
0x2f: {  	lr =	sadd.s32 s0, s3;
	s0 =	sld [smem:$0x3FA1]  }
0x30: {  	s3 =	sld [smem:$0x3FA4]  }
0x31: {  	[smem:$0x3FAD] =	sst s10  }
0x32: {  	s10 =	sld [smem:$0x3FAB];
	_ =	sdelay $0x3  }
0x33: {  	p0 =	seq.s32 s10, $0x1;
	s10 =	sld [smem:$0x3FAD];
	_ =	sdelay $0x3  }
0x34: {  	[smem:$0x3FAD] =	sst s10  }
0x35: {  	s10 =	sld [smem:$0x3FAC];
	_ =	sdelay $0x3  }
0x36: {  	p1 =	seq.s32 s10, $0x1;
	s10 =	sld [smem:$0x3FAD];
	_ =	sdelay $0x3  }
0x37: {  	[smem:$0x3FAD] =	sst s10  }
0x38: {  	s10 =	sld [smem:$0x3FAE]  }
0x39: {  	_ = 	snop;
	(pc) =	sbr.ind lr, $3  }
0x3a: {  	_ = 	snop  }
0x3b: {  	_ = 	snop  }
0x3c: {  	p2 =	seq.s32 s10, $0x1;
	s10 =	sld [smem:$0x3FAD]  }
0x3d: {  	_ =	shalt  }
0x3e: {  	_ =	shalt  }
0x3f: {  	_ =	shalt  }
0x40: {  	_ =	shalt  }
0x41: {  	_ =	shalt  }
0x42: {  	_ =	shalt  }
0x43: {  	_ =	shalt  }
0x44: {  	_ =	shalt  }
0x45: {  	_ =	shalt  }
0x46: {  	_ =	shalt  }
0x47: {  	_ =	shalt  }
0x48: {  	_ =	shalt  }
0x49: {  	_ =	shalt  }
0x4a: {  	_ =	shalt  }
0x4b: {  	_ =	shalt  }
0x4c: {  	_ =	shalt  }
0x4d: {  	_ =	shalt  }
0x4e: {  	_ =	shalt  }
0x4f: {  	_ =	shalt  }
0x50: {  	_ =	shalt  }
0x51: {  	_ =	shalt  }
0x52: {  	_ =	shalt  }
0x53: {  	_ =	shalt  }
0x54: {  	_ =	shalt  }
0x55: {  	_ =	shalt  }
0x56: {  	_ =	shalt  }
0x57: {  	_ =	shalt  }
0x58: {  	_ =	shalt  }
0x59: {  	_ =	shalt  }
0x5a: {  	_ =	shalt  }
0x5b: {  	_ =	shalt  }
0x5c: {  	_ =	shalt  }
0x5d: {  	_ =	shalt  }
0x5e: {  	_ =	shalt  }
0x5f: {  	_ =	shalt  }
0x60: {  	_ =	shalt  }
0x61: {  	_ =	shalt  }
0x62: {  	_ =	shalt  }
0x63: {  	_ =	shalt  }
0x64: {  	_ =	shalt  }
0x65: {  	_ =	shalt  }
0x66: {  	_ =	shalt  }
0x67: {  	_ =	shalt  }
0x68: {  	_ =	shalt  }
0x69: {  	_ =	shalt  }
0x6a: {  	_ =	shalt  }
0x6b: {  	_ =	shalt  }
0x6c: {  	_ =	shalt  }
0x6d: {  	_ =	shalt  }
0x6e: {  	_ =	shalt  }
0x6f: {  	_ =	shalt  }
0x70: {  	_ =	shalt  }
0x71: {  	_ =	shalt  }
0x72: {  	_ =	shalt  }
0x73: {  	_ =	shalt  }
0x74: {  	_ =	shalt  }
0x75: {  	_ =	shalt  }
0x76: {  	_ =	shalt  }
0x77: {  	_ =	shalt  }
0x78: {  	_ =	shalt  }
0x79: {  	_ =	shalt  }
0x7a: {  	_ =	shalt  }
0x7b: {  	_ =	shalt  }
0x7c: {  	_ =	shalt  }
0x7d: {  	_ =	shalt  }
0x7e: {  	_ =	shalt  }
0x7f: {  	_ =	shalt  }
0x80: {  	_ =	shalt  }
0x81: {  	_ =	shalt  }
0x82: {  	_ =	shalt  }
0x83: {  	_ =	shalt  }
0x84: {  	_ =	shalt  }
0x85: {  	_ =	shalt  }
0x86: {  	_ =	shalt  }
0x87: {  	_ =	shalt  }
.Lfunc_end0:
.L_simem_size_0:
called_computation.3_lowered:
.L_overlay_start_0:
0x88: {  	s2 =	sld [smem:$0x3FD9]  }
0x89: {  	s3 =	sld [smem:$0x3FFE];
	_ =	sdelay $0x1  }
0x8a: {  	s1 =	srdreg.scid  }
0x8b: {  	s0 =	sand.u32 $0x1, s1  }
0x8c: {  	s16 =	sshll.u32 s0, $0xA;
	s2 =	sadd.s32 s3, s2  }
0x8d: {  	s2 =	sadd.s32 s2, s16  }
0x8e: {  	[smem:$0x3FB9] =	sst s2  }
0x8f: {  	_ = 	snop  }
0x90: {  	(tm) =	ssettm $0x1  }
0x91: {  	s17 =	sld [smem:$0x3FFB];
	_ =	sdelay $0x3  }
0x92: {  	_ =	strace s17  }
0x93: {  	s2 =	sld [smem:$0x3FFC];
	_ =	sdelay $0x3  }
0x94: {  	_ =	strace s2  }
0x95: {  	s2 =	sld [smem:$0x3FFD];
	_ =	sdelay $0x3  }
0x96: {  	_ =	strace s2  }
0x97: {  	_ =	strace $0x8FFFFFFF  }
0x98: {  	s18 =	sld [smem:$0x3FDB];
	_ =	sdelay $0x1  }
0x99: {  	s19 =	simm.s32 $_scs_section_size  }
0x9a: {  	s4 =	simm.s32 $_size__tile_overlayer_lowered;
	s5 =	simm.s32 $_tile_overlayer_lowered  }
0x9b: {  	s22 =	simm.s32 $0x1BFF;
	s21 =	sshll.u32 s5, $0x1;
	s2 =	sadd.s32 s19, s18  }
0x9c: {  	s6 =	simm.s32 $0x0;
	s20 =	sshll.u32 s4, $0x1;
	s4 =	sadd.s32 s21, s2  }
0x9d: {  	[timem:s6], [sflag:s22] =	dma.local [hbm:s4], s20  }
0x9e: {  	_ =	swait.ge [sflag:s22], s20  }
0x9f: {  	s3 =	ssub.s32 $0x0, s20;
	[sflag:s22] =	ssyncset.done $0x0  }
0xa0: {  	[sflag:s22] =	ssyncadd.s32 s3;
	_ =	sdelay $0x1  }
0xa1: {  	s23 =	simm.s32 $0x1B8B  }
0xa2: {  	_ =	swait.ge [sflag:s23], $0x1  }
0xa3: {  	[sflag:s23] =	ssyncset.done $0x0  }
0xa4: {  	s25 =	simm.s32 $0x1B8E;
	s24 =	sld [smem:$0x3FFE];
	[sflag:s23] =	ssyncadd.s32 $0xFFFFFFFF  }
0xa5: {  	s26 =	simm.s32 $execute0_lowered;
	[smem:$0x3FD2] =	sst s25  }
0xa6: {  	s4 =	sshll.u32 s26, $0x1;
	_ =	strace $0x8000004F;
	[dreg:$0x1] =	wrdreg $0xFFFFFFFF  }
0xa7: {  	s28 =	simm.s32 $_size_execute0_lowered;
	s2 =	sadd.s32 s2, s4;
	[dreg:$0x0] =	wrdreg $0x0  }
0xa8: {  	s4 =	sshll.u32 s28, $0x1;
	[dreg:$0x2] =	wrdreg s2  }
0xa9: {  	[dreg:$0x3] =	wrdreg s4  }
0xaa: {  	[dreg:$0x4] =	wrdreg $0xC0  }
0xab: {  	_ =	task [dreg:s6], $0x5FFFF  }
0xac: {  	[dreg:$0x1] =	wrdreg $0xFFFFFFFF  }
0xad: {  	[dreg:$0x0] =	wrdreg $0x60  }
0xae: {  	[dreg:$0x2] =	wrdreg s24  }
0xaf: {  	[dreg:$0x3] =	wrdreg $0xAC000  }
0xb0: {  	[dreg:$0x4] =	wrdreg $0x9  }
0xb1: {  	_ =	task.clear_ibuf [dreg:s6], $0x5FFFF;
	_ =	strace $0x9000004F  }
0xb2: {  	s29 =	simm.s32 $0x9;
	_ =	strace $0x80000051  }
0xb3: {  	_ =	swait.ge [sflag:s29], $0x1  }
0xb4: {  	[sflag:s29] =	ssyncadd.s32 $0xFFFFFFFF  }
0xb5: {  	_ =	strace $0x90000051  }
0xb6: {  	_ =	sfence  }
0xb7: {  	s30 =	sld [smem:$0x0];
	_ =	sdelay $0x2  }
0xb8: {  	s31 =	sshll.u32 s1, $0xD;
	s1 =	sshrl.u32 s1, $0x2  }
0xb9: {  	s3 =	sand.u32 $0x4000, s31;
	s1 =	sadd.s32 s1, s30  }
0xba: {  	s0 =	sor.u32 s3, s0;
	s1 =	sshll.u32 s1, $0x11  }
0xbb: {  	s0 =	sor.u32 s1, s0  }
0xbc: {  	s0 =	sadd.s32 $0x8F2B, s0  }
0xbd: {  	[sflag:s0] =	ssyncadd.remote.s32 $0x1  }
0xbe: {  	_ =	sfence.sel $0xFFFF  }
0xbf: {  	[dreg:$0x0] =	wrdreg $0xFFFFFFFF;
	(pc) =	sbr.abs _section_cstart, $3  }
0xc0: {  	[dreg:$0x1] =	wrdreg $0xFFFFFFFF  }
0xc1: {  	_ =	task.clear_ibuf [dreg:s6], $0x2FFFF;
	_ =	strace $0x9FFFFFFF  }
0xc2: {  	(tm) =	ssettm $0x7FFFFFFF  }
0xc3: {  	_ =	shalt  }
tec
execute0_lowered:
.L_overlay_start_1:
0x0: {  	(tag) =	ssettag $0x1  }
0x1: {  	s3 =	srdreg.scid  }
0x2: {  	s3 =	sand.u32 $0x1, s3  }
0x3: {  	p1 =	seq.s32 s3, $0x1  }
.Ltmp0:
0x4: {  	_ = 	snop;
	(pc) =	sbr.rel @p1 .LBB2_6-.Ltmp0, $4  }
0x5: {  	s6 =	rddreg [dreg:$0x0]  }
0x6: {  	s1 =	rddreg [dreg:$0x1];
	s2 =	simm.s32 $0x0  }
0x7: {  	s9 =	stileid.u32;
	[smem:$0x7FF] =	sst s2  }
0x8: {  	s0 =	rddreg [dreg:$0x2];
	p0 =	sne.s32 s9, $0x0;
	_ =	strace $0x80000050  }
0x9: {  	s3 =	sadd.s32 $0x70200, s6  }
0xa: {  	[tilespmem:s2], [sflag:$0x1] =	stream.linear.gather [hbm4b:s3+s2], $0x2780, $0x38;
	[tilespmem:$0xAE78] =	vst v63  }
0xb: {  	s3 =	simm.s32 $0x1  }
0xc: {  	_ =	swait.ge [sflag:s3], $0x2780  }
0xd: {  	[sflag:s3] =	ssyncset.done $0x0  }
0xe: {  	s5 =	sadd.s32 $0x70800, s6;
	s4 =	simm.s32 $0x2780;
	[sflag:s3] =	ssyncadd.s32 $0xFFFFD880  }
0xf: {  	[tilespmem:s4], [sflag:$0x1] =	stream.linear.gather [hbm4b:s5+s2], $0x2780, $0x38;
	[tilespmem:$0xAE78] =	vst v63  }
0x10: {  	_ =	swait.ge [sflag:s3], $0x2780  }
0x11: {  	[sflag:s3] =	ssyncset.done $0x0  }
0x12: {  	s31 =	sadd.s32 $0xBA00, s6;
	s7 =	simm.s32 $0x4F00;
	[sflag:s3] =	ssyncadd.s32 $0xFFFFD880  }
0x13: {  	[tilespmem:s7], [sflag:$0x1] =	stream.linear.gather [hbm4b:s31+s2], $0x80, $0x38;
	[tilespmem:$0xAE78] =	vst v63  }
0x14: {  	s8 =	simm.s32 @!p0 $0x1C01;
	s10 =	simm.s32 @!p0 $0x1;
	_ =	swait.ge [sflag:s3], $0x80  }
0x15: {  	s11 =	smul.u32 $0xA80, s9;
	s12 =	simm.s32 $0x4F80;
	[sflag:s3] =	ssyncset.done $0x0  }
0x16: {  	s5 =	sshrl.u32 @!p0 s1, $0x3;
	s7 =	sadd.s32 $0x6FC00, s6;
	[sflag:s3] =	ssyncadd.s32 $0xFFFFFF80  }
0x17: {  	[spmem:s5], [sflag:s8] =	dma.local @!p0 [hbm:s7], $0x4F0  }
0x18: {  	s13 =	simm.s32 $0x5380;
	s14 =	simm.s32 $0x80;
	_ =	swait.ge @!p0 [sflag:s10], $0x4F0  }
0x19: {  	s15 =	simm.s32 $0x5780;
	s16 =	simm.s32 $0x0;
	[sflag:s10] =	ssyncset.done @!p0 $0x0  }
0x1a: {  	s11 =	sadd.s32 s11, s6;
	s7 =	sadd.s32 $0x16400, s6;
	[sflag:s10] =	ssyncadd.s32 @!p0 $0xFFFFFB10  }
0x1b: {  	s8 =	sadd.s32 $0xBC00, s6;
	s6 =	sadd.s32 $0x70E00, s6;
	[bflag:$0x0] =	sbarrier.arrive $0xFFFF  }
0x1c: {  	s10 =	smul.u32 $0xA8, s9;
	s9 =	sadd.s32 $0x2AE00, s11;
	s11 =	simm.s32 $0x5800;
	v0 =	vld [tilespmem:$0x4F00]  }
.LBB2_2:
0x1d: {  	s17 =	sshll.u32 s16, $0x3  }
0x1e: {  	s17 =	sadd.s32 s10, s17  }
0x1f: {  	s18 =	sshll.u32 s17, $0x4  }
0x20: {  	s17 =	simm.s32 $0x0;
	s19 =	sadd.s32 s7, s18  }
0x21: {  	[tilespmem:s12], [sflag:$0x1] =	stream.linear.gather [hbm4b:s19+s17], $0x400, $0x38;
	[tilespmem:$0xAE78] =	vst v63  }
0x22: {  	_ =	swait.ge [sflag:s3], $0x400  }
0x23: {  	[sflag:s3] =	ssyncset.done $0x0  }
0x24: {  	s18 =	sadd.s32 s8, s18;
	[sflag:s3] =	ssyncadd.s32 $0xFFFFFC00  }
0x25: {  	[tilespmem:s13], [sflag:$0x1] =	stream.linear.gather [hbm4b:s18+s17], $0x400, $0x38;
	[tilespmem:$0xAE78] =	vst v63  }
0x26: {  	_ =	swait.ge [sflag:s3], $0x400  }
0x27: {  	[sflag:s3] =	ssyncset.done $0x0  }
0x28: {  	v1 =	vmov s11;
	[sflag:s3] =	ssyncadd.s32 $0xFFFFFC00  }
.LBB2_3:
0x29: {  	s18 =	sshra.s32 s17, $0x2  }
0x2a: {  	v2 =	vld [tilespmem:s18+$0x4F80]  }
0x2b: {  	v3 =	vld [tilespmem:s18+$0x5380];
	_ =	sdelay $0x6  }
0x2c: {  	v2 =	vld.idx.msk [tilespmem:v2+s2+$0x0], $0xffff  }
0x2d: {  	v3 =	vld.idx.msk [tilespmem:v3+s4+$0x0], $0xffff;
	_ =	sdelay $0x4  }
0x2e: {  	v2 =	vadd.f32 v3, v2;
	_ =	sdelay $0x1  }
0x2f: {  	v3 =	vmul.f32 $2.000000030e-01, v2  }
0x30: {  	vm0 =	vgt.f32 v2, $0.0e+00  }
0x31: {  	v2 =	vsel vm0, v2, v3  }
0x32: {  	v2 =	vsub.f32 v2, v0;
	_ =	sdelay $0x1  }
0x33: {  	v2 =	vmul.f32 $1.442695020e+00, v2;
	_ =	sdelay $0x1  }
0x34: {  	(erf) = vpow2.f32 v2;
	_ =	sdelay $0x8  }
0x35: {  	v2 =	vpop (erf)  }
0x36: {  	[tilespmem:$0x5780] =	vst v2  }
0x37: {  	[tilespmem:v1+s18+$0x0 ss:$0x1] =	vst.idx.msk $0xffff, v2  }
0x38: {  	v2 =	vld [tilespmem:s18+$0x4F90]  }
0x39: {  	v3 =	vld [tilespmem:s18+$0x5390];
	_ =	sdelay $0x6  }
0x3a: {  	v2 =	vld.idx.msk [tilespmem:v2+s2+$0x0], $0xffff  }
0x3b: {  	v3 =	vld.idx.msk [tilespmem:v3+s4+$0x0], $0xffff;
	_ =	sdelay $0x4  }
0x3c: {  	v2 =	vadd.f32 v3, v2;
	_ =	sdelay $0x1  }
0x3d: {  	v3 =	vmul.f32 $2.000000030e-01, v2  }
0x3e: {  	vm9 =	vgt.f32 v2, $0.0e+00  }
0x3f: {  	v2 =	vsel vm9, v2, v3  }
0x40: {  	v2 =	vsub.f32 v2, v0;
	_ =	sdelay $0x1  }
0x41: {  	v2 =	vmul.f32 $1.442695020e+00, v2;
	_ =	sdelay $0x1  }
0x42: {  	(erf) = vpow2.f32 v2;
	_ =	sdelay $0x8  }
0x43: {  	v2 =	vpop (erf)  }
0x44: {  	[tilespmem:$0x5790] =	vst v2  }
0x45: {  	[tilespmem:v1+s18+$0x10 ss:$0x1] =	vst.idx.msk $0xffff, v2  }
0x46: {  	v2 =	vld [tilespmem:s18+$0x4FA0]  }
0x47: {  	v3 =	vld [tilespmem:s18+$0x53A0];
	_ =	sdelay $0x6  }
0x48: {  	v2 =	vld.idx.msk [tilespmem:v2+s2+$0x0], $0xffff  }
0x49: {  	v3 =	vld.idx.msk [tilespmem:v3+s4+$0x0], $0xffff;
	_ =	sdelay $0x4  }
0x4a: {  	v2 =	vadd.f32 v3, v2;
	_ =	sdelay $0x1  }
0x4b: {  	v3 =	vmul.f32 $2.000000030e-01, v2  }
0x4c: {  	vm10 =	vgt.f32 v2, $0.0e+00  }
0x4d: {  	v2 =	vsel vm10, v2, v3  }
0x4e: {  	v2 =	vsub.f32 v2, v0;
	_ =	sdelay $0x1  }
0x4f: {  	v2 =	vmul.f32 $1.442695020e+00, v2;
	_ =	sdelay $0x1  }
0x50: {  	(erf) = vpow2.f32 v2;
	_ =	sdelay $0x8  }
0x51: {  	v2 =	vpop (erf)  }
0x52: {  	[tilespmem:$0x57A0] =	vst v2  }
0x53: {  	[tilespmem:v1+s18+$0x20 ss:$0x1] =	vst.idx.msk $0xffff, v2  }
0x54: {  	v2 =	vld [tilespmem:s18+$0x4FB0]  }
0x55: {  	v3 =	vld [tilespmem:s18+$0x53B0];
	_ =	sdelay $0x6  }
0x56: {  	v2 =	vld.idx.msk [tilespmem:v2+s2+$0x0], $0xffff  }
0x57: {  	v3 =	vld.idx.msk [tilespmem:v3+s4+$0x0], $0xffff;
	_ =	sdelay $0x4  }
0x58: {  	v2 =	vadd.f32 v3, v2;
	_ =	sdelay $0x1  }
0x59: {  	v3 =	vmul.f32 $2.000000030e-01, v2  }
0x5a: {  	vm11 =	vgt.f32 v2, $0.0e+00  }
0x5b: {  	v2 =	vsel vm11, v2, v3  }
0x5c: {  	v2 =	vsub.f32 v2, v0;
	_ =	sdelay $0x1  }
0x5d: {  	v2 =	vmul.f32 $1.442695020e+00, v2;
	_ =	sdelay $0x1  }
0x5e: {  	(erf) = vpow2.f32 v2;
	_ =	sdelay $0x8  }
0x5f: {  	v2 =	vpop (erf)  }
0x60: {  	[tilespmem:$0x57B0] =	vst v2  }
0x61: {  	[tilespmem:v1+s18+$0x30 ss:$0x1] =	vst.idx.msk $0xffff, v2  }
0x62: {  	v2 =	vld [tilespmem:s18+$0x4FC0]  }
0x63: {  	v3 =	vld [tilespmem:s18+$0x53C0];
	_ =	sdelay $0x6  }
0x64: {  	v2 =	vld.idx.msk [tilespmem:v2+s2+$0x0], $0xffff  }
0x65: {  	v3 =	vld.idx.msk [tilespmem:v3+s4+$0x0], $0xffff;
	_ =	sdelay $0x4  }
0x66: {  	v2 =	vadd.f32 v3, v2;
	_ =	sdelay $0x1  }
0x67: {  	v3 =	vmul.f32 $2.000000030e-01, v2  }
0x68: {  	vm12 =	vgt.f32 v2, $0.0e+00  }
0x69: {  	v2 =	vsel vm12, v2, v3  }
0x6a: {  	v2 =	vsub.f32 v2, v0;
	_ =	sdelay $0x1  }
0x6b: {  	v2 =	vmul.f32 $1.442695020e+00, v2;
	_ =	sdelay $0x1  }
0x6c: {  	(erf) = vpow2.f32 v2;
	_ =	sdelay $0x8  }
0x6d: {  	v2 =	vpop (erf)  }
0x6e: {  	[tilespmem:$0x57C0] =	vst v2  }
0x6f: {  	[tilespmem:v1+s18+$0x40 ss:$0x1] =	vst.idx.msk $0xffff, v2  }
0x70: {  	v2 =	vld [tilespmem:s18+$0x4FD0]  }
0x71: {  	v3 =	vld [tilespmem:s18+$0x53D0];
	_ =	sdelay $0x6  }
0x72: {  	v2 =	vld.idx.msk [tilespmem:v2+s2+$0x0], $0xffff  }
0x73: {  	v3 =	vld.idx.msk [tilespmem:v3+s4+$0x0], $0xffff;
	_ =	sdelay $0x4  }
0x74: {  	v2 =	vadd.f32 v3, v2;
	_ =	sdelay $0x1  }
0x75: {  	v3 =	vmul.f32 $2.000000030e-01, v2  }
0x76: {  	vm13 =	vgt.f32 v2, $0.0e+00  }
0x77: {  	v2 =	vsel vm13, v2, v3  }
0x78: {  	v2 =	vsub.f32 v2, v0;
	_ =	sdelay $0x1  }
0x79: {  	v2 =	vmul.f32 $1.442695020e+00, v2;
	_ =	sdelay $0x1  }
0x7a: {  	(erf) = vpow2.f32 v2;
	_ =	sdelay $0x8  }
0x7b: {  	v2 =	vpop (erf)  }
0x7c: {  	[tilespmem:$0x57D0] =	vst v2  }
0x7d: {  	[tilespmem:v1+s18+$0x50 ss:$0x1] =	vst.idx.msk $0xffff, v2  }
0x7e: {  	v2 =	vld [tilespmem:s18+$0x4FE0]  }
0x7f: {  	v3 =	vld [tilespmem:s18+$0x53E0];
	_ =	sdelay $0x6  }
0x80: {  	v2 =	vld.idx.msk [tilespmem:v2+s2+$0x0], $0xffff  }
0x81: {  	v3 =	vld.idx.msk [tilespmem:v3+s4+$0x0], $0xffff;
	_ =	sdelay $0x4  }
0x82: {  	v2 =	vadd.f32 v3, v2;
	_ =	sdelay $0x1  }
0x83: {  	v3 =	vmul.f32 $2.000000030e-01, v2  }
0x84: {  	vm14 =	vgt.f32 v2, $0.0e+00  }
0x85: {  	v2 =	vsel vm14, v2, v3  }
0x86: {  	v2 =	vsub.f32 v2, v0;
	_ =	sdelay $0x1  }
0x87: {  	v2 =	vmul.f32 $1.442695020e+00, v2;
	_ =	sdelay $0x1  }
0x88: {  	(erf) = vpow2.f32 v2;
	_ =	sdelay $0x8  }
0x89: {  	v2 =	vpop (erf)  }
0x8a: {  	[tilespmem:$0x57E0] =	vst v2  }
0x8b: {  	[tilespmem:v1+s18+$0x60 ss:$0x1] =	vst.idx.msk $0xffff, v2  }
0x8c: {  	v2 =	vld [tilespmem:s18+$0x4FF0]  }
0x8d: {  	v3 =	vld [tilespmem:s18+$0x53F0];
	_ =	sdelay $0x6  }
0x8e: {  	v2 =	vld.idx.msk [tilespmem:v2+s2+$0x0], $0xffff  }
0x8f: {  	v3 =	vld.idx.msk [tilespmem:v3+s4+$0x0], $0xffff;
	_ =	sdelay $0x4  }
0x90: {  	v2 =	vadd.f32 v3, v2;
	_ =	sdelay $0x1  }
0x91: {  	v3 =	vmul.f32 $2.000000030e-01, v2  }
0x92: {  	vm15 =	vgt.f32 v2, $0.0e+00  }
0x93: {  	v2 =	vsel vm15, v2, v3  }
0x94: {  	v2 =	vsub.f32 v2, v0;
	_ =	sdelay $0x1  }
0x95: {  	v2 =	vmul.f32 $1.442695020e+00, v2;
	_ =	sdelay $0x1  }
0x96: {  	(erf) = vpow2.f32 v2;
	_ =	sdelay $0x8  }
0x97: {  	v2 =	vpop (erf)  }
0x98: {  	p1 =	sne.s32 s17, $0xE00;
	[tilespmem:$0x57F0] =	vst v2  }
.Ltmp1:
0x99: {  	s19 =	sadd.s32 $0x5380, s18;
	[tilespmem:v1+s18+$0x70 ss:$0x1] =	vst.idx.msk $0xffff, v2;
	(pc) =	sbr.rel @p1 .LBB2_3-.Ltmp1, $4  }
0x9a: {  	[spmem:s1] =	stream.indirect.scatter.add.f32 [tilespmem:s15], [sflag:$0x1], $0x1, s19, s14, $0xb8;
	[tilespmem:$0xAE78] =	vst v63  }
0x9b: {  	_ =	swait.ge [sflag:s3], $0x80  }
0x9c: {  	[sflag:s3] =	ssyncset.done $0x0  }
0x9d: {  	s17 =	sadd.s32 $0x200, s17;
	[sflag:s3] =	ssyncadd.s32 $0xFFFFFF80  }
0x9e: {  	s16 =	sadd.s32 $0x1, s16  }
0x9f: {  	p1 =	sne.s32 s16, $0x15  }
.Ltmp2:
0xa0: {  	_ = 	snop;
	(pc) =	sbr.rel @p1 .LBB2_2-.Ltmp2, $2  }
0xa1: {  	_ =	sdelay $0x2  }
0xa2: {  	s11 =	sadd.s32 $0x400, s11  }
0xa3: {  	[bflag:$0x0] =	sbarrier.arrive $0xFFFF  }
0xa4: {  	s1 =	simm.s32 $0x0;
	s2 =	simm.s32 $0x5800;
	s31 =	simm.s32 $0x1  }
0xa5: {  	[hbm4b:s9+s1] =	stream.linear.scatter [tilespmem:s2], [sflag:$0x1], $0x5400, $0x38;
	[tilespmem:$0xAE78] =	vst v63  }
0xa6: {  	_ =	swait.ge [sflag:s31], $0x5400  }
0xa7: {  	[sflag:s31] =	ssyncset.done $0x0  }
0xa8: {  	s1 =	simm.s32 @!p0 $0x1C01;
	[sflag:s31] =	ssyncadd.s32 $0xFFFFAC00  }
0xa9: {  	[hbm:s6], [sflag:s1] =	dma.local @!p0 [spmem:s5], $0x4F0  }
0xaa: {  	s1 =	simm.s32 @!p0 $0x1  }
0xab: {  	_ =	swait.ge @!p0 [sflag:s1], $0x4F0  }
0xac: {  	[sflag:s1] =	ssyncset.done @!p0 $0x0  }
0xad: {  	[sflag:s1] =	ssyncadd.s32 @!p0 $0xFFFFFB10  }
.LBB2_6:
0xae: {  	_ =	sfence.sel $0x180000  }
0xaf: {  	[bflag:$0x0] =	sbarrier.arrive $0xFFFF  }
0xb0: {  	_ =	strace $0x90000050  }
0xb1: {  	s0 =	sadd.s32 @!p0 $0x100000, s0;
	[bflag:$0x2] =	sbarrier.arrive $0xFFFF  }
0xb2: {  	[sflag:s0] =	ssyncadd.tile.s32 @!p0 $0x1;
	_ =	shalt  }
.Lfunc_end2:
_tile_overlayer_lowered:
.L_overlay_start_2:
0xb3: {  	(tag) =	ssettag $0x2  }
0xb4: {  	s0 =	rddreg [dreg:$0x0];
	s2 =	stileid.u32  }
0xb5: {  	s1 =	rddreg [dreg:$0x1];
	p0 =	sne.s32 s2, $0x0  }
0xb6: {  	s3 =	rddreg [dreg:$0x2];
	[bflag:$0x3] =	sbarrier.arrive $0xFFFF;
	s2 =	simm.s32 @!p0 $0x1C01  }
0xb7: {  	[timem:s3], [sflag:s2] =	dma.local @!p0 [hbm:s0], s1  }
0xb8: {  	s0 =	simm.s32 @!p0 $0x1  }
0xb9: {  	_ =	swait.ge @!p0 [sflag:s0], s1  }
0xba: {  	s1 =	ssub.s32 @!p0 $0x0, s1;
	[sflag:s0] =	ssyncset.done @!p0 $0x0  }
0xbb: {  	[sflag:s0] =	ssyncadd.s32 @!p0 s1  }
0xbc: {  	[bflag:$0x3] =	sbarrier.arrive $0xFFFF  }
0xbd: {  	_ =	shalt  }

// kernel: kernel.7.cloned.1.call-start
scs
__scs_entry_jumppad:
0x0: {  	(pc) =	sbr.rel $0x88, $3  }
0x1: {  	(tag) =	ssettag $0x0;
	lr =	simm.s32 $0x1  }
0x2: {  	[smem:$0x3F92] =	sst lr;
	_ =	strace $0xD0000000  }
0x3: {  	_ = 	snop  }
0x4: {  	_ = 	snop  }
0x5: {  	_ = 	snop  }
0x6: {  	_ = 	snop  }
0x7: {  	_ = 	snop  }
__scs_overlays_trampoline_lowered:
0x8: {  	[smem:$0x3FA1] =	sst s0  }
0x9: {  	[smem:$0x3FA2] =	sst s1  }
0xa: {  	[smem:$0x3FA3] =	sst s2  }
0xb: {  	[smem:$0x3FA4] =	sst s3  }
0xc: {  	[smem:$0x3FA5] =	sst s4  }
0xd: {  	[smem:$0x3FA6] =	sst s5  }
0xe: {  	[smem:$0x3FA7] =	sst s6  }
0xf: {  	[smem:$0x3FA8] =	sst s7  }
0x10: {  	[smem:$0x3FA9] =	sst s8  }
0x11: {  	[smem:$0x3FAA] =	sst s9;
	s0 =	simm.s32 @!p0 $0x0  }
0x12: {  	s1 =	sld [smem:$0x3F90];
	s0 =	simm.s32 @p0 $0x1  }
0x13: {  	[smem:$0x3FAB] =	sst s0;
	s0 =	simm.s32 @!p1 $0x0  }
0x14: {  	s2 =	sld [smem:$0x3F8F];
	s0 =	simm.s32 @p1 $0x1  }
0x15: {  	[smem:$0x3FAC] =	sst s0;
	s0 =	simm.s32 @!p2 $0x0  }
0x16: {  	s3 =	sld [smem:$0x3FDB];
	s0 =	simm.s32 @p2 $0x1  }
0x17: {  	s4 =	simm.s32 $0x1BF5;
	[smem:$0x3FAE] =	sst s0  }
0x18: {  	s0 =	sld [smem:$0x3F91];
	_ =	swait.ge [sflag:s4], $0x0  }
0x19: {  	s7 =	sld [smem:$0x3F92]  }
0x1a: {  	s8 =	sadd.s32 $0xFFFFE003, lr  }
0x1b: {  	s9 =	sadd.s32 $0xFFFFFEF7, lr;
	s5 =	simm.s32 $0xFFFFFFFF;
	p2 =	slt.u32 s8, $0xFFFFF086  }
0x1c: {  	p1 =	slt.u32 s9, $0xF7A;
	s5 =	simm.s32 @!p2 $0x0  }
0x1d: {  	s5 =	simm.s32 @p1 $0x1;
	p0 =	seq.s32 s7, s2  }
0x1e: {  	s7 =	smul.u32 @!p0 $0xF7A, s2;
	p2 =	seq.s32 @!p0 s5, $0x0  }
0x1f: {  	s9 =	smul.u32 $0xF7A, s1;
	s8 =	simm.s32 @!p0 $0x1BF5;
	p2 =	por !p2, p0  }
0x20: {  	[sflag:s8] =	ssyncset.s32 @!p0 $0xFFFFF086;
	s6 =	sadd.s32 @!p0 s3, s7;
	s7 =	simm.s32 @!p0 $0x108  }
0x21: {  	s3 =	sadd.s32 s3, s9;
	s6 =	sadd.s32 @!p0 $0x88, s6;
	s7 =	simm.s32 @p2 $0x1082  }
0x22: {  	[simem:s7], [sflag:s8] =	dma.local @!p0 [hbm:s6], $0xF7A  }
0x23: {  	s9 =	sor.u32 $0xD0000000, s2;
	s6 =	simm.s32 $0x108;
	_ =	swait.ge @!p0 [sflag:s8], $0x0  }
0x24: {  	s3 =	sadd.s32 $0x88, s3;
	s6 =	simm.s32 @!p1 $0x1082;
	[sflag:s4] =	ssyncset.s32 $0xFFFFF086  }
0x25: {  	[simem:s6], [sflag:s4] =	dma.local [hbm:s3], $0xF7A  }
0x26: {  	[smem:$0x3F92] =	sst s1;
	(tag) =	ssettag s2;
	_ =	strace s9  }
0x27: {  	s1 =	sld [smem:$0x3FA2]  }
0x28: {  	s2 =	sld [smem:$0x3FA3]  }
0x29: {  	s4 =	sld [smem:$0x3FA5]  }
0x2a: {  	p0 =	seq.s32 s5, $0x0;
	s5 =	sld [smem:$0x3FA6]  }
0x2b: {  	s6 =	sld [smem:$0x3FA7]  }
0x2c: {  	s7 =	sld [smem:$0x3FA8]  }
0x2d: {  	s3 =	simm.s32 $0x108;
	s8 =	sld [smem:$0x3FA9]  }
0x2e: {  	s3 =	simm.s32 @!p0 $0x1082;
	s9 =	sld [smem:$0x3FAA]  }
0x2f: {  	lr =	sadd.s32 s0, s3;
	s0 =	sld [smem:$0x3FA1]  }
0x30: {  	s3 =	sld [smem:$0x3FA4]  }
0x31: {  	[smem:$0x3FAD] =	sst s10  }
0x32: {  	s10 =	sld [smem:$0x3FAB];
	_ =	sdelay $0x3  }
0x33: {  	p0 =	seq.s32 s10, $0x1;
	s10 =	sld [smem:$0x3FAD];
	_ =	sdelay $0x3  }
0x34: {  	[smem:$0x3FAD] =	sst s10  }
0x35: {  	s10 =	sld [smem:$0x3FAC];
	_ =	sdelay $0x3  }
0x36: {  	p1 =	seq.s32 s10, $0x1;
	s10 =	sld [smem:$0x3FAD];
	_ =	sdelay $0x3  }
0x37: {  	[smem:$0x3FAD] =	sst s10  }
0x38: {  	s10 =	sld [smem:$0x3FAE]  }
0x39: {  	_ = 	snop;
	(pc) =	sbr.ind lr, $3  }
0x3a: {  	_ = 	snop  }
0x3b: {  	_ = 	snop  }
0x3c: {  	p2 =	seq.s32 s10, $0x1;
	s10 =	sld [smem:$0x3FAD]  }
0x3d: {  	_ =	shalt  }
0x3e: {  	_ =	shalt  }
0x3f: {  	_ =	shalt  }
0x40: {  	_ =	shalt  }
0x41: {  	_ =	shalt  }
0x42: {  	_ =	shalt  }
0x43: {  	_ =	shalt  }
0x44: {  	_ =	shalt  }
0x45: {  	_ =	shalt  }
0x46: {  	_ =	shalt  }
0x47: {  	_ =	shalt  }
0x48: {  	_ =	shalt  }
0x49: {  	_ =	shalt  }
0x4a: {  	_ =	shalt  }
0x4b: {  	_ =	shalt  }
0x4c: {  	_ =	shalt  }
0x4d: {  	_ =	shalt  }
0x4e: {  	_ =	shalt  }
0x4f: {  	_ =	shalt  }
0x50: {  	_ =	shalt  }
0x51: {  	_ =	shalt  }
0x52: {  	_ =	shalt  }
0x53: {  	_ =	shalt  }
0x54: {  	_ =	shalt  }
0x55: {  	_ =	shalt  }
0x56: {  	_ =	shalt  }
0x57: {  	_ =	shalt  }
0x58: {  	_ =	shalt  }
0x59: {  	_ =	shalt  }
0x5a: {  	_ =	shalt  }
0x5b: {  	_ =	shalt  }
0x5c: {  	_ =	shalt  }
0x5d: {  	_ =	shalt  }
0x5e: {  	_ =	shalt  }
0x5f: {  	_ =	shalt  }
0x60: {  	_ =	shalt  }
0x61: {  	_ =	shalt  }
0x62: {  	_ =	shalt  }
0x63: {  	_ =	shalt  }
0x64: {  	_ =	shalt  }
0x65: {  	_ =	shalt  }
0x66: {  	_ =	shalt  }
0x67: {  	_ =	shalt  }
0x68: {  	_ =	shalt  }
0x69: {  	_ =	shalt  }
0x6a: {  	_ =	shalt  }
0x6b: {  	_ =	shalt  }
0x6c: {  	_ =	shalt  }
0x6d: {  	_ =	shalt  }
0x6e: {  	_ =	shalt  }
0x6f: {  	_ =	shalt  }
0x70: {  	_ =	shalt  }
0x71: {  	_ =	shalt  }
0x72: {  	_ =	shalt  }
0x73: {  	_ =	shalt  }
0x74: {  	_ =	shalt  }
0x75: {  	_ =	shalt  }
0x76: {  	_ =	shalt  }
0x77: {  	_ =	shalt  }
0x78: {  	_ =	shalt  }
0x79: {  	_ =	shalt  }
0x7a: {  	_ =	shalt  }
0x7b: {  	_ =	shalt  }
0x7c: {  	_ =	shalt  }
0x7d: {  	_ =	shalt  }
0x7e: {  	_ =	shalt  }
0x7f: {  	_ =	shalt  }
0x80: {  	_ =	shalt  }
0x81: {  	_ =	shalt  }
0x82: {  	_ =	shalt  }
0x83: {  	_ =	shalt  }
0x84: {  	_ =	shalt  }
0x85: {  	_ =	shalt  }
0x86: {  	_ =	shalt  }
0x87: {  	_ =	shalt  }
.Lfunc_end0:
.L_simem_size_0:
called_computation.2_lowered:
.L_overlay_start_0:
0x88: {  	s2 =	sld [smem:$0x3FD9]  }
0x89: {  	s3 =	sld [smem:$0x3FFE];
	_ =	sdelay $0x1  }
0x8a: {  	s1 =	srdreg.scid  }
0x8b: {  	s0 =	sand.u32 $0x1, s1  }
0x8c: {  	s16 =	sshll.u32 s0, $0xA;
	s2 =	sadd.s32 s3, s2  }
0x8d: {  	s2 =	sadd.s32 s2, s16  }
0x8e: {  	[smem:$0x3FB9] =	sst s2  }
0x8f: {  	_ = 	snop  }
0x90: {  	(tm) =	ssettm $0x1  }
0x91: {  	s17 =	sld [smem:$0x3FFB];
	_ =	sdelay $0x3  }
0x92: {  	_ =	strace s17  }
0x93: {  	s2 =	sld [smem:$0x3FFC];
	_ =	sdelay $0x3  }
0x94: {  	_ =	strace s2  }
0x95: {  	s2 =	sld [smem:$0x3FFD];
	_ =	sdelay $0x3  }
0x96: {  	_ =	strace s2  }
0x97: {  	_ =	strace $0x8FFFFFFF  }
0x98: {  	s18 =	sld [smem:$0x3FDB];
	_ =	sdelay $0x1  }
0x99: {  	s19 =	simm.s32 $_scs_section_size  }
0x9a: {  	s4 =	simm.s32 $_size__tile_overlayer_lowered;
	s5 =	simm.s32 $_tile_overlayer_lowered  }
0x9b: {  	s22 =	simm.s32 $0x1BFF;
	s21 =	sshll.u32 s5, $0x1;
	s2 =	sadd.s32 s19, s18  }
0x9c: {  	s6 =	simm.s32 $0x0;
	s20 =	sshll.u32 s4, $0x1;
	s4 =	sadd.s32 s21, s2  }
0x9d: {  	[timem:s6], [sflag:s22] =	dma.local [hbm:s4], s20  }
0x9e: {  	_ =	swait.ge [sflag:s22], s20  }
0x9f: {  	s3 =	ssub.s32 $0x0, s20;
	[sflag:s22] =	ssyncset.done $0x0  }
0xa0: {  	[sflag:s22] =	ssyncadd.s32 s3;
	_ =	sdelay $0x1  }
0xa1: {  	s23 =	simm.s32 $0x1B8B  }
0xa2: {  	_ =	swait.ge [sflag:s23], $0x1  }
0xa3: {  	[sflag:s23] =	ssyncset.done $0x0  }
0xa4: {  	s25 =	simm.s32 $0x1B8E;
	s24 =	sld [smem:$0x3FFE];
	[sflag:s23] =	ssyncadd.s32 $0xFFFFFFFF  }
0xa5: {  	s26 =	simm.s32 $execute0_lowered;
	[smem:$0x3FD2] =	sst s25  }
0xa6: {  	s4 =	sshll.u32 s26, $0x1;
	_ =	strace $0x80000046;
	[dreg:$0x1] =	wrdreg $0xFFFFFFFF  }
0xa7: {  	s28 =	simm.s32 $_size_execute0_lowered;
	s2 =	sadd.s32 s2, s4;
	[dreg:$0x0] =	wrdreg $0x0  }
0xa8: {  	s4 =	sshll.u32 s28, $0x1;
	[dreg:$0x2] =	wrdreg s2  }
0xa9: {  	[dreg:$0x3] =	wrdreg s4  }
0xaa: {  	[dreg:$0x4] =	wrdreg $0xC0  }
0xab: {  	_ =	task [dreg:s6], $0x5FFFF  }
0xac: {  	[dreg:$0x1] =	wrdreg $0xFFFFFFFF  }
0xad: {  	[dreg:$0x0] =	wrdreg $0x60  }
0xae: {  	[dreg:$0x2] =	wrdreg s24  }
0xaf: {  	[dreg:$0x3] =	wrdreg $0xAC000  }
0xb0: {  	[dreg:$0x4] =	wrdreg $0x9  }
0xb1: {  	_ =	task.clear_ibuf [dreg:s6], $0x5FFFF;
	_ =	strace $0x90000046  }
0xb2: {  	s29 =	simm.s32 $0x9;
	_ =	strace $0x80000048  }
0xb3: {  	_ =	swait.ge [sflag:s29], $0x1  }
0xb4: {  	[sflag:s29] =	ssyncadd.s32 $0xFFFFFFFF  }
0xb5: {  	_ =	strace $0x90000048  }
0xb6: {  	_ =	sfence  }
0xb7: {  	s30 =	sld [smem:$0x0];
	_ =	sdelay $0x2  }
0xb8: {  	s31 =	sshll.u32 s1, $0xD;
	s1 =	sshrl.u32 s1, $0x2  }
0xb9: {  	s3 =	sand.u32 $0x4000, s31;
	s1 =	sadd.s32 s1, s30  }
0xba: {  	s0 =	sor.u32 s3, s0;
	s1 =	sshll.u32 s1, $0x11  }
0xbb: {  	s0 =	sor.u32 s1, s0  }
0xbc: {  	s0 =	sadd.s32 $0x8F2B, s0  }
0xbd: {  	[sflag:s0] =	ssyncadd.remote.s32 $0x1  }
0xbe: {  	_ =	sfence.sel $0xFFFF  }
0xbf: {  	[dreg:$0x0] =	wrdreg $0xFFFFFFFF;
	(pc) =	sbr.abs _section_cstart, $3  }
0xc0: {  	[dreg:$0x1] =	wrdreg $0xFFFFFFFF  }
0xc1: {  	_ =	task.clear_ibuf [dreg:s6], $0x2FFFF;
	_ =	strace $0x9FFFFFFF  }
0xc2: {  	(tm) =	ssettm $0x7FFFFFFF  }
0xc3: {  	_ =	shalt  }
tec
execute0_lowered:
.L_overlay_start_1:
0x0: {  	(tag) =	ssettag $0x1  }
0x1: {  	s3 =	srdreg.scid  }
0x2: {  	s3 =	sand.u32 $0x1, s3  }
0x3: {  	p1 =	seq.s32 s3, $0x1  }
.Ltmp0:
0x4: {  	_ = 	snop;
	(pc) =	sbr.rel @p1 .LBB2_6-.Ltmp0, $4  }
0x5: {  	s6 =	rddreg [dreg:$0x0]  }
0x6: {  	s1 =	rddreg [dreg:$0x1];
	s2 =	simm.s32 $0x0  }
0x7: {  	s9 =	stileid.u32;
	[smem:$0x7FF] =	sst s2  }
0x8: {  	s0 =	rddreg [dreg:$0x2];
	p0 =	sne.s32 s9, $0x0;
	_ =	strace $0x80000047  }
0x9: {  	s3 =	sadd.s32 $0x6EE00, s6  }
0xa: {  	[tilespmem:s2], [sflag:$0x1] =	stream.linear.gather [hbm4b:s3+s2], $0x2780, $0x38;
	[tilespmem:$0xAE78] =	vst v63  }
0xb: {  	s3 =	simm.s32 $0x1  }
0xc: {  	_ =	swait.ge [sflag:s3], $0x2780  }
0xd: {  	[sflag:s3] =	ssyncset.done $0x0  }
0xe: {  	s5 =	sadd.s32 $0x6F400, s6;
	s4 =	simm.s32 $0x2780;
	[sflag:s3] =	ssyncadd.s32 $0xFFFFD880  }
0xf: {  	[tilespmem:s4], [sflag:$0x1] =	stream.linear.gather [hbm4b:s5+s2], $0x2780, $0x38;
	[tilespmem:$0xAE78] =	vst v63  }
0x10: {  	_ =	swait.ge [sflag:s3], $0x2780  }
0x11: {  	[sflag:s3] =	ssyncset.done $0x0  }
0x12: {  	s31 =	sadd.s32 $0x6FA00, s6;
	s7 =	simm.s32 $0x4F00;
	[sflag:s3] =	ssyncadd.s32 $0xFFFFD880  }
0x13: {  	[tilespmem:s7], [sflag:$0x1] =	stream.linear.gather [hbm4b:s31+s2], $0x80, $0x38;
	[tilespmem:$0xAE78] =	vst v63  }
0x14: {  	s8 =	simm.s32 @!p0 $0x1C01;
	s10 =	simm.s32 @!p0 $0x1;
	_ =	swait.ge [sflag:s3], $0x80  }
0x15: {  	s11 =	smul.u32 $0xA80, s9;
	s12 =	simm.s32 $0x4F80;
	[sflag:s3] =	ssyncset.done $0x0  }
0x16: {  	s5 =	sshrl.u32 @!p0 s1, $0x3;
	s7 =	sadd.s32 $0x6FC00, s6;
	[sflag:s3] =	ssyncadd.s32 $0xFFFFFF80  }
0x17: {  	[spmem:s5], [sflag:s8] =	dma.local @!p0 [hbm:s7], $0x4F0  }
0x18: {  	s13 =	simm.s32 $0x5380;
	s14 =	simm.s32 $0x80;
	_ =	swait.ge @!p0 [sflag:s10], $0x4F0  }
0x19: {  	s15 =	simm.s32 $0x5780;
	s16 =	simm.s32 $0x0;
	[sflag:s10] =	ssyncset.done @!p0 $0x0  }
0x1a: {  	s11 =	sadd.s32 s11, s6;
	s7 =	sadd.s32 $0x16400, s6;
	[sflag:s10] =	ssyncadd.s32 @!p0 $0xFFFFFB10  }
0x1b: {  	s8 =	sadd.s32 $0xBC00, s6;
	s6 =	sadd.s32 $0x7AA00, s6;
	[bflag:$0x0] =	sbarrier.arrive $0xFFFF  }
0x1c: {  	s10 =	smul.u32 $0xA8, s9;
	s9 =	sadd.s32 $0x70200, s11;
	s11 =	simm.s32 $0x5800;
	v0 =	vld [tilespmem:$0x4F00]  }
.LBB2_2:
0x1d: {  	s17 =	sshll.u32 s16, $0x3  }
0x1e: {  	s17 =	sadd.s32 s10, s17  }
0x1f: {  	s18 =	sshll.u32 s17, $0x4  }
0x20: {  	s17 =	simm.s32 $0x0;
	s19 =	sadd.s32 s7, s18  }
0x21: {  	[tilespmem:s12], [sflag:$0x1] =	stream.linear.gather [hbm4b:s19+s17], $0x400, $0x38;
	[tilespmem:$0xAE78] =	vst v63  }
0x22: {  	_ =	swait.ge [sflag:s3], $0x400  }
0x23: {  	[sflag:s3] =	ssyncset.done $0x0  }
0x24: {  	s18 =	sadd.s32 s8, s18;
	[sflag:s3] =	ssyncadd.s32 $0xFFFFFC00  }
0x25: {  	[tilespmem:s13], [sflag:$0x1] =	stream.linear.gather [hbm4b:s18+s17], $0x400, $0x38;
	[tilespmem:$0xAE78] =	vst v63  }
0x26: {  	_ =	swait.ge [sflag:s3], $0x400  }
0x27: {  	[sflag:s3] =	ssyncset.done $0x0  }
0x28: {  	v1 =	vmov s11;
	[sflag:s3] =	ssyncadd.s32 $0xFFFFFC00  }
.LBB2_3:
0x29: {  	s18 =	sshra.s32 s17, $0x2  }
0x2a: {  	v2 =	vld [tilespmem:s18+$0x4F80]  }
0x2b: {  	v3 =	vld [tilespmem:s18+$0x5380];
	_ =	sdelay $0x6  }
0x2c: {  	v2 =	vld.idx.msk [tilespmem:v2+s2+$0x0], $0xffff  }
0x2d: {  	v3 =	vld.idx.msk [tilespmem:v3+s4+$0x0], $0xffff;
	_ =	sdelay $0x4  }
0x2e: {  	v2 =	vadd.f32 v3, v2;
	_ =	sdelay $0x1  }
0x2f: {  	v3 =	vmul.f32 $2.000000030e-01, v2  }
0x30: {  	vm0 =	vgt.f32 v2, $0.0e+00  }
0x31: {  	v2 =	vsel vm0, v2, v3  }
0x32: {  	v2 =	vsub.f32 v2, v0;
	_ =	sdelay $0x1  }
0x33: {  	v2 =	vmul.f32 $1.442695020e+00, v2;
	_ =	sdelay $0x1  }
0x34: {  	(erf) = vpow2.f32 v2;
	_ =	sdelay $0x8  }
0x35: {  	v2 =	vpop (erf)  }
0x36: {  	[tilespmem:$0x5780] =	vst v2  }
0x37: {  	[tilespmem:v1+s18+$0x0 ss:$0x1] =	vst.idx.msk $0xffff, v2  }
0x38: {  	v2 =	vld [tilespmem:s18+$0x4F90]  }
0x39: {  	v3 =	vld [tilespmem:s18+$0x5390];
	_ =	sdelay $0x6  }
0x3a: {  	v2 =	vld.idx.msk [tilespmem:v2+s2+$0x0], $0xffff  }
0x3b: {  	v3 =	vld.idx.msk [tilespmem:v3+s4+$0x0], $0xffff;
	_ =	sdelay $0x4  }
0x3c: {  	v2 =	vadd.f32 v3, v2;
	_ =	sdelay $0x1  }
0x3d: {  	v3 =	vmul.f32 $2.000000030e-01, v2  }
0x3e: {  	vm9 =	vgt.f32 v2, $0.0e+00  }
0x3f: {  	v2 =	vsel vm9, v2, v3  }
0x40: {  	v2 =	vsub.f32 v2, v0;
	_ =	sdelay $0x1  }
0x41: {  	v2 =	vmul.f32 $1.442695020e+00, v2;
	_ =	sdelay $0x1  }
0x42: {  	(erf) = vpow2.f32 v2;
	_ =	sdelay $0x8  }
0x43: {  	v2 =	vpop (erf)  }
0x44: {  	[tilespmem:$0x5790] =	vst v2  }
0x45: {  	[tilespmem:v1+s18+$0x10 ss:$0x1] =	vst.idx.msk $0xffff, v2  }
0x46: {  	v2 =	vld [tilespmem:s18+$0x4FA0]  }
0x47: {  	v3 =	vld [tilespmem:s18+$0x53A0];
	_ =	sdelay $0x6  }
0x48: {  	v2 =	vld.idx.msk [tilespmem:v2+s2+$0x0], $0xffff  }
0x49: {  	v3 =	vld.idx.msk [tilespmem:v3+s4+$0x0], $0xffff;
	_ =	sdelay $0x4  }
0x4a: {  	v2 =	vadd.f32 v3, v2;
	_ =	sdelay $0x1  }
0x4b: {  	v3 =	vmul.f32 $2.000000030e-01, v2  }
0x4c: {  	vm10 =	vgt.f32 v2, $0.0e+00  }
0x4d: {  	v2 =	vsel vm10, v2, v3  }
0x4e: {  	v2 =	vsub.f32 v2, v0;
	_ =	sdelay $0x1  }
0x4f: {  	v2 =	vmul.f32 $1.442695020e+00, v2;
	_ =	sdelay $0x1  }
0x50: {  	(erf) = vpow2.f32 v2;
	_ =	sdelay $0x8  }
0x51: {  	v2 =	vpop (erf)  }
0x52: {  	[tilespmem:$0x57A0] =	vst v2  }
0x53: {  	[tilespmem:v1+s18+$0x20 ss:$0x1] =	vst.idx.msk $0xffff, v2  }
0x54: {  	v2 =	vld [tilespmem:s18+$0x4FB0]  }
0x55: {  	v3 =	vld [tilespmem:s18+$0x53B0];
	_ =	sdelay $0x6  }
0x56: {  	v2 =	vld.idx.msk [tilespmem:v2+s2+$0x0], $0xffff  }
0x57: {  	v3 =	vld.idx.msk [tilespmem:v3+s4+$0x0], $0xffff;
	_ =	sdelay $0x4  }
0x58: {  	v2 =	vadd.f32 v3, v2;
	_ =	sdelay $0x1  }
0x59: {  	v3 =	vmul.f32 $2.000000030e-01, v2  }
0x5a: {  	vm11 =	vgt.f32 v2, $0.0e+00  }
0x5b: {  	v2 =	vsel vm11, v2, v3  }
0x5c: {  	v2 =	vsub.f32 v2, v0;
	_ =	sdelay $0x1  }
0x5d: {  	v2 =	vmul.f32 $1.442695020e+00, v2;
	_ =	sdelay $0x1  }
0x5e: {  	(erf) = vpow2.f32 v2;
	_ =	sdelay $0x8  }
0x5f: {  	v2 =	vpop (erf)  }
0x60: {  	[tilespmem:$0x57B0] =	vst v2  }
0x61: {  	[tilespmem:v1+s18+$0x30 ss:$0x1] =	vst.idx.msk $0xffff, v2  }
0x62: {  	v2 =	vld [tilespmem:s18+$0x4FC0]  }
0x63: {  	v3 =	vld [tilespmem:s18+$0x53C0];
	_ =	sdelay $0x6  }
0x64: {  	v2 =	vld.idx.msk [tilespmem:v2+s2+$0x0], $0xffff  }
0x65: {  	v3 =	vld.idx.msk [tilespmem:v3+s4+$0x0], $0xffff;
	_ =	sdelay $0x4  }
0x66: {  	v2 =	vadd.f32 v3, v2;
	_ =	sdelay $0x1  }
0x67: {  	v3 =	vmul.f32 $2.000000030e-01, v2  }
0x68: {  	vm12 =	vgt.f32 v2, $0.0e+00  }
0x69: {  	v2 =	vsel vm12, v2, v3  }
0x6a: {  	v2 =	vsub.f32 v2, v0;
	_ =	sdelay $0x1  }
0x6b: {  	v2 =	vmul.f32 $1.442695020e+00, v2;
	_ =	sdelay $0x1  }
0x6c: {  	(erf) = vpow2.f32 v2;
	_ =	sdelay $0x8  }
0x6d: {  	v2 =	vpop (erf)  }
0x6e: {  	[tilespmem:$0x57C0] =	vst v2  }
0x6f: {  	[tilespmem:v1+s18+$0x40 ss:$0x1] =	vst.idx.msk $0xffff, v2  }
0x70: {  	v2 =	vld [tilespmem:s18+$0x4FD0]  }
0x71: {  	v3 =	vld [tilespmem:s18+$0x53D0];
	_ =	sdelay $0x6  }
0x72: {  	v2 =	vld.idx.msk [tilespmem:v2+s2+$0x0], $0xffff  }
0x73: {  	v3 =	vld.idx.msk [tilespmem:v3+s4+$0x0], $0xffff;
	_ =	sdelay $0x4  }
0x74: {  	v2 =	vadd.f32 v3, v2;
	_ =	sdelay $0x1  }
0x75: {  	v3 =	vmul.f32 $2.000000030e-01, v2  }
0x76: {  	vm13 =	vgt.f32 v2, $0.0e+00  }
0x77: {  	v2 =	vsel vm13, v2, v3  }
0x78: {  	v2 =	vsub.f32 v2, v0;
	_ =	sdelay $0x1  }
0x79: {  	v2 =	vmul.f32 $1.442695020e+00, v2;
	_ =	sdelay $0x1  }
0x7a: {  	(erf) = vpow2.f32 v2;
	_ =	sdelay $0x8  }
0x7b: {  	v2 =	vpop (erf)  }
0x7c: {  	[tilespmem:$0x57D0] =	vst v2  }
0x7d: {  	[tilespmem:v1+s18+$0x50 ss:$0x1] =	vst.idx.msk $0xffff, v2  }
0x7e: {  	v2 =	vld [tilespmem:s18+$0x4FE0]  }
0x7f: {  	v3 =	vld [tilespmem:s18+$0x53E0];
	_ =	sdelay $0x6  }
0x80: {  	v2 =	vld.idx.msk [tilespmem:v2+s2+$0x0], $0xffff  }
0x81: {  	v3 =	vld.idx.msk [tilespmem:v3+s4+$0x0], $0xffff;
	_ =	sdelay $0x4  }
0x82: {  	v2 =	vadd.f32 v3, v2;
	_ =	sdelay $0x1  }
0x83: {  	v3 =	vmul.f32 $2.000000030e-01, v2  }
0x84: {  	vm14 =	vgt.f32 v2, $0.0e+00  }
0x85: {  	v2 =	vsel vm14, v2, v3  }
0x86: {  	v2 =	vsub.f32 v2, v0;
	_ =	sdelay $0x1  }
0x87: {  	v2 =	vmul.f32 $1.442695020e+00, v2;
	_ =	sdelay $0x1  }
0x88: {  	(erf) = vpow2.f32 v2;
	_ =	sdelay $0x8  }
0x89: {  	v2 =	vpop (erf)  }
0x8a: {  	[tilespmem:$0x57E0] =	vst v2  }
0x8b: {  	[tilespmem:v1+s18+$0x60 ss:$0x1] =	vst.idx.msk $0xffff, v2  }
0x8c: {  	v2 =	vld [tilespmem:s18+$0x4FF0]  }
0x8d: {  	v3 =	vld [tilespmem:s18+$0x53F0];
	_ =	sdelay $0x6  }
0x8e: {  	v2 =	vld.idx.msk [tilespmem:v2+s2+$0x0], $0xffff  }
0x8f: {  	v3 =	vld.idx.msk [tilespmem:v3+s4+$0x0], $0xffff;
	_ =	sdelay $0x4  }
0x90: {  	v2 =	vadd.f32 v3, v2;
	_ =	sdelay $0x1  }
0x91: {  	v3 =	vmul.f32 $2.000000030e-01, v2  }
0x92: {  	vm15 =	vgt.f32 v2, $0.0e+00  }
0x93: {  	v2 =	vsel vm15, v2, v3  }
0x94: {  	v2 =	vsub.f32 v2, v0;
	_ =	sdelay $0x1  }
0x95: {  	v2 =	vmul.f32 $1.442695020e+00, v2;
	_ =	sdelay $0x1  }
0x96: {  	(erf) = vpow2.f32 v2;
	_ =	sdelay $0x8  }
0x97: {  	v2 =	vpop (erf)  }
0x98: {  	p1 =	sne.s32 s17, $0xE00;
	[tilespmem:$0x57F0] =	vst v2  }
.Ltmp1:
0x99: {  	s19 =	sadd.s32 $0x5380, s18;
	[tilespmem:v1+s18+$0x70 ss:$0x1] =	vst.idx.msk $0xffff, v2;
	(pc) =	sbr.rel @p1 .LBB2_3-.Ltmp1, $4  }
0x9a: {  	[spmem:s1] =	stream.indirect.scatter.add.f32 [tilespmem:s15], [sflag:$0x1], $0x1, s19, s14, $0xb8;
	[tilespmem:$0xAE78] =	vst v63  }
0x9b: {  	_ =	swait.ge [sflag:s3], $0x80  }
0x9c: {  	[sflag:s3] =	ssyncset.done $0x0  }
0x9d: {  	s17 =	sadd.s32 $0x200, s17;
	[sflag:s3] =	ssyncadd.s32 $0xFFFFFF80  }
0x9e: {  	s16 =	sadd.s32 $0x1, s16  }
0x9f: {  	p1 =	sne.s32 s16, $0x15  }
.Ltmp2:
0xa0: {  	_ = 	snop;
	(pc) =	sbr.rel @p1 .LBB2_2-.Ltmp2, $2  }
0xa1: {  	_ =	sdelay $0x2  }
0xa2: {  	s11 =	sadd.s32 $0x400, s11  }
0xa3: {  	[bflag:$0x0] =	sbarrier.arrive $0xFFFF  }
0xa4: {  	s1 =	simm.s32 $0x0;
	s2 =	simm.s32 $0x5800;
	s31 =	simm.s32 $0x1  }
0xa5: {  	[hbm4b:s9+s1] =	stream.linear.scatter [tilespmem:s2], [sflag:$0x1], $0x5400, $0x38;
	[tilespmem:$0xAE78] =	vst v63  }
0xa6: {  	_ =	swait.ge [sflag:s31], $0x5400  }
0xa7: {  	[sflag:s31] =	ssyncset.done $0x0  }
0xa8: {  	s1 =	simm.s32 @!p0 $0x1C01;
	[sflag:s31] =	ssyncadd.s32 $0xFFFFAC00  }
0xa9: {  	[hbm:s6], [sflag:s1] =	dma.local @!p0 [spmem:s5], $0x4F0  }
0xaa: {  	s1 =	simm.s32 @!p0 $0x1  }
0xab: {  	_ =	swait.ge @!p0 [sflag:s1], $0x4F0  }
0xac: {  	[sflag:s1] =	ssyncset.done @!p0 $0x0  }
0xad: {  	[sflag:s1] =	ssyncadd.s32 @!p0 $0xFFFFFB10  }
.LBB2_6:
0xae: {  	_ =	sfence.sel $0x180000  }
0xaf: {  	[bflag:$0x0] =	sbarrier.arrive $0xFFFF  }
0xb0: {  	_ =	strace $0x90000047  }
0xb1: {  	s0 =	sadd.s32 @!p0 $0x100000, s0;
	[bflag:$0x2] =	sbarrier.arrive $0xFFFF  }
0xb2: {  	[sflag:s0] =	ssyncadd.tile.s32 @!p0 $0x1;
	_ =	shalt  }
.Lfunc_end2:
_tile_overlayer_lowered:
.L_overlay_start_2:
0xb3: {  	(tag) =	ssettag $0x2  }
0xb4: {  	s0 =	rddreg [dreg:$0x0];
	s2 =	stileid.u32  }
0xb5: {  	s1 =	rddreg [dreg:$0x1];
	p0 =	sne.s32 s2, $0x0  }
0xb6: {  	s3 =	rddreg [dreg:$0x2];
	[bflag:$0x3] =	sbarrier.arrive $0xFFFF;
	s2 =	simm.s32 @!p0 $0x1C01  }
0xb7: {  	[timem:s3], [sflag:s2] =	dma.local @!p0 [hbm:s0], s1  }
0xb8: {  	s0 =	simm.s32 @!p0 $0x1  }
0xb9: {  	_ =	swait.ge @!p0 [sflag:s0], s1  }
0xba: {  	s1 =	ssub.s32 @!p0 $0x0, s1;
	[sflag:s0] =	ssyncset.done @!p0 $0x0  }
0xbb: {  	[sflag:s0] =	ssyncadd.s32 @!p0 s1  }
0xbc: {  	[bflag:$0x3] =	sbarrier.arrive $0xFFFF  }
0xbd: {  	_ =	shalt  }

// kernel: scatter_offload_async_start.1
scs
__scs_entry_jumppad:
0x0: {  	(pc) =	sbr.rel $0x88, $3  }
0x1: {  	(tag) =	ssettag $0x0;
	lr =	simm.s32 $0x1  }
0x2: {  	[smem:$0x3F92] =	sst lr;
	_ =	strace $0xD0000000  }
0x3: {  	_ = 	snop  }
0x4: {  	_ = 	snop  }
0x5: {  	_ = 	snop  }
0x6: {  	_ = 	snop  }
0x7: {  	_ = 	snop  }
__scs_overlays_trampoline_lowered:
0x8: {  	[smem:$0x3FA1] =	sst s0  }
0x9: {  	[smem:$0x3FA2] =	sst s1  }
0xa: {  	[smem:$0x3FA3] =	sst s2  }
0xb: {  	[smem:$0x3FA4] =	sst s3  }
0xc: {  	[smem:$0x3FA5] =	sst s4  }
0xd: {  	[smem:$0x3FA6] =	sst s5  }
0xe: {  	[smem:$0x3FA7] =	sst s6  }
0xf: {  	[smem:$0x3FA8] =	sst s7  }
0x10: {  	[smem:$0x3FA9] =	sst s8  }
0x11: {  	[smem:$0x3FAA] =	sst s9;
	s0 =	simm.s32 @!p0 $0x0  }
0x12: {  	s1 =	sld [smem:$0x3F90];
	s0 =	simm.s32 @p0 $0x1  }
0x13: {  	[smem:$0x3FAB] =	sst s0;
	s0 =	simm.s32 @!p1 $0x0  }
0x14: {  	s2 =	sld [smem:$0x3F8F];
	s0 =	simm.s32 @p1 $0x1  }
0x15: {  	[smem:$0x3FAC] =	sst s0;
	s0 =	simm.s32 @!p2 $0x0  }
0x16: {  	s3 =	sld [smem:$0x3FDB];
	s0 =	simm.s32 @p2 $0x1  }
0x17: {  	s4 =	simm.s32 $0x1BF5;
	[smem:$0x3FAE] =	sst s0  }
0x18: {  	s0 =	sld [smem:$0x3F91];
	_ =	swait.ge [sflag:s4], $0x0  }
0x19: {  	s7 =	sld [smem:$0x3F92]  }
0x1a: {  	s8 =	sadd.s32 $0xFFFFE003, lr  }
0x1b: {  	s9 =	sadd.s32 $0xFFFFFEF7, lr;
	s5 =	simm.s32 $0xFFFFFFFF;
	p2 =	slt.u32 s8, $0xFFFFF086  }
0x1c: {  	p1 =	slt.u32 s9, $0xF7A;
	s5 =	simm.s32 @!p2 $0x0  }
0x1d: {  	s5 =	simm.s32 @p1 $0x1;
	p0 =	seq.s32 s7, s2  }
0x1e: {  	s7 =	smul.u32 @!p0 $0xF7A, s2;
	p2 =	seq.s32 @!p0 s5, $0x0  }
0x1f: {  	s9 =	smul.u32 $0xF7A, s1;
	s8 =	simm.s32 @!p0 $0x1BF5;
	p2 =	por !p2, p0  }
0x20: {  	[sflag:s8] =	ssyncset.s32 @!p0 $0xFFFFF086;
	s6 =	sadd.s32 @!p0 s3, s7;
	s7 =	simm.s32 @!p0 $0x108  }
0x21: {  	s3 =	sadd.s32 s3, s9;
	s6 =	sadd.s32 @!p0 $0x88, s6;
	s7 =	simm.s32 @p2 $0x1082  }
0x22: {  	[simem:s7], [sflag:s8] =	dma.local @!p0 [hbm:s6], $0xF7A  }
0x23: {  	s9 =	sor.u32 $0xD0000000, s2;
	s6 =	simm.s32 $0x108;
	_ =	swait.ge @!p0 [sflag:s8], $0x0  }
0x24: {  	s3 =	sadd.s32 $0x88, s3;
	s6 =	simm.s32 @!p1 $0x1082;
	[sflag:s4] =	ssyncset.s32 $0xFFFFF086  }
0x25: {  	[simem:s6], [sflag:s4] =	dma.local [hbm:s3], $0xF7A  }
0x26: {  	[smem:$0x3F92] =	sst s1;
	(tag) =	ssettag s2;
	_ =	strace s9  }
0x27: {  	s1 =	sld [smem:$0x3FA2]  }
0x28: {  	s2 =	sld [smem:$0x3FA3]  }
0x29: {  	s4 =	sld [smem:$0x3FA5]  }
0x2a: {  	p0 =	seq.s32 s5, $0x0;
	s5 =	sld [smem:$0x3FA6]  }
0x2b: {  	s6 =	sld [smem:$0x3FA7]  }
0x2c: {  	s7 =	sld [smem:$0x3FA8]  }
0x2d: {  	s3 =	simm.s32 $0x108;
	s8 =	sld [smem:$0x3FA9]  }
0x2e: {  	s3 =	simm.s32 @!p0 $0x1082;
	s9 =	sld [smem:$0x3FAA]  }
0x2f: {  	lr =	sadd.s32 s0, s3;
	s0 =	sld [smem:$0x3FA1]  }
0x30: {  	s3 =	sld [smem:$0x3FA4]  }
0x31: {  	[smem:$0x3FAD] =	sst s10  }
0x32: {  	s10 =	sld [smem:$0x3FAB];
	_ =	sdelay $0x3  }
0x33: {  	p0 =	seq.s32 s10, $0x1;
	s10 =	sld [smem:$0x3FAD];
	_ =	sdelay $0x3  }
0x34: {  	[smem:$0x3FAD] =	sst s10  }
0x35: {  	s10 =	sld [smem:$0x3FAC];
	_ =	sdelay $0x3  }
0x36: {  	p1 =	seq.s32 s10, $0x1;
	s10 =	sld [smem:$0x3FAD];
	_ =	sdelay $0x3  }
0x37: {  	[smem:$0x3FAD] =	sst s10  }
0x38: {  	s10 =	sld [smem:$0x3FAE]  }
0x39: {  	_ = 	snop;
	(pc) =	sbr.ind lr, $3  }
0x3a: {  	_ = 	snop  }
0x3b: {  	_ = 	snop  }
0x3c: {  	p2 =	seq.s32 s10, $0x1;
	s10 =	sld [smem:$0x3FAD]  }
0x3d: {  	_ =	shalt  }
0x3e: {  	_ =	shalt  }
0x3f: {  	_ =	shalt  }
0x40: {  	_ =	shalt  }
0x41: {  	_ =	shalt  }
0x42: {  	_ =	shalt  }
0x43: {  	_ =	shalt  }
0x44: {  	_ =	shalt  }
0x45: {  	_ =	shalt  }
0x46: {  	_ =	shalt  }
0x47: {  	_ =	shalt  }
0x48: {  	_ =	shalt  }
0x49: {  	_ =	shalt  }
0x4a: {  	_ =	shalt  }
0x4b: {  	_ =	shalt  }
0x4c: {  	_ =	shalt  }
0x4d: {  	_ =	shalt  }
0x4e: {  	_ =	shalt  }
0x4f: {  	_ =	shalt  }
0x50: {  	_ =	shalt  }
0x51: {  	_ =	shalt  }
0x52: {  	_ =	shalt  }
0x53: {  	_ =	shalt  }
0x54: {  	_ =	shalt  }
0x55: {  	_ =	shalt  }
0x56: {  	_ =	shalt  }
0x57: {  	_ =	shalt  }
0x58: {  	_ =	shalt  }
0x59: {  	_ =	shalt  }
0x5a: {  	_ =	shalt  }
0x5b: {  	_ =	shalt  }
0x5c: {  	_ =	shalt  }
0x5d: {  	_ =	shalt  }
0x5e: {  	_ =	shalt  }
0x5f: {  	_ =	shalt  }
0x60: {  	_ =	shalt  }
0x61: {  	_ =	shalt  }
0x62: {  	_ =	shalt  }
0x63: {  	_ =	shalt  }
0x64: {  	_ =	shalt  }
0x65: {  	_ =	shalt  }
0x66: {  	_ =	shalt  }
0x67: {  	_ =	shalt  }
0x68: {  	_ =	shalt  }
0x69: {  	_ =	shalt  }
0x6a: {  	_ =	shalt  }
0x6b: {  	_ =	shalt  }
0x6c: {  	_ =	shalt  }
0x6d: {  	_ =	shalt  }
0x6e: {  	_ =	shalt  }
0x6f: {  	_ =	shalt  }
0x70: {  	_ =	shalt  }
0x71: {  	_ =	shalt  }
0x72: {  	_ =	shalt  }
0x73: {  	_ =	shalt  }
0x74: {  	_ =	shalt  }
0x75: {  	_ =	shalt  }
0x76: {  	_ =	shalt  }
0x77: {  	_ =	shalt  }
0x78: {  	_ =	shalt  }
0x79: {  	_ =	shalt  }
0x7a: {  	_ =	shalt  }
0x7b: {  	_ =	shalt  }
0x7c: {  	_ =	shalt  }
0x7d: {  	_ =	shalt  }
0x7e: {  	_ =	shalt  }
0x7f: {  	_ =	shalt  }
0x80: {  	_ =	shalt  }
0x81: {  	_ =	shalt  }
0x82: {  	_ =	shalt  }
0x83: {  	_ =	shalt  }
0x84: {  	_ =	shalt  }
0x85: {  	_ =	shalt  }
0x86: {  	_ =	shalt  }
0x87: {  	_ =	shalt  }
.Lfunc_end0:
.L_simem_size_0:
called_computation.1_lowered:
.L_overlay_start_0:
0x88: {  	s0 =	sld [smem:$0x3FD9]  }
0x89: {  	s1 =	sld [smem:$0x3FFE];
	_ =	sdelay $0x3  }
0x8a: {  	s0 =	sadd.s32 s1, s0  }
0x8b: {  	[smem:$0x3FB9] =	sst s0  }
0x8c: {  	_ = 	snop  }
0x8d: {  	(tm) =	ssettm $0x1  }
0x8e: {  	s15 =	sld [smem:$0x3FFB];
	_ =	sdelay $0x3  }
0x8f: {  	_ =	strace s15  }
0x90: {  	s0 =	sld [smem:$0x3FFC];
	_ =	sdelay $0x3  }
0x91: {  	_ =	strace s0  }
0x92: {  	s0 =	sld [smem:$0x3FFD];
	_ =	sdelay $0x3  }
0x93: {  	_ =	strace s0  }
0x94: {  	_ =	strace $0x8FFFFFFF  }
0x95: {  	s16 =	sld [smem:$0x3FDB];
	_ =	sdelay $0x1  }
0x96: {  	s17 =	simm.s32 $_scs_section_size  }
0x97: {  	s2 =	simm.s32 $_size__tile_overlayer_lowered;
	s3 =	simm.s32 $_tile_overlayer_lowered  }
0x98: {  	s20 =	simm.s32 $0x1BFF;
	s19 =	sshll.u32 s3, $0x1;
	s0 =	sadd.s32 s17, s16  }
0x99: {  	s4 =	simm.s32 $0x0;
	s18 =	sshll.u32 s2, $0x1;
	s2 =	sadd.s32 s19, s0  }
0x9a: {  	[timem:s4], [sflag:s20] =	dma.local [hbm:s2], s18  }
0x9b: {  	_ =	swait.ge [sflag:s20], s18  }
0x9c: {  	s1 =	ssub.s32 $0x0, s18;
	[sflag:s20] =	ssyncset.done $0x0  }
0x9d: {  	[sflag:s20] =	ssyncadd.s32 s1;
	_ =	sdelay $0x1  }
0x9e: {  	s21 =	simm.s32 $0x1B8B  }
0x9f: {  	_ =	swait.ge [sflag:s21], $0x1  }
0xa0: {  	[sflag:s21] =	ssyncset.done $0x0  }
0xa1: {  	s23 =	simm.s32 $0x1B8E;
	s22 =	sld [smem:$0x3FFE];
	[sflag:s21] =	ssyncadd.s32 $0xFFFFFFFF  }
0xa2: {  	s24 =	simm.s32 $execute0_lowered;
	[smem:$0x3FD2] =	sst s23  }
0xa3: {  	s2 =	sshll.u32 s24, $0x1;
	_ =	strace $0x80000052;
	[dreg:$0x1] =	wrdreg $0xFFFFFFFF  }
0xa4: {  	s25 =	simm.s32 $_size_execute0_lowered;
	s0 =	sadd.s32 s0, s2;
	[dreg:$0x0] =	wrdreg $0x0  }
0xa5: {  	s2 =	sshll.u32 s25, $0x1;
	[dreg:$0x2] =	wrdreg s0  }
0xa6: {  	[dreg:$0x3] =	wrdreg s2  }
0xa7: {  	[dreg:$0x4] =	wrdreg $0xC0  }
0xa8: {  	_ =	task [dreg:s4], $0x5FFFF  }
0xa9: {  	[dreg:$0x1] =	wrdreg $0xFFFFFFFF  }
0xaa: {  	[dreg:$0x0] =	wrdreg $0x60  }
0xab: {  	[dreg:$0x2] =	wrdreg s22  }
0xac: {  	[dreg:$0x3] =	wrdreg $0x9  }
0xad: {  	_ =	task.clear_ibuf [dreg:s4], $0x4FFFF;
	_ =	strace $0x90000052  }
0xae: {  	s26 =	simm.s32 $0x9;
	_ =	strace $0x80000054  }
0xaf: {  	_ =	swait.ge [sflag:s26], $0x1  }
0xb0: {  	[sflag:s26] =	ssyncadd.s32 $0xFFFFFFFF  }
0xb1: {  	_ =	strace $0x90000054  }
0xb2: {  	_ =	sfence  }
0xb3: {  	s28 =	sld [smem:$0x0];
	_ =	sdelay $0x1  }
0xb4: {  	s29 =	srdreg.scid  }
0xb5: {  	s30 =	sshll.u32 s29, $0xD;
	s31 =	sshrl.u32 s29, $0x2  }
0xb6: {  	s1 =	sand.u32 $0x1, s29;
	s2 =	sand.u32 $0x4000, s30;
	s0 =	sadd.s32 s31, s28  }
0xb7: {  	s1 =	sor.u32 s2, s1;
	s0 =	sshll.u32 s0, $0x11  }
0xb8: {  	s0 =	sor.u32 s0, s1  }
0xb9: {  	s0 =	sadd.s32 $0x8F2B, s0  }
0xba: {  	[sflag:s0] =	ssyncadd.remote.s32 $0x1  }
0xbb: {  	_ =	sfence.sel $0xFFFF  }
0xbc: {  	[dreg:$0x0] =	wrdreg $0xFFFFFFFF;
	(pc) =	sbr.abs _section_cstart, $3  }
0xbd: {  	[dreg:$0x1] =	wrdreg $0xFFFFFFFF  }
0xbe: {  	_ =	task.clear_ibuf [dreg:s4], $0x2FFFF;
	_ =	strace $0x9FFFFFFF  }
0xbf: {  	(tm) =	ssettm $0x7FFFFFFF  }
tec
execute0_lowered:
.L_overlay_start_1:
0x0: {  	(tag) =	ssettag $0x1  }
0x1: {  	s0 =	rddreg [dreg:$0x0];
	_ =	strace $0x80000053;
	s1 =	simm.s32 $0x1  }
0x2: {  	s8 =	simm.s32 $0x208;
	v0 =	vimm.s32 $0x0;
	[sflag:s1] =	ssyncpa.u1 $0x0  }
0x3: {  	[tilespmem:s8+$0x70] =	vst v0  }
0x4: {  	[tilespmem:s8+$0x60] =	vst v0  }
0x5: {  	[tilespmem:s8+$0x50] =	vst v0  }
0x6: {  	[tilespmem:s8+$0x40] =	vst v0  }
0x7: {  	[tilespmem:s8+$0x30] =	vst v0  }
0x8: {  	s1 =	sadd.s32 $0xA97400, s0;
	s10 =	sadd.s32 $0x1800, s0;
	[tilespmem:s8+$0x20] =	vst v0  }
0x9: {  	s4 =	sadd.s32 $0x71400, s0;
	s5 =	sadd.s32 $0x20C00, s0;
	s0 =	simm.s32 $0x40;
	[tilespmem:s8+$0x10] =	vst v0  }
.LBB2_1:
0xa: {  	s0 =	sadd.s32 $0x40, s0;
	[tilespmem:s8+$0x0] =	vst v0;
	s8 =	sadd.s32 $0x80, s8  }
0xb: {  	p0 =	slt.u32 s0, $0x3880;
	[tilespmem:s8+$0x70] =	vst v0  }
0xc: {  	[tilespmem:s8+$0x60] =	vst v0  }
.Ltmp0:
0xd: {  	[tilespmem:s8+$0x50] =	vst v0;
	(pc) =	sbr.rel @p0 .LBB2_1-.Ltmp0, $4  }
0xe: {  	[tilespmem:s8+$0x40] =	vst v0  }
0xf: {  	[tilespmem:s8+$0x30] =	vst v0  }
0x10: {  	[tilespmem:s8+$0x20] =	vst v0  }
0x11: {  	[tilespmem:s8+$0x10] =	vst v0  }
0x12: {  	s3 =	stileid.u32  }
0x13: {  	s0 =	smul.u32 $0xB8, s3  }
0x14: {  	s2 =	smin.u32 s3, $0x3  }
0x15: {  	s0 =	sor.u32 s2, s0  }
0x16: {  	p0 =	slt.u32 s3, $0x3;
	s6 =	smul.u32 $0x70, s0;
	s0 =	simm.s32 $0x50F0  }
0x17: {  	s0 =	simm.s32 @!p0 $0x5080  }
0x18: {  	s0 =	sadd.s32 s0, s6  }
0x19: {  	s7 =	smin.u32 s0, $0x50910  }
0x1a: {  	s0 =	ssub.s32 s7, s6  }
0x1b: {  	p0 =	sgt.s32 s0, $0x0  }
0x1c: {  	s26 =	simm.s32 $0x2;
	s0 =	simm.s32 @!p0 $0x0  }
0x1d: {  	s29 =	simm.s32 $0x7;
	s30 =	simm.s32 $0x8;
	s28 =	smulhi.u32 $0x92492493, s0  }
0x1e: {  	s31 =	simm.s32 $0x9;
	s11 =	simm.s32 $0x1;
	s21 =	simm.s32 $0x0  }
0x1f: {  	p1 =	por $0x0, $0x0;
	s15 =	simm.s32 $0x80;
	s2 =	sshrl.u32 s28, $0x6  }
0x20: {  	s16 =	simm.s32 $0x400;
	s17 =	simm.s32 $0xA;
	s9 =	smul.u32 $0x70, s2  }
.Ltmp1:
0x21: {  	[tilespmem:s8+$0x0] =	vst v0;
	v0 =	vimm.s32 $0xFFFFFFFF;
	s18 =	simm.s32 $0x0;
	[sflag:s26] =	ssyncpa.u1 $0x0;
	(pc) =	sbr.rel .LBB2_3-.Ltmp1, $4  }
0x22: {  	[tilespmem:$0xE408] =	vst v0;
	[sflag:s29] =	ssyncpa.u1 $0x0;
	p0 =	sne.s32 s0, s9;
	s0 =	simm.s32 $0x1  }
0x23: {  	s20 =	simm.s32 $0x0;
	[sflag:s30] =	ssyncpa.u1 $0x0;
	s0 =	simm.s32 @!p0 $0x0  }
0x24: {  	s13 =	sshll.u32 s3, $0x9;
	[sflag:s31] =	ssyncpa.u1 $0x0;
	s12 =	sadd.s32 s0, s2  }
0x25: {  	v0 =	vlaneseq.u32;
	s19 =	smov.u32 s6;
	p0 =	por $0x1, $0x1;
	s14 =	sadd.s32 $0x1, s12  }
.LBB2_24:
0x26: {  	s0 =	sshrl.u32 s30, $0x2  }
.LBB2_26:
0x27: {  	_ =	swait.ge [sflag:s17], s0  }
0x28: {  	s31 =	ssub.s32 $0x0, s0;
	v1 =	vmov s23;
	vm0 =	veq.s32 v0, $0x0;
	[sflag:s17] =	ssyncset.done $0x0  }
0x29: {  	vm15 =	veq.s32 v0, $0x2;
	v1 =	vsel vm0, s29, v1;
	[sflag:s17] =	ssyncadd.s32 s31  }
0x2a: {  	v1 =	vsel vm15, s21, v1;
	[sflag:s17] =	ssyncpa.u1 $0x1  }
0x2b: {  	[tilespmem:$0xE408] =	vst v1  }
.LBB2_27:
0x2c: {  	s0 =	sadd.s32 $0x70, s19  }
0x2d: {  	s2 =	smov.u32 s6;
	p2 =	slt.s32 s0, s7  }
0x2e: {  	s2 =	smov.u32 @p2 s0;
	p2 =	sne.s32 s20, s14  }
.Ltmp2:
0x2f: {  	_ = 	snop;
	(pc) =	sbr.rel @!p2 .LBB2_28-.Ltmp2, $4  }
0x30: {  	_ = 	snop  }
0x31: {  	s21 =	smov.u32 s18  }
0x32: {  	s31 =	sadd.s32 $0x1, s20;
	s18 =	smov.u32 s19;
	p0 =	por !p0, !p0  }
0x33: {  	p1 =	por !p1, !p1;
	s20 =	smov.u32 s31;
	s19 =	smov.u32 s2  }
.LBB2_3:
0x34: {  	p2 =	sge.u32 s20, s12  }
0x35: {  	s0 =	smulhi.u32 @!p2 $0xAAAAAAAB, s20  }
0x36: {  	s2 =	smov.u32 s19;
	p3 =	sgt.s32 @!p2 s19, $0x508A0  }
0x37: {  	s8 =	sshra.s32 @!p2 s19, $0x1F;
	p3 =	por !p3, p2;
	s0 =	sshrl.u32 @!p2 s0, $0x1  }
0x38: {  	s8 =	sand.u32 @!p2 s8, s19;
	s2 =	simm.s32 @p3 $0x508A0;
	s0 =	smul.u32 @!p2 $0x3, s0  }
0x39: {  	s2 =	ssub.s32 @!p2 s2, s8  }
0x3a: {  	s2 =	sadd.s32 @!p2 $0xFFFAF760, s2;
	s0 =	ssub.s32 @!p2 s20, s0  }
0x3b: {  	s8 =	sshll.u32 @!p2 s2, $0x2;
	p3 =	sgt.s32 @!p2 s2, $0x6F;
	s0 =	smul.u32 @!p2 $0x1C0, s0  }
0x3c: {  	s9 =	sand.u32 @!p2 $0x7, s19;
	s2 =	ssub.s32 @!p2 $0x1C0, s8;
	p3 =	por !p3, p2  }
0x3d: {  	s8 =	sshrl.u32 @!p2 s19, $0x3;
	s2 =	sshrl.u32 @!p2 s2, $0x2;
	s0 =	sshrl.u32 @!p2 s0, $0x2  }
0x3e: {  	s8 =	sadd.s32 @!p2 s5, s8;
	s2 =	simm.s32 @!p3 $0x0;
	s0 =	sadd.s32 @!p2 $0x10438, s0  }
0x3f: {  	[tilespmem:s0], [sflag:$0x8] =	stream.linear.gather @!p2 [hbm4b:s8+s9], s2, $0x38;
	[tilespmem:$0x1E668] =	vst v63  }
0x40: {  	s0 =	sadd.s32 $0xFFFFFFFF, s20  }
0x41: {  	p2 =	sge.u32 s0, s12  }
0x42: {  	p3 =	sgt.s32 @!p2 s18, $0x508A0  }
0x43: {  	s2 =	smov.u32 s18;
	s8 =	sshra.s32 @!p2 s18, $0x1F;
	p3 =	por !p3, p2  }
0x44: {  	s8 =	sand.u32 @!p2 s8, s18;
	s2 =	simm.s32 @p3 $0x508A0  }
0x45: {  	s2 =	ssub.s32 @!p2 s2, s8  }
0x46: {  	s2 =	sadd.s32 @!p2 $0xFFFAF760, s2  }
0x47: {  	s8 =	sshll.u32 @!p2 s2, $0x2  }
0x48: {  	p3 =	sgt.s32 @!p2 s2, $0x6F;
	s2 =	ssub.s32 @!p2 $0x1C0, s8  }
0x49: {  	p3 =	por !p3, p2;
	s2 =	sshrl.u32 @!p2 s2, $0x2  }
0x4a: {  	s9 =	simm.s32 @!p2 $0x8;
	s8 =	sand.u32 @!p2 $0x1, s0;
	s2 =	simm.s32 @!p3 $0x0  }
0x4b: {  	s8 =	smul.u32 @!p2 $0x1C0, s8;
	_ =	swait.ge @!p2 [sflag:s9], s2  }
0x4c: {  	s22 =	ssub.s32 @!p2 $0x0, s2;
	[sflag:s9] =	ssyncset.done @!p2 $0x0  }
0x4d: {  	s8 =	sshrl.u32 @!p2 s8, $0x2;
	[sflag:s9] =	ssyncadd.s32 @!p2 s22;
	s9 =	sshrl.u32 @!p2 s18, $0x3  }
0x4e: {  	s8 =	sor.u32 @!p2 $0x10588, s8;
	s22 =	sand.u32 @!p2 $0x7, s18;
	s9 =	sadd.s32 @!p2 s10, s9  }
0x4f: {  	[tilespmem:s8], [sflag:$0x9] =	stream.linear.gather @!p2 [hbm4b:s9+s22], s2, $0x38;
	[tilespmem:$0x1E668] =	vst v63  }
0x50: {  	s22 =	ssub.s32 @!p2 $0x50910, s18  }
0x51: {  	p3 =	slt.s32 @!p2 s22, $0x1  }
0x52: {  	p3 =	por p2, p3  }
.Ltmp3:
0x53: {  	_ = 	snop;
	(pc) =	sbr.rel @p3 .LBB2_9-.Ltmp3, $1  }
0x54: {  	_ =	sdelay $0x3  }
0x55: {  	s2 =	smulhi.u32 $0xAAAAAAAB, s0;
	_ =	sdelay $0x1  }
0x56: {  	s2 =	sshrl.u32 s2, $0x1  }
0x57: {  	s2 =	smul.u32 $0x3, s2;
	_ =	sdelay $0x1  }
0x58: {  	s29 =	ssub.s32 s0, s2  }
0x59: {  	s8 =	simm.s32 $0x1;
	s0 =	smul.u32 $0x1C0, s29  }
.Ltmp4:
0x5a: {  	s8 =	simm.s32 @!p0 $0x0;
	(pc) =	sbr.rel .LBB2_6-.Ltmp4, $4  }
0x5b: {  	s30 =	smul.u32 $0x1C000, s8  }
0x5c: {  	p3 =	slt.s32 @!p2 s22, $0x70;
	s0 =	sshrl.u32 s0, $0x2  }
0x5d: {  	p2 =	por !p3, p2;
	s2 =	sshrl.u32 s30, $0x2;
	s31 =	sadd.s32 $0x10438, s0  }
0x5e: {  	s22 =	simm.s32 @p2 $0x70;
	s23 =	sor.u32 $0x10668, s2;
	s0 =	simm.s32 $0x0;
	v1 =	vmov s31  }
.LBB2_5:
0x5f: {  	p2 =	sge.s32 s0, s22  }
.Ltmp5:
0x60: {  	_ = 	snop;
	(pc) =	sbr.rel @p2 .LBB2_9-.Ltmp5, $2  }
0x61: {  	_ =	sdelay $0x2  }
0x62: {  	s23 =	sadd.s32 $0x1000, s23  }
.LBB2_6:
0x63: {  	p2 =	sle.s32 s22, s0  }
.Ltmp6:
0x64: {  	_ = 	snop;
	(pc) =	sbr.rel @p2 .LBB2_5-.Ltmp6, $2  }
0x65: {  	_ =	sdelay $0x2  }
0x66: {  	s24 =	smov.u32 s0;
	s0 =	sadd.s32 $0x10, s0  }
0x67: {  	s2 =	ssub.s32 s22, s24  }
0x68: {  	p2 =	slt.s32 s2, $0x10  }
0x69: {  	s2 =	simm.s32 @!p2 $0x10  }
0x6a: {  	v2 =	vmov s2  }
0x6b: {  	vm0 =	vgt.s32 v2, v0;
	_ =	sdelay $0x5  }
0x6c: {  	v2 =	vld.idx.msk [tilespmem:v1+s24+$0x0 ss:$0x1], vm0;
	_ =	sdelay $0x2  }
0x6d: {  	p2 =	slt.s32 s0, s22;
	s2 =	smov.u32 s22  }
0x6e: {  	s8 =	smov.u32 s23;
	s25 =	simm.s32 $0x0;
	s2 =	smov.u32 @p2 s0  }
.LBB2_8:
0x6f: {  	(v2sf) =	vpush v2, s25;
	_ =	sdelay $0xe  }
0x70: {  	s25 =	sadd.s32 $0x1, s25;
	s9 =	spop (v2sf)  }
0x71: {  	s31 =	sadd.s32 s25, s24;
	s26 =	sshll.u32 s9, $0x8;
	s9 =	sshll.u32 s9, $0x7  }
0x72: {  	p2 =	slt.s32 s31, s2;
	s26 =	sand.u32 $0xFFFFF800, s26;
	s9 =	sand.u32 $0x380, s9  }
.Ltmp7:
0x73: {  	s9 =	sor.u32 s9, s26;
	(pc) =	sbr.rel @p2 .LBB2_8-.Ltmp7, $4  }
0x74: {  	s9 =	sshrl.u32 s9, $0x3  }
0x75: {  	s9 =	sadd.s32 s4, s9  }
0x76: {  	[tilespmem:s8], [sflag:$0x7] =	stream.strided.gather [hbm4b:s9+s15], $0x100, s16, s15, $0x38;
	[tilespmem:$0x1E668] =	vst v63  }
0x77: {  	s8 =	sadd.s32 $0x100, s8  }
.Ltmp8:
0x78: {  	_ = 	snop;
	(pc) =	sbr.rel .LBB2_5-.Ltmp8, $1  }
0x79: {  	_ =	sdelay $0x3  }
.LBB2_9:
0x7a: {  	p2 =	slt.u32 s20, $0x2  }
.Ltmp9:
0x7b: {  	_ = 	snop;
	(pc) =	sbr.rel @p2 .LBB2_27-.Ltmp9, $1  }
0x7c: {  	_ =	sdelay $0x3  }
0x7d: {  	p2 =	sgt.s32 s21, $0x508A0;
	s0 =	smov.u32 s21  }
0x7e: {  	s2 =	sshra.s32 s21, $0x1F;
	s8 =	ssub.s32 $0x50910, s21;
	s0 =	simm.s32 @!p2 $0x508A0  }
0x7f: {  	s2 =	sand.u32 s2, s21;
	p2 =	slt.s32 s8, $0x70;
	s9 =	smov.u32 s8  }
0x80: {  	s0 =	ssub.s32 s0, s2;
	s9 =	simm.s32 @!p2 $0x70  }
0x81: {  	s0 =	sadd.s32 $0xFFFAF760, s0;
	s25 =	sshll.u32 s9, $0x8  }
0x82: {  	s3 =	simm.s32 $0x7;
	s26 =	sshll.u32 s0, $0x2;
	s2 =	sand.u32 $0x3FFFFF00, s25  }
0x83: {  	p2 =	sgt.s32 s0, $0x6F;
	s28 =	ssub.s32 $0x1C0, s26;
	_ =	swait.ge [sflag:s3], s2  }
0x84: {  	s2 =	ssub.s32 $0x0, s2;
	[sflag:s3] =	ssyncset.done $0x0;
	s0 =	sshrl.u32 s28, $0x2  }
0x85: {  	s30 =	simm.s32 $0x9;
	[sflag:s3] =	ssyncadd.s32 s2;
	s0 =	simm.s32 @p2 $0x0  }
0x86: {  	_ =	swait.ge [sflag:s30], s0  }
0x87: {  	s0 =	ssub.s32 $0x0, s0;
	[sflag:s30] =	ssyncset.done $0x0  }
0x88: {  	[sflag:s30] =	ssyncadd.s32 s0  }
0x89: {  	v1 =	vld [tilespmem:$0xE408];
	_ =	sdelay $0x4  }
0x8a: {  	(v2sf) =	vpush v1, $0x0  }
0x8b: {  	(v2sf) =	vpush v1, $0x1  }
0x8c: {  	(v2sf) =	vpush v1, $0x2;
	_ =	sdelay $0x3  }
0x8d: {  	s0 =	sadd.s32 $0x70, s21  }
0x8e: {  	p2 =	slt.s32 s7, s0  }
0x8f: {  	s0 =	smov.u32 @p2 s7;
	p2 =	sgt.s32 s8, $0x0  }
0x90: {  	s25 =	ssub.s32 s0, s21;
	s8 =	simm.s32 @!p2 $0x0  }
0x91: {  	p2 =	slt.s32 s8, s25  }
0x92: {  	s25 =	smov.u32 @p2 s8  }
0x93: {  	s24 =	simm.s32 $0x1;
	p2 =	slt.s32 s25, $0x1  }
.Ltmp10:
0x94: {  	s24 =	simm.s32 @!p1 $0x0;
	(pc) =	sbr.rel @p2 .LBB2_14-.Ltmp10, $4  }
0x95: {  	s31 =	smul.u32 $0x1C0, s24  }
0x96: {  	s26 =	spop (v2sf)  }
0x97: {  	s0 =	sshrl.u32 s31, $0x2;
	s29 =	spop (v2sf)  }
0x98: {  	s22 =	sor.u32 $0x10588, s0;
	s21 =	spop (v2sf)  }
0x99: {  	s0 =	smin.u32 s25, $0x10  }
0x9a: {  	v1 =	vmov s0  }
0x9b: {  	vm1 =	vgt.u32 v1, v0  }
0x9c: {  	p3 =	sgt.s32 s25, $0x10  }
.Ltmp11:
0x9d: {  	_ = 	snop;
	(pc) =	sbr.rel @!p3 .LBB2_13-.Ltmp11, $2  }
0x9e: {  	_ =	sdelay $0x2  }
0x9f: {  	s23 =	simm.s32 $0x10;
	s28 =	sadd.s32 $0xFFFFFFF0, s25;
	s0 =	smov.u32 s22;
	vm0 =	vmmov vm1;
	v1 =	vld.msk [tilespmem:s22+$0x0 ss:$0x1], vm1  }
.LBB2_12:
0xa0: {  	s2 =	smin.u32 s28, $0x10;
	s23 =	sadd.s32 $0x10, s23  }
0xa1: {  	v2 =	vmov s2;
	p3 =	slt.s32 s23, s25  }
0xa2: {  	vm1 =	vgt.u32 v2, v0;
	_ =	sdelay $0x1  }
0xa3: {  	v2 =	vshll.u32 v1, $0x5;
	v1 =	vshll.u32 v1, $0x4  }
.Ltmp12:
0xa4: {  	v2 =	vand.u32 $0xFFFFFF00, v2;
	v1 =	vand.u32 $0x70, v1;
	(pc) =	sbr.rel @p3 .LBB2_12-.Ltmp12, $4  }
0xa5: {  	v1 =	vor.u32 v1, v2  }
0xa6: {  	[tilespmem:s0+$0x0] =	vst.msk vm0, v1;
	s0 =	sadd.s32 $0x10, s0;
	vm0 =	vmmov vm1  }
0xa7: {  	v1 =	vld.msk [tilespmem:s0+$0x0 ss:$0x1], vm1  }
0xa8: {  	s28 =	sadd.s32 $0xFFFFFFF0, s28  }
.LBB2_13:
0xa9: {  	_ =	sdelay $0x3  }
0xaa: {  	v2 =	vshll.u32 v1, $0x5;
	v1 =	vshll.u32 v1, $0x4  }
0xab: {  	v2 =	vand.u32 $0xFFFFFF00, v2;
	v1 =	vand.u32 $0x70, v1  }
0xac: {  	v1 =	vor.u32 v1, v2  }
0xad: {  	[tilespmem:s0+$0x0] =	vst.msk vm0, v1  }
.LBB2_14:
0xae: {  	s0 =	sand.u32 $0x1, s20  }
0xaf: {  	s0 =	smul.u32 $0x70, s0  }
0xb0: {  	p3 =	sne.s32 s29, $0xFFFFFFFF  }
0xb1: {  	v1 =	vld.msk @!p3 [tilespmem:s0+$0x10588], $0x1;
	_ =	sdelay $0x4  }
0xb2: {  	(v2sf) =	vpush @!p3 v1, $0x0;
	_ =	sdelay $0xc  }
.Ltmp13:
0xb3: {  	_ = 	snop;
	(pc) =	sbr.rel @p2 .LBB2_25-.Ltmp13, $4  }
0xb4: {  	_ = 	snop  }
0xb5: {  	s28 =	spop @!p3 (v2sf)  }
0xb6: {  	s21 =	simm.s32 @!p3 $0x0;
	s23 =	smov.u32 s28  }
0xb7: {  	[sflag:s17] =	ssyncpa.u1 $0x0;
	s28 =	smov.u32 @p3 s26;
	s23 =	smov.u32 @p3 s29  }
0xb8: {  	v1 =	vld.msk [tilespmem:s22+$0x0], $0x1;
	_ =	sdelay $0x4  }
0xb9: {  	(v2sf) =	vpush v1, $0x0;
	_ =	sdelay $0xd  }
0xba: {  	s17 =	smov.u32 s6  }
0xbb: {  	s6 =	smov.u32 s14;
	s14 =	smov.u32 s5;
	s30 =	spop (v2sf)  }
0xbc: {  	s5 =	smov.u32 s10;
	s0 =	smul.u32 $0x1C000, s24;
	p2 =	seq.s32 s28, s30  }
0xbd: {  	s2 =	smov.u32 s28;
	s25 =	ssub.s32 $0x0, s25;
	p3 =	sgt.s32 @!p2 s28, $0x0  }
0xbe: {  	s26 =	simm.s32 $0x0;
	s0 =	sshrl.u32 s0, $0x2;
	p3 =	por !p3, p2  }
0xbf: {  	s29 =	sadd.s32 $0x1, s25;
	s24 =	sor.u32 $0x106E8, s0;
	s2 =	simm.s32 @p3 $0x0  }
0xc0: {  	s0 =	simm.s32 @!p2 $0x1;
	p3 =	seq.s32 s29, $0x0;
	s2 =	smin.u32 @!p2 s2, $0x4E170  }
.Ltmp14:
0xc1: {  	s9 =	simm.s32 @!p2 $0x7308;
	s8 =	sand.u32 @!p2 $0x7FFF8, s2;
	(pc) =	sbr.rel @p3 .LBB2_17-.Ltmp14, $4  }
0xc2: {  	s31 =	sadd.s32 @!p2 $0x80, s2;
	s10 =	sadd.s32 @!p2 s1, s8;
	s8 =	sand.u32 @!p2 $0x7, s2  }
0xc3: {  	[tilespmem:s9], [sflag:$0x2] =	stream.linear.gather @!p2 [hbm4b:s10+s8], $0x80, $0x38;
	[tilespmem:$0x1E668] =	vst v63  }
0xc4: {  	s0 =	smov.u32 @p2 s26;
	s9 =	sand.u32 @!p2 $0xFFFF8, s31  }
0xc5: {  	s2 =	simm.s32 @!p2 $0x7388;
	s31 =	sadd.s32 $0x1, s22;
	s9 =	sadd.s32 @!p2 s1, s9  }
.LBB2_16:
0xc6: {  	s10 =	smov.u32 s0  }
0xc7: {  	[tilespmem:s2], [sflag:$0x2] =	stream.linear.gather @!p2 [hbm4b:s9+s8], $0x80, $0x38;
	[tilespmem:$0x1E668] =	vst v63  }
0xc8: {  	s29 =	sadd.s32 $0x1, s29;
	s8 =	smov.u32 s30;
	v1 =	vld.msk [tilespmem:s31+$0x0], $0x1  }
0xc9: {  	p3 =	seq.s32 s29, $0x0;
	_ =	sdelay $0x3  }
0xca: {  	(v2sf) =	vpush v1, $0x0;
	_ =	sdelay $0xe  }
0xcb: {  	s30 =	spop (v2sf)  }
0xcc: {  	p2 =	seq.s32 s8, s30  }
0xcd: {  	p4 =	sgt.s32 @!p2 s8, $0x0;
	s2 =	sshll.u32 @!p2 s0, $0xA;
	s0 =	sadd.s32 @!p2 $0x1, s0  }
0xce: {  	p4 =	por !p4, p2;
	s2 =	sshra.s32 @!p2 s2, $0x2;
	s0 =	smov.u32 @p2 s10  }
0xcf: {  	s8 =	simm.s32 @p4 $0x0;
	s9 =	sadd.s32 @!p2 $0x7308, s2;
	s2 =	sadd.s32 @!p2 $0x7388, s2  }
.Ltmp15:
0xd0: {  	s8 =	smin.u32 @!p2 s8, $0x4E170;
	(pc) =	sbr.rel @!p3 .LBB2_16-.Ltmp15, $4  }
0xd1: {  	s10 =	sand.u32 @!p2 $0x7FFF8, s8;
	s3 =	sadd.s32 @!p2 $0x80, s8  }
0xd2: {  	s8 =	sand.u32 @!p2 $0x7, s8;
	s10 =	sadd.s32 @!p2 s1, s10;
	s3 =	sand.u32 @!p2 $0xFFFF8, s3  }
0xd3: {  	[tilespmem:s9], [sflag:$0x2] =	stream.linear.gather @!p2 [hbm4b:s10+s8], $0x80, $0x38;
	[tilespmem:$0x1E668] =	vst v63  }
0xd4: {  	s31 =	sadd.s32 $0x1, s31;
	s9 =	sadd.s32 @!p2 s1, s3  }
.LBB2_17:
0xd5: {  	[tilespmem:s2], [sflag:$0x2] =	stream.linear.gather @!p2 [hbm4b:s9+s8], $0x80, $0x38;
	[tilespmem:$0x1E668] =	vst v63  }
.Ltmp16:
0xd6: {  	s0 =	sshll.u32 s0, $0x8;
	(pc) =	sbr.rel .LBB2_18-.Ltmp16, $4  }
0xd7: {  	s31 =	simm.s32 $0x2;
	s30 =	simm.s32 $0x0;
	s0 =	sand.u32 $0x3FFFFF00, s0  }
0xd8: {  	s10 =	smov.u32 s5;
	s5 =	smov.u32 s14;
	_ =	swait.ge [sflag:s31], s0  }
0xd9: {  	s14 =	smov.u32 s6;
	s0 =	ssub.s32 $0x0, s0;
	[sflag:s31] =	ssyncset.done $0x0  }
0xda: {  	s6 =	smov.u32 s17;
	s17 =	simm.s32 $0xA;
	[sflag:s31] =	ssyncadd.s32 s0  }
.LBB2_19:
0xdb: {  	v1 =	vld [tilespmem:s24+$0xFFFFFF80];
	_ =	sdelay $0x4  }
0xdc: {  	[tilespmem:s31+$0x208] =	vst.add.f32.msk $0xffff, v1  }
0xdd: {  	v1 =	vld [tilespmem:s24+$0xFFFFFF90];
	_ =	sdelay $0x4  }
0xde: {  	[tilespmem:s31+$0x218] =	vst.add.f32.msk $0xffff, v1  }
0xdf: {  	v1 =	vld [tilespmem:s24+$0xFFFFFFA0];
	_ =	sdelay $0x4  }
0xe0: {  	[tilespmem:s31+$0x228] =	vst.add.f32.msk $0xffff, v1  }
0xe1: {  	v1 =	vld [tilespmem:s24+$0xFFFFFFB0];
	_ =	sdelay $0x4  }
0xe2: {  	[tilespmem:s31+$0x238] =	vst.add.f32.msk $0xffff, v1  }
0xe3: {  	v1 =	vld [tilespmem:s24+$0xFFFFFFC0];
	_ =	sdelay $0x4  }
0xe4: {  	[tilespmem:s31+$0x248] =	vst.add.f32.msk $0xffff, v1  }
0xe5: {  	v1 =	vld [tilespmem:s24+$0xFFFFFFD0];
	_ =	sdelay $0x4  }
0xe6: {  	[tilespmem:s31+$0x258] =	vst.add.f32.msk $0xffff, v1  }
0xe7: {  	v1 =	vld [tilespmem:s24+$0xFFFFFFE0];
	_ =	sdelay $0x4  }
0xe8: {  	[tilespmem:s31+$0x268] =	vst.add.f32.msk $0xffff, v1  }
0xe9: {  	v1 =	vld [tilespmem:s24+$0xFFFFFFF0];
	_ =	sdelay $0x4  }
0xea: {  	[tilespmem:s31+$0x278] =	vst.add.f32.msk $0xffff, v1  }
0xeb: {  	v1 =	vld [tilespmem:s24+$0x0];
	_ =	sdelay $0x4  }
0xec: {  	[tilespmem:s31+$0x288] =	vst.add.f32.msk $0xffff, v1  }
0xed: {  	v1 =	vld [tilespmem:s24+$0x10];
	_ =	sdelay $0x4  }
0xee: {  	[tilespmem:s31+$0x298] =	vst.add.f32.msk $0xffff, v1  }
0xef: {  	v1 =	vld [tilespmem:s24+$0x20];
	_ =	sdelay $0x4  }
0xf0: {  	[tilespmem:s31+$0x2A8] =	vst.add.f32.msk $0xffff, v1  }
0xf1: {  	v1 =	vld [tilespmem:s24+$0x30];
	_ =	sdelay $0x4  }
0xf2: {  	[tilespmem:s31+$0x2B8] =	vst.add.f32.msk $0xffff, v1  }
0xf3: {  	v1 =	vld [tilespmem:s24+$0x40];
	_ =	sdelay $0x4  }
0xf4: {  	[tilespmem:s31+$0x2C8] =	vst.add.f32.msk $0xffff, v1  }
0xf5: {  	v1 =	vld [tilespmem:s24+$0x50];
	_ =	sdelay $0x4  }
0xf6: {  	[tilespmem:s31+$0x2D8] =	vst.add.f32.msk $0xffff, v1  }
0xf7: {  	v1 =	vld [tilespmem:s24+$0x60];
	_ =	sdelay $0x4  }
0xf8: {  	[tilespmem:s31+$0x2E8] =	vst.add.f32.msk $0xffff, v1  }
0xf9: {  	v1 =	vld [tilespmem:s24+$0x70];
	_ =	sdelay $0x4  }
0xfa: {  	[tilespmem:s31+$0x2F8] =	vst.add.f32.msk $0xffff, v1  }
.LBB2_23:
0xfb: {  	s25 =	sadd.s32 $0x1, s25  }
0xfc: {  	p2 =	seq.s32 s25, $0x0  }
.Ltmp17:
0xfd: {  	_ = 	snop;
	(pc) =	sbr.rel @p2 .LBB2_24-.Ltmp17, $2  }
0xfe: {  	_ =	sdelay $0x2  }
0xff: {  	s22 =	sadd.s32 $0x1, s22;
	s24 =	sadd.s32 $0x100, s24;
	s28 =	smov.u32 s29  }
.LBB2_18:
0x100: {  	v1 =	vld.msk [tilespmem:s22+$0x0], $0x1;
	_ =	sdelay $0x4  }
0x101: {  	(v2sf) =	vpush v1, $0x0;
	_ =	sdelay $0xe  }
0x102: {  	s29 =	spop (v2sf)  }
0x103: {  	p2 =	sne.s32 s28, s29  }
.Ltmp18:
0x104: {  	_ = 	snop;
	(pc) =	sbr.rel @!p2 .LBB2_19-.Ltmp18, $3  }
0x105: {  	_ =	sdelay $0x1  }
0x106: {  	s0 =	sshll.u32 s21, $0xA  }
0x107: {  	s31 =	sshra.s32 s0, $0x2  }
0x108: {  	p2 =	seq.s32 s28, s23  }
.Ltmp19:
0x109: {  	_ = 	snop;
	(pc) =	sbr.rel @!p2 .LBB2_21-.Ltmp19, $1  }
0x10a: {  	_ =	sdelay $0x3  }
.Ltmp20:
0x10b: {  	s0 =	sadd.s32 $0x208, s31;
	(pc) =	sbr.rel .LBB2_22-.Ltmp20, $4  }
0x10c: {  	[spmem:s13] =	stream.linear.scatter [tilespmem:s0], [sflag:$0x1], $0x100, $0x38;
	[tilespmem:$0x1E668] =	vst v63  }
0x10d: {  	_ =	swait.ge [sflag:s11], $0x100  }
0x10e: {  	[sflag:s11] =	ssyncset.done $0x0  }
0x10f: {  	[sflag:s11] =	ssyncadd.s32 $0xFFFFFF00  }
.LBB2_21:
0x110: {  	s0 =	sshll.u32 s26, $0xA  }
0x111: {  	s0 =	sshra.s32 s0, $0x2  }
0x112: {  	v1 =	vld [tilespmem:s0+$0x7308];
	_ =	sdelay $0x4  }
0x113: {  	[tilespmem:s31+$0x208] =	vst.add.f32.msk $0xffff, v1  }
0x114: {  	v1 =	vld [tilespmem:s0+$0x7318];
	_ =	sdelay $0x4  }
0x115: {  	[tilespmem:s31+$0x218] =	vst.add.f32.msk $0xffff, v1  }
0x116: {  	v1 =	vld [tilespmem:s0+$0x7328];
	_ =	sdelay $0x4  }
0x117: {  	[tilespmem:s31+$0x228] =	vst.add.f32.msk $0xffff, v1  }
0x118: {  	v1 =	vld [tilespmem:s0+$0x7338];
	_ =	sdelay $0x4  }
0x119: {  	[tilespmem:s31+$0x238] =	vst.add.f32.msk $0xffff, v1  }
0x11a: {  	v1 =	vld [tilespmem:s0+$0x7348];
	_ =	sdelay $0x4  }
0x11b: {  	[tilespmem:s31+$0x248] =	vst.add.f32.msk $0xffff, v1  }
0x11c: {  	v1 =	vld [tilespmem:s0+$0x7358];
	_ =	sdelay $0x4  }
0x11d: {  	[tilespmem:s31+$0x258] =	vst.add.f32.msk $0xffff, v1  }
0x11e: {  	v1 =	vld [tilespmem:s0+$0x7368];
	_ =	sdelay $0x4  }
0x11f: {  	[tilespmem:s31+$0x268] =	vst.add.f32.msk $0xffff, v1  }
0x120: {  	v1 =	vld [tilespmem:s0+$0x7378];
	_ =	sdelay $0x4  }
0x121: {  	[tilespmem:s31+$0x278] =	vst.add.f32.msk $0xffff, v1  }
0x122: {  	v1 =	vld [tilespmem:s0+$0x7388];
	_ =	sdelay $0x4  }
0x123: {  	[tilespmem:s31+$0x288] =	vst.add.f32.msk $0xffff, v1  }
0x124: {  	v1 =	vld [tilespmem:s0+$0x7398];
	_ =	sdelay $0x4  }
0x125: {  	[tilespmem:s31+$0x298] =	vst.add.f32.msk $0xffff, v1  }
0x126: {  	v1 =	vld [tilespmem:s0+$0x73A8];
	_ =	sdelay $0x4  }
0x127: {  	[tilespmem:s31+$0x2A8] =	vst.add.f32.msk $0xffff, v1  }
0x128: {  	v1 =	vld [tilespmem:s0+$0x73B8];
	_ =	sdelay $0x4  }
0x129: {  	[tilespmem:s31+$0x2B8] =	vst.add.f32.msk $0xffff, v1  }
0x12a: {  	v1 =	vld [tilespmem:s0+$0x73C8];
	_ =	sdelay $0x4  }
0x12b: {  	[tilespmem:s31+$0x2C8] =	vst.add.f32.msk $0xffff, v1  }
0x12c: {  	v1 =	vld [tilespmem:s0+$0x73D8];
	_ =	sdelay $0x4  }
0x12d: {  	[tilespmem:s31+$0x2D8] =	vst.add.f32.msk $0xffff, v1  }
0x12e: {  	v1 =	vld [tilespmem:s0+$0x73E8];
	_ =	sdelay $0x4  }
0x12f: {  	[tilespmem:s31+$0x2E8] =	vst.add.f32.msk $0xffff, v1  }
0x130: {  	v1 =	vld [tilespmem:s0+$0x73F8];
	_ =	sdelay $0x2  }
0x131: {  	p2 =	sgt.u32 s28, $0x4E170  }
0x132: {  	s0 =	sand.u32 @!p2 $0x7FFF8, s28  }
0x133: {  	s2 =	sadd.s32 $0x208, s31;
	s3 =	sand.u32 @!p2 $0x7, s28;
	s0 =	sadd.s32 @!p2 s1, s0;
	[tilespmem:s31+$0x2F8] =	vst.add.f32.msk $0xffff, v1  }
0x134: {  	[hbm4b:s0+s3] =	stream.linear.scatter @!p2 [tilespmem:s2], [sflag:$0xA], $0x80, $0x38;
	[tilespmem:$0x1E668] =	vst v63  }
0x135: {  	s0 =	sadd.s32 @!p2 $0x80, s28  }
0x136: {  	s0 =	sand.u32 @!p2 $0xFFFF8, s0  }
0x137: {  	s2 =	sadd.s32 $0x288, s31;
	s0 =	sadd.s32 @!p2 s1, s0  }
0x138: {  	[hbm4b:s0+s3] =	stream.linear.scatter @!p2 [tilespmem:s2], [sflag:$0xA], $0x80, $0x38;
	[tilespmem:$0x1E668] =	vst v63  }
0x139: {  	s0 =	simm.s32 $0x0  }
0x13a: {  	s0 =	simm.s32 @!p2 $0x400  }
0x13b: {  	s30 =	sadd.s32 s0, s30  }
.LBB2_22:
0x13c: {  	s0 =	sadd.s32 $0x1, s21  }
0x13d: {  	s2 =	sshrl.u32 s0, $0x4  }
0x13e: {  	s2 =	smulhi.u32 $0x24924925, s2  }
0x13f: {  	v1 =	vld [tilespmem:s24+$0xFFFFFF80]  }
0x140: {  	s2 =	smul.u32 $0x70, s2;
	_ =	sdelay $0x1  }
0x141: {  	s21 =	ssub.s32 s0, s2  }
0x142: {  	s0 =	sshll.u32 s21, $0x8  }
0x143: {  	[tilespmem:s0+$0x208] =	vst v1  }
0x144: {  	v1 =	vld [tilespmem:s24+$0xFFFFFF90];
	_ =	sdelay $0x4  }
0x145: {  	[tilespmem:s0+$0x218] =	vst v1  }
0x146: {  	v1 =	vld [tilespmem:s24+$0xFFFFFFA0];
	_ =	sdelay $0x4  }
0x147: {  	[tilespmem:s0+$0x228] =	vst v1  }
0x148: {  	v1 =	vld [tilespmem:s24+$0xFFFFFFB0];
	_ =	sdelay $0x4  }
0x149: {  	[tilespmem:s0+$0x238] =	vst v1  }
0x14a: {  	v1 =	vld [tilespmem:s24+$0xFFFFFFC0];
	_ =	sdelay $0x4  }
0x14b: {  	[tilespmem:s0+$0x248] =	vst v1  }
0x14c: {  	v1 =	vld [tilespmem:s24+$0xFFFFFFD0];
	_ =	sdelay $0x4  }
0x14d: {  	[tilespmem:s0+$0x258] =	vst v1  }
0x14e: {  	v1 =	vld [tilespmem:s24+$0xFFFFFFE0];
	_ =	sdelay $0x4  }
0x14f: {  	[tilespmem:s0+$0x268] =	vst v1  }
0x150: {  	v1 =	vld [tilespmem:s24+$0xFFFFFFF0];
	_ =	sdelay $0x4  }
0x151: {  	[tilespmem:s0+$0x278] =	vst v1  }
0x152: {  	v1 =	vld [tilespmem:s24+$0x0];
	_ =	sdelay $0x4  }
0x153: {  	[tilespmem:s0+$0x288] =	vst v1  }
0x154: {  	v1 =	vld [tilespmem:s24+$0x10];
	_ =	sdelay $0x4  }
0x155: {  	[tilespmem:s0+$0x298] =	vst v1  }
0x156: {  	v1 =	vld [tilespmem:s24+$0x20];
	_ =	sdelay $0x4  }
0x157: {  	[tilespmem:s0+$0x2A8] =	vst v1  }
0x158: {  	v1 =	vld [tilespmem:s24+$0x30];
	_ =	sdelay $0x4  }
0x159: {  	[tilespmem:s0+$0x2B8] =	vst v1  }
0x15a: {  	v1 =	vld [tilespmem:s24+$0x40];
	_ =	sdelay $0x4  }
0x15b: {  	[tilespmem:s0+$0x2C8] =	vst v1  }
0x15c: {  	v1 =	vld [tilespmem:s24+$0x50];
	_ =	sdelay $0x4  }
0x15d: {  	[tilespmem:s0+$0x2D8] =	vst v1  }
0x15e: {  	v1 =	vld [tilespmem:s24+$0x60];
	_ =	sdelay $0x4  }
0x15f: {  	[tilespmem:s0+$0x2E8] =	vst v1  }
0x160: {  	v1 =	vld [tilespmem:s24+$0x70]  }
.Ltmp21:
0x161: {  	_ = 	snop;
	(pc) =	sbr.rel .LBB2_23-.Ltmp21, $2  }
0x162: {  	_ =	sdelay $0x2  }
0x163: {  	s26 =	sadd.s32 $0x1, s26;
	[tilespmem:s0+$0x2F8] =	vst v1  }
.LBB2_25:
.Ltmp22:
0x164: {  	(pc) =	sbr.rel .LBB2_26-.Ltmp22, $4  }
0x165: {  	_ = 	snop  }
0x166: {  	s0 =	simm.s32 $0x2  }
0x167: {  	_ =	swait.ge [sflag:s0], $0x0  }
0x168: {  	s29 =	smov.u32 s28;
	[sflag:s0] =	ssyncset.done $0x0;
	s0 =	simm.s32 $0x0  }
.LBB2_28:
0x169: {  	_ =	sfence.sel $0x180000  }
0x16a: {  	s0 =	simm.s32 $0x7;
	[bflag:$0x0] =	sbarrier.arrive $0xFFFF  }
0x16b: {  	s25 =	simm.s32 $0x8;
	[sflag:s0] =	ssyncpa.u1 $0x1  }
0x16c: {  	s26 =	simm.s32 $0x9;
	[sflag:s25] =	ssyncpa.u1 $0x1  }
0x16d: {  	s28 =	simm.s32 $0x2;
	[sflag:s26] =	ssyncpa.u1 $0x1  }
0x16e: {  	[sflag:s28] =	ssyncpa.u1 $0x1  }
0x16f: {  	v0 =	vld [tilespmem:$0xE408];
	_ =	sdelay $0x4  }
0x170: {  	(v2sf) =	vpush v0, $0x0  }
0x171: {  	(v2sf) =	vpush v0, $0x1;
	_ =	sdelay $0x1  }
0x172: {  	(v2sf) =	vpush v0, $0x2;
	_ =	sdelay $0xb  }
0x173: {  	s0 =	spop (v2sf)  }
0x174: {  	s2 =	spop (v2sf)  }
0x175: {  	s3 =	smov.u32 s0;
	p0 =	sne.s32 s0, s2  }
0x176: {  	s4 =	spop (v2sf);
	s3 =	simm.s32 @!p0 $0xFFFFFFFF  }
0x177: {  	v2 =	vimm.s32 $0x1;
	v3 =	vlaneseq.u32;
	p0 =	seq.s32 s4, $0xFFFFFFFF;
	v1 =	vmov s3  }
0x178: {  	s7 =	stileid.u32;
	v0 =	vperm.xlane v0, v2;
	p1 =	sne.s32 @!p0 s0, s2;
	v1 =	vperm.xlane v1, v3  }
0x179: {  	vm0 =	vcmask $0x3F04;
	s6 =	simm.s32 $0xE408;
	s0 =	simm.s32 @!p0 $0x1;
	p1 =	por !p1, p0  }
0x17a: {  	s3 =	sshll.u32 s7, $0x1;
	s2 =	sshll.u32 @!p0 s4, $0xA;
	s0 =	simm.s32 @p1 $0x0;
	v0 =	vsel vm0, v1, v0  }
0x17b: {  	s5 =	sor.u32 $0x2000, s3;
	s2 =	sshra.s32 @!p0 s2, $0x2;
	s0 =	sor.u32 @!p0 s0, s3;
	[tilespmem:$0xE408] =	vst v0  }
0x17c: {  	[spmem:s5] =	stream.linear.scatter [tilespmem:s6], [sflag:$0x1], $0x2, $0x38;
	[tilespmem:$0x1E668] =	vst v63  }
0x17d: {  	s2 =	sadd.s32 @!p0 $0x208, s2;
	s0 =	sshll.u32 @!p0 s0, $0x8  }
0x17e: {  	[spmem:s0] =	stream.linear.scatter @!p0 [tilespmem:s2], [sflag:$0x1], $0x100, $0x38;
	[tilespmem:$0x1E668] =	vst v63  }
0x17f: {  	s2 =	simm.s32 @!p0 $0x102  }
0x180: {  	s0 =	simm.s32 $0x1;
	s2 =	simm.s32 @p0 $0x2  }
0x181: {  	_ =	swait.ge [sflag:s0], s2  }
0x182: {  	s2 =	ssub.s32 $0x0, s2;
	[sflag:s0] =	ssyncset.done $0x0  }
0x183: {  	[sflag:s0] =	ssyncadd.s32 s2  }
0x184: {  	_ =	sfence.stream.spmem  }
0x185: {  	s29 =	simm.s32 $0x3;
	[bflag:$0x0] =	sbarrier.arrive $0xFFFF  }
0x186: {  	s30 =	simm.s32 $0x4;
	[sflag:s29] =	ssyncpa.u1 $0x1  }
0x187: {  	s31 =	simm.s32 $0x3C;
	[sflag:s30] =	ssyncpa.u1 $0x1  }
0x188: {  	p0 =	sne.s32 s7, $0x0;
	[sflag:s31] =	ssyncpa.u1 $0x1  }
0x189: {  	_ =	sfence @p0  }
0x18a: {  	[sflag:s0] =	ssyncpa.u1 @p0 $0x1  }
0x18b: {  	_ =	strace @p0 $0x90000053  }
0x18c: {  	[bflag:$0x2] =	sbarrier.arrive @p0 $0xFFFF  }
0x18d: {  	_ =	shalt @p0  }
.LBB2_29:
0x18e: {  	_ =	sfence.stream.spmem;
	s0 =	simm.s32 $0x5  }
0x18f: {  	s2 =	simm.s32 $0x2000;
	s3 =	simm.s32 $0xE418;
	[sflag:s0] =	ssyncpa.u1 $0x0  }
0x190: {  	[tilespmem:s3], [sflag:$0x5] =	stream.linear.gather [spmem:s2], $0x20, $0x38;
	[tilespmem:$0x1E668] =	vst v63  }
0x191: {  	s30 =	simm.s32 $0xE438;
	s2 =	simm.s32 $0x0  }
0x192: {  	[tilespmem:s30], [sflag:$0x5] =	stream.linear.gather [spmem:s2], $0x2000, $0x38;
	[tilespmem:$0x1E668] =	vst v63  }
.Ltmp23:
0x193: {  	_ = 	snop;
	(pc) =	sbr.rel .LBB2_30-.Ltmp23, $4  }
0x194: {  	_ =	swait.ge [sflag:s0], $0x2020  }
0x195: {  	[sflag:s0] =	ssyncset.done $0x0  }
0x196: {  	s31 =	simm.s32 $0x6;
	[sflag:s0] =	ssyncadd.s32 $0xFFFFDFE0  }
0x197: {  	s3 =	simm.s32 $0x0;
	[sflag:s31] =	ssyncpa.u1 $0x0  }
.LBB2_36:
0x198: {  	p0 =	slt.u32 s4, $0x4E171  }
0x199: {  	s0 =	sand.u32 @p0 $0x7FFF8, s4  }
0x19a: {  	s5 =	sand.u32 @p0 $0x7, s4;
	s6 =	simm.s32 @p0 $0xE308;
	s0 =	sadd.s32 @p0 s1, s0  }
0x19b: {  	[tilespmem:s6], [sflag:$0x6] =	stream.linear.gather @p0 [hbm4b:s0+s5], $0x80, $0x38;
	[tilespmem:$0x1E668] =	vst v63  }
0x19c: {  	s0 =	sadd.s32 @p0 $0x80, s4  }
0x19d: {  	s0 =	sand.u32 @p0 $0xFFFF8, s0  }
0x19e: {  	s4 =	simm.s32 @p0 $0xE388;
	s0 =	sadd.s32 @p0 s1, s0  }
0x19f: {  	[tilespmem:s4], [sflag:$0x6] =	stream.linear.gather @p0 [hbm4b:s0+s5], $0x80, $0x38;
	[tilespmem:$0x1E668] =	vst v63  }
0x1a0: {  	s0 =	simm.s32 @p0 $0x6  }
0x1a1: {  	_ =	swait.ge @p0 [sflag:s0], $0x100  }
0x1a2: {  	[sflag:s0] =	ssyncset.done @p0 $0x0  }
0x1a3: {  	[sflag:s0] =	ssyncadd.s32 @p0 $0xFFFFFF00  }
0x1a4: {  	v1 =	vld @p0 [tilespmem:$0xE308];
	_ =	sdelay $0x2  }
0x1a5: {  	s0 =	sshll.u32 @p0 s3, $0xA  }
0x1a6: {  	s4 =	sshrl.u32 @p0 s0, $0x2  }
0x1a7: {  	[tilespmem:s4+$0xE438] =	vst.add.f32.msk @p0 $0xffff, v1  }
0x1a8: {  	v1 =	vld @p0 [tilespmem:$0xE318];
	_ =	sdelay $0x4  }
0x1a9: {  	[tilespmem:s4+$0xE448] =	vst.add.f32.msk @p0 $0xffff, v1  }
0x1aa: {  	v1 =	vld @p0 [tilespmem:$0xE328];
	_ =	sdelay $0x4  }
0x1ab: {  	[tilespmem:s4+$0xE458] =	vst.add.f32.msk @p0 $0xffff, v1  }
0x1ac: {  	v1 =	vld @p0 [tilespmem:$0xE338];
	_ =	sdelay $0x4  }
0x1ad: {  	[tilespmem:s4+$0xE468] =	vst.add.f32.msk @p0 $0xffff, v1  }
0x1ae: {  	v1 =	vld @p0 [tilespmem:$0xE348];
	_ =	sdelay $0x4  }
0x1af: {  	[tilespmem:s4+$0xE478] =	vst.add.f32.msk @p0 $0xffff, v1  }
0x1b0: {  	v1 =	vld @p0 [tilespmem:$0xE358];
	_ =	sdelay $0x4  }
0x1b1: {  	[tilespmem:s4+$0xE488] =	vst.add.f32.msk @p0 $0xffff, v1  }
0x1b2: {  	v1 =	vld @p0 [tilespmem:$0xE368];
	_ =	sdelay $0x4  }
0x1b3: {  	[tilespmem:s4+$0xE498] =	vst.add.f32.msk @p0 $0xffff, v1  }
0x1b4: {  	v1 =	vld @p0 [tilespmem:$0xE378];
	_ =	sdelay $0x4  }
0x1b5: {  	[tilespmem:s4+$0xE4A8] =	vst.add.f32.msk @p0 $0xffff, v1  }
0x1b6: {  	v1 =	vld @p0 [tilespmem:$0xE388];
	_ =	sdelay $0x4  }
0x1b7: {  	[tilespmem:s4+$0xE4B8] =	vst.add.f32.msk @p0 $0xffff, v1  }
0x1b8: {  	v1 =	vld @p0 [tilespmem:$0xE398];
	_ =	sdelay $0x4  }
0x1b9: {  	[tilespmem:s4+$0xE4C8] =	vst.add.f32.msk @p0 $0xffff, v1  }
0x1ba: {  	v1 =	vld @p0 [tilespmem:$0xE3A8];
	_ =	sdelay $0x4  }
0x1bb: {  	[tilespmem:s4+$0xE4D8] =	vst.add.f32.msk @p0 $0xffff, v1  }
0x1bc: {  	v1 =	vld @p0 [tilespmem:$0xE3B8];
	_ =	sdelay $0x4  }
0x1bd: {  	[tilespmem:s4+$0xE4E8] =	vst.add.f32.msk @p0 $0xffff, v1  }
0x1be: {  	v1 =	vld @p0 [tilespmem:$0xE3C8];
	_ =	sdelay $0x4  }
0x1bf: {  	[tilespmem:s4+$0xE4F8] =	vst.add.f32.msk @p0 $0xffff, v1  }
0x1c0: {  	v1 =	vld @p0 [tilespmem:$0xE3D8];
	_ =	sdelay $0x4  }
0x1c1: {  	[tilespmem:s4+$0xE508] =	vst.add.f32.msk @p0 $0xffff, v1  }
0x1c2: {  	v1 =	vld @p0 [tilespmem:$0xE3E8];
	_ =	sdelay $0x4  }
0x1c3: {  	[tilespmem:s4+$0xE518] =	vst.add.f32.msk @p0 $0xffff, v1  }
0x1c4: {  	v1 =	vld @p0 [tilespmem:$0xE3F8];
	_ =	sdelay $0x3  }
0x1c5: {  	s5 =	sshll.u32 @!p0 s3, $0xA  }
0x1c6: {  	s5 =	smov.u32 @p0 s0;
	[tilespmem:s4+$0xE528] =	vst.add.f32.msk @p0 $0xffff, v1  }
0x1c7: {  	s0 =	sshrl.u32 s5, $0x2;
	[tilespmem:s2+$0xE418] =	vst.msk $0x1, v0  }
0x1c8: {  	v0 =	vld [tilespmem:s0+$0xE438];
	_ =	sdelay $0x2  }
0x1c9: {  	s31 =	sshll.u32 s2, $0xA  }
0x1ca: {  	s4 =	sshra.s32 s31, $0x2  }
0x1cb: {  	[tilespmem:s4+$0xE438] =	vst v0  }
0x1cc: {  	v0 =	vld [tilespmem:s0+$0xE448];
	_ =	sdelay $0x4  }
0x1cd: {  	[tilespmem:s4+$0xE448] =	vst v0  }
0x1ce: {  	v0 =	vld [tilespmem:s0+$0xE458];
	_ =	sdelay $0x4  }
0x1cf: {  	[tilespmem:s4+$0xE458] =	vst v0  }
0x1d0: {  	v0 =	vld [tilespmem:s0+$0xE468];
	_ =	sdelay $0x4  }
0x1d1: {  	[tilespmem:s4+$0xE468] =	vst v0  }
0x1d2: {  	v0 =	vld [tilespmem:s0+$0xE478];
	_ =	sdelay $0x4  }
0x1d3: {  	[tilespmem:s4+$0xE478] =	vst v0  }
0x1d4: {  	v0 =	vld [tilespmem:s0+$0xE488];
	_ =	sdelay $0x4  }
0x1d5: {  	[tilespmem:s4+$0xE488] =	vst v0  }
0x1d6: {  	v0 =	vld [tilespmem:s0+$0xE498];
	_ =	sdelay $0x4  }
0x1d7: {  	[tilespmem:s4+$0xE498] =	vst v0  }
0x1d8: {  	v0 =	vld [tilespmem:s0+$0xE4A8];
	_ =	sdelay $0x4  }
0x1d9: {  	[tilespmem:s4+$0xE4A8] =	vst v0  }
0x1da: {  	v0 =	vld [tilespmem:s0+$0xE4B8];
	_ =	sdelay $0x4  }
0x1db: {  	[tilespmem:s4+$0xE4B8] =	vst v0  }
0x1dc: {  	v0 =	vld [tilespmem:s0+$0xE4C8];
	_ =	sdelay $0x4  }
0x1dd: {  	[tilespmem:s4+$0xE4C8] =	vst v0  }
0x1de: {  	v0 =	vld [tilespmem:s0+$0xE4D8];
	_ =	sdelay $0x4  }
0x1df: {  	[tilespmem:s4+$0xE4D8] =	vst v0  }
0x1e0: {  	v0 =	vld [tilespmem:s0+$0xE4E8];
	_ =	sdelay $0x4  }
0x1e1: {  	[tilespmem:s4+$0xE4E8] =	vst v0  }
0x1e2: {  	v0 =	vld [tilespmem:s0+$0xE4F8];
	_ =	sdelay $0x4  }
0x1e3: {  	[tilespmem:s4+$0xE4F8] =	vst v0  }
0x1e4: {  	v0 =	vld [tilespmem:s0+$0xE508];
	_ =	sdelay $0x4  }
0x1e5: {  	[tilespmem:s4+$0xE508] =	vst v0  }
0x1e6: {  	v0 =	vld [tilespmem:s0+$0xE518];
	_ =	sdelay $0x4  }
0x1e7: {  	[tilespmem:s4+$0xE518] =	vst v0  }
0x1e8: {  	v0 =	vld [tilespmem:s0+$0xE528];
	_ =	sdelay $0x4  }
0x1e9: {  	s2 =	sadd.s32 $0x1, s2;
	[tilespmem:s4+$0xE528] =	vst v0  }
.LBB2_37:
0x1ea: {  	s3 =	sadd.s32 $0x1, s3  }
0x1eb: {  	p0 =	sne.s32 s3, $0x20  }
.Ltmp24:
0x1ec: {  	_ = 	snop;
	(pc) =	sbr.rel @!p0 .LBB2_38-.Ltmp24, $1  }
0x1ed: {  	_ =	sdelay $0x3  }
.LBB2_30:
0x1ee: {  	v0 =	vld.msk [tilespmem:s3+$0xE418], $0x1;
	_ =	sdelay $0x4  }
0x1ef: {  	(v2sf) =	vpush v0, $0x0;
	_ =	sdelay $0xe  }
0x1f0: {  	s4 =	spop (v2sf)  }
0x1f1: {  	p0 =	seq.s32 s4, $0xFFFFFFFF  }
.Ltmp25:
0x1f2: {  	_ = 	snop;
	(pc) =	sbr.rel @p0 .LBB2_37-.Ltmp25, $1  }
0x1f3: {  	_ =	sdelay $0x3  }
0x1f4: {  	p0 =	slt.s32 s2, $0x1  }
.Ltmp26:
0x1f5: {  	_ = 	snop;
	(pc) =	sbr.rel @p0 .LBB2_36-.Ltmp26, $1  }
0x1f6: {  	_ =	sdelay $0x3  }
0x1f7: {  	s5 =	simm.s32 $0xE418;
	p0 =	por $0x0, $0x0  }
0x1f8: {  	v1 =	vld.msk @!p0 [tilespmem:s5+$0x0], $0x1;
	_ =	sdelay $0x4  }
0x1f9: {  	(v2sf) =	vpush @!p0 v1, $0x0;
	_ =	sdelay $0xd  }
0x1fa: {  	p2 =	sne.s32 s2, $0x1  }
.Ltmp27:
0x1fb: {  	s0 =	spop @!p0 (v2sf);
	(pc) =	sbr.rel @!p2 .LBB2_34-.Ltmp27, $4  }
0x1fc: {  	p1 =	seq.s32 @!p0 s4, s0  }
0x1fd: {  	s6 =	simm.s32 $0x0;
	p1 =	por !p1, p0  }
0x1fe: {  	s0 =	simm.s32 $0xFFFFFFFF;
	s6 =	simm.s32 @p1 $0xFFFFFFFF  }
0x1ff: {  	s7 =	simm.s32 $0x1;
	s6 =	smov.u32 @p0 s0  }
.LBB2_33:
0x200: {  	s0 =	smov.u32 s6;
	p0 =	sne.s32 s6, $0xFFFFFFFF  }
0x201: {  	s5 =	sadd.s32 $0x1, s5;
	s6 =	smov.u32 s7;
	s7 =	sadd.s32 $0x1, s7  }
0x202: {  	p1 =	sne.s32 s2, s7;
	v1 =	vld.msk @!p0 [tilespmem:s5+$0x0], $0x1;
	_ =	sdelay $0x4  }
0x203: {  	(v2sf) =	vpush @!p0 v1, $0x0;
	_ =	sdelay $0xe  }
.Ltmp28:
0x204: {  	s8 =	spop @!p0 (v2sf);
	(pc) =	sbr.rel @p1 .LBB2_33-.Ltmp28, $4  }
0x205: {  	p2 =	seq.s32 @!p0 s4, s8  }
0x206: {  	p2 =	por !p2, p0  }
0x207: {  	s6 =	simm.s32 @p2 $0xFFFFFFFF  }
0x208: {  	s6 =	smov.u32 @p0 s0  }
.LBB2_34:
0x209: {  	p0 =	seq.s32 s6, $0xFFFFFFFF  }
.Ltmp29:
0x20a: {  	_ = 	snop;
	(pc) =	sbr.rel @p0 .LBB2_36-.Ltmp29, $1  }
0x20b: {  	_ =	sdelay $0x3  }
0x20c: {  	s0 =	sshll.u32 s3, $0x8  }
0x20d: {  	s0 =	sand.u32 $0x3FFFFF00, s0  }
0x20e: {  	v0 =	vld [tilespmem:s0+$0xE438];
	_ =	sdelay $0x2  }
0x20f: {  	s4 =	sshll.u32 s6, $0xA  }
0x210: {  	s4 =	sshra.s32 s4, $0x2  }
0x211: {  	[tilespmem:s4+$0xE438] =	vst.add.f32.msk $0xffff, v0  }
0x212: {  	v0 =	vld [tilespmem:s0+$0xE448];
	_ =	sdelay $0x4  }
0x213: {  	[tilespmem:s4+$0xE448] =	vst.add.f32.msk $0xffff, v0  }
0x214: {  	v0 =	vld [tilespmem:s0+$0xE458];
	_ =	sdelay $0x4  }
0x215: {  	[tilespmem:s4+$0xE458] =	vst.add.f32.msk $0xffff, v0  }
0x216: {  	v0 =	vld [tilespmem:s0+$0xE468];
	_ =	sdelay $0x4  }
0x217: {  	[tilespmem:s4+$0xE468] =	vst.add.f32.msk $0xffff, v0  }
0x218: {  	v0 =	vld [tilespmem:s0+$0xE478];
	_ =	sdelay $0x4  }
0x219: {  	[tilespmem:s4+$0xE478] =	vst.add.f32.msk $0xffff, v0  }
0x21a: {  	v0 =	vld [tilespmem:s0+$0xE488];
	_ =	sdelay $0x4  }
0x21b: {  	[tilespmem:s4+$0xE488] =	vst.add.f32.msk $0xffff, v0  }
0x21c: {  	v0 =	vld [tilespmem:s0+$0xE498];
	_ =	sdelay $0x4  }
0x21d: {  	[tilespmem:s4+$0xE498] =	vst.add.f32.msk $0xffff, v0  }
0x21e: {  	v0 =	vld [tilespmem:s0+$0xE4A8];
	_ =	sdelay $0x4  }
0x21f: {  	[tilespmem:s4+$0xE4A8] =	vst.add.f32.msk $0xffff, v0  }
0x220: {  	v0 =	vld [tilespmem:s0+$0xE4B8];
	_ =	sdelay $0x4  }
0x221: {  	[tilespmem:s4+$0xE4B8] =	vst.add.f32.msk $0xffff, v0  }
0x222: {  	v0 =	vld [tilespmem:s0+$0xE4C8];
	_ =	sdelay $0x4  }
0x223: {  	[tilespmem:s4+$0xE4C8] =	vst.add.f32.msk $0xffff, v0  }
0x224: {  	v0 =	vld [tilespmem:s0+$0xE4D8];
	_ =	sdelay $0x4  }
0x225: {  	[tilespmem:s4+$0xE4D8] =	vst.add.f32.msk $0xffff, v0  }
0x226: {  	v0 =	vld [tilespmem:s0+$0xE4E8];
	_ =	sdelay $0x4  }
0x227: {  	[tilespmem:s4+$0xE4E8] =	vst.add.f32.msk $0xffff, v0  }
0x228: {  	v0 =	vld [tilespmem:s0+$0xE4F8];
	_ =	sdelay $0x4  }
0x229: {  	[tilespmem:s4+$0xE4F8] =	vst.add.f32.msk $0xffff, v0  }
0x22a: {  	v0 =	vld [tilespmem:s0+$0xE508];
	_ =	sdelay $0x4  }
0x22b: {  	[tilespmem:s4+$0xE508] =	vst.add.f32.msk $0xffff, v0  }
0x22c: {  	v0 =	vld [tilespmem:s0+$0xE518];
	_ =	sdelay $0x4  }
0x22d: {  	[tilespmem:s4+$0xE518] =	vst.add.f32.msk $0xffff, v0  }
0x22e: {  	v0 =	vld [tilespmem:s0+$0xE528]  }
.Ltmp30:
0x22f: {  	_ = 	snop;
	(pc) =	sbr.rel .LBB2_37-.Ltmp30, $2  }
0x230: {  	_ =	sdelay $0x2  }
0x231: {  	[tilespmem:s4+$0xE528] =	vst.add.f32.msk $0xffff, v0  }
.LBB2_38:
0x232: {  	p0 =	slt.s32 s2, $0x1  }
.Ltmp31:
0x233: {  	_ = 	snop;
	(pc) =	sbr.rel @p0 .LBB2_42-.Ltmp31, $3  }
0x234: {  	_ =	sdelay $0x1  }
0x235: {  	s0 =	simm.s32 $0x6  }
0x236: {  	[sflag:s0] =	ssyncpa.u1 $0x1;
	s0 =	simm.s32 $0x0  }
0x237: {  	s3 =	simm.s32 $0xE418  }
0x238: {  	v0 =	vld.msk [tilespmem:s3+$0x0], $0x1;
	_ =	sdelay $0x4  }
0x239: {  	(v2sf) =	vpush v0, $0x0;
	_ =	sdelay $0xe  }
0x23a: {  	s2 =	sadd.s32 $0xFFFFFFFF, s2;
	s4 =	spop (v2sf)  }
0x23b: {  	s5 =	simm.s32 $0xE438;
	p0 =	sne.s32 s2, $0x0;
	p1 =	sgt.u32 s4, $0x4E170  }
.Ltmp32:
0x23c: {  	s3 =	simm.s32 $0xE538;
	s6 =	sand.u32 @!p1 $0x7FFF8, s4;
	(pc) =	sbr.rel @!p0 .LBB2_41-.Ltmp32, $4  }
0x23d: {  	s7 =	sadd.s32 @!p1 $0x80, s4;
	s8 =	sadd.s32 @!p1 s1, s6;
	s6 =	sand.u32 @!p1 $0x7, s4  }
0x23e: {  	[hbm4b:s8+s6] =	stream.linear.scatter @!p1 [tilespmem:s5], [sflag:$0x5], $0x80, $0x38;
	[tilespmem:$0x1E668] =	vst v63  }
0x23f: {  	s0 =	simm.s32 @!p1 $0x400;
	s4 =	simm.s32 $0xE419;
	s5 =	sand.u32 @!p1 $0xFFFF8, s7  }
0x240: {  	s7 =	simm.s32 @!p1 $0xE4B8;
	s8 =	sadd.s32 @!p1 s1, s5;
	s5 =	sadd.s32 $0x0, s0  }
.LBB2_40:
0x241: {  	[hbm4b:s8+s6] =	stream.linear.scatter @!p1 [tilespmem:s7], [sflag:$0x5], $0x80, $0x38;
	[tilespmem:$0x1E668] =	vst v63  }
0x242: {  	s2 =	sadd.s32 $0xFFFFFFFF, s2;
	s0 =	smov.u32 s3;
	v0 =	vld.msk [tilespmem:s4+$0x0], $0x1  }
0x243: {  	p0 =	sne.s32 s2, $0x0;
	_ =	sdelay $0x3  }
0x244: {  	(v2sf) =	vpush v0, $0x0;
	_ =	sdelay $0xe  }
0x245: {  	s3 =	sadd.s32 $0x100, s3;
	s9 =	simm.s32 $0x0;
	s6 =	spop (v2sf)  }
.Ltmp33:
0x246: {  	s4 =	sadd.s32 $0x1, s4;
	p1 =	sgt.u32 s6, $0x4E170;
	(pc) =	sbr.rel @p0 .LBB2_40-.Ltmp33, $4  }
0x247: {  	s9 =	simm.s32 @!p1 $0x400;
	s7 =	sand.u32 @!p1 $0x7FFF8, s6;
	s8 =	sadd.s32 @!p1 $0x80, s6  }
0x248: {  	s6 =	sand.u32 @!p1 $0x7, s6;
	s7 =	sadd.s32 @!p1 s1, s7;
	s8 =	sand.u32 @!p1 $0xFFFF8, s8  }
0x249: {  	[hbm4b:s7+s6] =	stream.linear.scatter @!p1 [tilespmem:s0], [sflag:$0x5], $0x80, $0x38;
	[tilespmem:$0x1E668] =	vst v63  }
0x24a: {  	s5 =	sadd.s32 s5, s9;
	s7 =	sadd.s32 @!p1 $0x80, s0;
	s8 =	sadd.s32 @!p1 s1, s8  }
.LBB2_41:
0x24b: {  	[hbm4b:s8+s6] =	stream.linear.scatter @!p1 [tilespmem:s7], [sflag:$0x5], $0x80, $0x38;
	[tilespmem:$0x1E668] =	vst v63  }
0x24c: {  	s0 =	sshrl.u32 s5, $0x2  }
.LBB2_42:
0x24d: {  	s1 =	simm.s32 $0x5  }
0x24e: {  	_ =	swait.ge [sflag:s1], s0  }
0x24f: {  	s29 =	ssub.s32 $0x0, s0;
	[sflag:s1] =	ssyncset.done $0x0  }
0x250: {  	[sflag:s1] =	ssyncadd.s32 s29  }
0x251: {  	[sflag:s1] =	ssyncpa.u1 $0x1  }
0x252: {  	s30 =	simm.s32 $0x1;
	_ =	sfence  }
0x253: {  	[sflag:s30] =	ssyncpa.u1 $0x1  }
0x254: {  	_ =	strace $0x90000053  }
0x255: {  	[bflag:$0x2] =	sbarrier.arrive $0xFFFF  }
0x256: {  	s31 =	rddreg [dreg:$0x1]  }
0x257: {  	s0 =	sadd.s32 $0x100000, s31  }
0x258: {  	[sflag:s0] =	ssyncadd.tile.s32 $0x1;
	_ =	shalt  }
.Lfunc_end2:
_tile_overlayer_lowered:
.L_overlay_start_2:
0x259: {  	(tag) =	ssettag $0x2  }
0x25a: {  	s0 =	rddreg [dreg:$0x0];
	s2 =	stileid.u32  }
0x25b: {  	s1 =	rddreg [dreg:$0x1];
	p0 =	sne.s32 s2, $0x0  }
0x25c: {  	s3 =	rddreg [dreg:$0x2];
	[bflag:$0x3] =	sbarrier.arrive $0xFFFF;
	s2 =	simm.s32 @!p0 $0x1C01  }
0x25d: {  	[timem:s3], [sflag:s2] =	dma.local @!p0 [hbm:s0], s1  }
0x25e: {  	s0 =	simm.s32 @!p0 $0x1  }
0x25f: {  	_ =	swait.ge @!p0 [sflag:s0], s1  }
0x260: {  	s1 =	ssub.s32 @!p0 $0x0, s1;
	[sflag:s0] =	ssyncset.done @!p0 $0x0  }
0x261: {  	[sflag:s0] =	ssyncadd.s32 @!p0 s1  }
0x262: {  	[bflag:$0x3] =	sbarrier.arrive $0xFFFF  }
0x263: {  	_ =	shalt  }

// kernel: scatter_offload_async_start
scs
__scs_entry_jumppad:
0x0: {  	(pc) =	sbr.rel $0x88, $3  }
0x1: {  	(tag) =	ssettag $0x0;
	lr =	simm.s32 $0x1  }
0x2: {  	[smem:$0x3F92] =	sst lr;
	_ =	strace $0xD0000000  }
0x3: {  	_ = 	snop  }
0x4: {  	_ = 	snop  }
0x5: {  	_ = 	snop  }
0x6: {  	_ = 	snop  }
0x7: {  	_ = 	snop  }
__scs_overlays_trampoline_lowered:
0x8: {  	[smem:$0x3FA1] =	sst s0  }
0x9: {  	[smem:$0x3FA2] =	sst s1  }
0xa: {  	[smem:$0x3FA3] =	sst s2  }
0xb: {  	[smem:$0x3FA4] =	sst s3  }
0xc: {  	[smem:$0x3FA5] =	sst s4  }
0xd: {  	[smem:$0x3FA6] =	sst s5  }
0xe: {  	[smem:$0x3FA7] =	sst s6  }
0xf: {  	[smem:$0x3FA8] =	sst s7  }
0x10: {  	[smem:$0x3FA9] =	sst s8  }
0x11: {  	[smem:$0x3FAA] =	sst s9;
	s0 =	simm.s32 @!p0 $0x0  }
0x12: {  	s1 =	sld [smem:$0x3F90];
	s0 =	simm.s32 @p0 $0x1  }
0x13: {  	[smem:$0x3FAB] =	sst s0;
	s0 =	simm.s32 @!p1 $0x0  }
0x14: {  	s2 =	sld [smem:$0x3F8F];
	s0 =	simm.s32 @p1 $0x1  }
0x15: {  	[smem:$0x3FAC] =	sst s0;
	s0 =	simm.s32 @!p2 $0x0  }
0x16: {  	s3 =	sld [smem:$0x3FDB];
	s0 =	simm.s32 @p2 $0x1  }
0x17: {  	s4 =	simm.s32 $0x1BF5;
	[smem:$0x3FAE] =	sst s0  }
0x18: {  	s0 =	sld [smem:$0x3F91];
	_ =	swait.ge [sflag:s4], $0x0  }
0x19: {  	s7 =	sld [smem:$0x3F92]  }
0x1a: {  	s8 =	sadd.s32 $0xFFFFE003, lr  }
0x1b: {  	s9 =	sadd.s32 $0xFFFFFEF7, lr;
	s5 =	simm.s32 $0xFFFFFFFF;
	p2 =	slt.u32 s8, $0xFFFFF086  }
0x1c: {  	p1 =	slt.u32 s9, $0xF7A;
	s5 =	simm.s32 @!p2 $0x0  }
0x1d: {  	s5 =	simm.s32 @p1 $0x1;
	p0 =	seq.s32 s7, s2  }
0x1e: {  	s7 =	smul.u32 @!p0 $0xF7A, s2;
	p2 =	seq.s32 @!p0 s5, $0x0  }
0x1f: {  	s9 =	smul.u32 $0xF7A, s1;
	s8 =	simm.s32 @!p0 $0x1BF5;
	p2 =	por !p2, p0  }
0x20: {  	[sflag:s8] =	ssyncset.s32 @!p0 $0xFFFFF086;
	s6 =	sadd.s32 @!p0 s3, s7;
	s7 =	simm.s32 @!p0 $0x108  }
0x21: {  	s3 =	sadd.s32 s3, s9;
	s6 =	sadd.s32 @!p0 $0x88, s6;
	s7 =	simm.s32 @p2 $0x1082  }
0x22: {  	[simem:s7], [sflag:s8] =	dma.local @!p0 [hbm:s6], $0xF7A  }
0x23: {  	s9 =	sor.u32 $0xD0000000, s2;
	s6 =	simm.s32 $0x108;
	_ =	swait.ge @!p0 [sflag:s8], $0x0  }
0x24: {  	s3 =	sadd.s32 $0x88, s3;
	s6 =	simm.s32 @!p1 $0x1082;
	[sflag:s4] =	ssyncset.s32 $0xFFFFF086  }
0x25: {  	[simem:s6], [sflag:s4] =	dma.local [hbm:s3], $0xF7A  }
0x26: {  	[smem:$0x3F92] =	sst s1;
	(tag) =	ssettag s2;
	_ =	strace s9  }
0x27: {  	s1 =	sld [smem:$0x3FA2]  }
0x28: {  	s2 =	sld [smem:$0x3FA3]  }
0x29: {  	s4 =	sld [smem:$0x3FA5]  }
0x2a: {  	p0 =	seq.s32 s5, $0x0;
	s5 =	sld [smem:$0x3FA6]  }
0x2b: {  	s6 =	sld [smem:$0x3FA7]  }
0x2c: {  	s7 =	sld [smem:$0x3FA8]  }
0x2d: {  	s3 =	simm.s32 $0x108;
	s8 =	sld [smem:$0x3FA9]  }
0x2e: {  	s3 =	simm.s32 @!p0 $0x1082;
	s9 =	sld [smem:$0x3FAA]  }
0x2f: {  	lr =	sadd.s32 s0, s3;
	s0 =	sld [smem:$0x3FA1]  }
0x30: {  	s3 =	sld [smem:$0x3FA4]  }
0x31: {  	[smem:$0x3FAD] =	sst s10  }
0x32: {  	s10 =	sld [smem:$0x3FAB];
	_ =	sdelay $0x3  }
0x33: {  	p0 =	seq.s32 s10, $0x1;
	s10 =	sld [smem:$0x3FAD];
	_ =	sdelay $0x3  }
0x34: {  	[smem:$0x3FAD] =	sst s10  }
0x35: {  	s10 =	sld [smem:$0x3FAC];
	_ =	sdelay $0x3  }
0x36: {  	p1 =	seq.s32 s10, $0x1;
	s10 =	sld [smem:$0x3FAD];
	_ =	sdelay $0x3  }
0x37: {  	[smem:$0x3FAD] =	sst s10  }
0x38: {  	s10 =	sld [smem:$0x3FAE]  }
0x39: {  	_ = 	snop;
	(pc) =	sbr.ind lr, $3  }
0x3a: {  	_ = 	snop  }
0x3b: {  	_ = 	snop  }
0x3c: {  	p2 =	seq.s32 s10, $0x1;
	s10 =	sld [smem:$0x3FAD]  }
0x3d: {  	_ =	shalt  }
0x3e: {  	_ =	shalt  }
0x3f: {  	_ =	shalt  }
0x40: {  	_ =	shalt  }
0x41: {  	_ =	shalt  }
0x42: {  	_ =	shalt  }
0x43: {  	_ =	shalt  }
0x44: {  	_ =	shalt  }
0x45: {  	_ =	shalt  }
0x46: {  	_ =	shalt  }
0x47: {  	_ =	shalt  }
0x48: {  	_ =	shalt  }
0x49: {  	_ =	shalt  }
0x4a: {  	_ =	shalt  }
0x4b: {  	_ =	shalt  }
0x4c: {  	_ =	shalt  }
0x4d: {  	_ =	shalt  }
0x4e: {  	_ =	shalt  }
0x4f: {  	_ =	shalt  }
0x50: {  	_ =	shalt  }
0x51: {  	_ =	shalt  }
0x52: {  	_ =	shalt  }
0x53: {  	_ =	shalt  }
0x54: {  	_ =	shalt  }
0x55: {  	_ =	shalt  }
0x56: {  	_ =	shalt  }
0x57: {  	_ =	shalt  }
0x58: {  	_ =	shalt  }
0x59: {  	_ =	shalt  }
0x5a: {  	_ =	shalt  }
0x5b: {  	_ =	shalt  }
0x5c: {  	_ =	shalt  }
0x5d: {  	_ =	shalt  }
0x5e: {  	_ =	shalt  }
0x5f: {  	_ =	shalt  }
0x60: {  	_ =	shalt  }
0x61: {  	_ =	shalt  }
0x62: {  	_ =	shalt  }
0x63: {  	_ =	shalt  }
0x64: {  	_ =	shalt  }
0x65: {  	_ =	shalt  }
0x66: {  	_ =	shalt  }
0x67: {  	_ =	shalt  }
0x68: {  	_ =	shalt  }
0x69: {  	_ =	shalt  }
0x6a: {  	_ =	shalt  }
0x6b: {  	_ =	shalt  }
0x6c: {  	_ =	shalt  }
0x6d: {  	_ =	shalt  }
0x6e: {  	_ =	shalt  }
0x6f: {  	_ =	shalt  }
0x70: {  	_ =	shalt  }
0x71: {  	_ =	shalt  }
0x72: {  	_ =	shalt  }
0x73: {  	_ =	shalt  }
0x74: {  	_ =	shalt  }
0x75: {  	_ =	shalt  }
0x76: {  	_ =	shalt  }
0x77: {  	_ =	shalt  }
0x78: {  	_ =	shalt  }
0x79: {  	_ =	shalt  }
0x7a: {  	_ =	shalt  }
0x7b: {  	_ =	shalt  }
0x7c: {  	_ =	shalt  }
0x7d: {  	_ =	shalt  }
0x7e: {  	_ =	shalt  }
0x7f: {  	_ =	shalt  }
0x80: {  	_ =	shalt  }
0x81: {  	_ =	shalt  }
0x82: {  	_ =	shalt  }
0x83: {  	_ =	shalt  }
0x84: {  	_ =	shalt  }
0x85: {  	_ =	shalt  }
0x86: {  	_ =	shalt  }
0x87: {  	_ =	shalt  }
.Lfunc_end0:
.L_simem_size_0:
called_computation_lowered:
.L_overlay_start_0:
0x88: {  	s0 =	sld [smem:$0x3FD9]  }
0x89: {  	s1 =	sld [smem:$0x3FFE];
	_ =	sdelay $0x3  }
0x8a: {  	s0 =	sadd.s32 s1, s0  }
0x8b: {  	[smem:$0x3FB9] =	sst s0  }
0x8c: {  	_ = 	snop  }
0x8d: {  	(tm) =	ssettm $0x1  }
0x8e: {  	s14 =	sld [smem:$0x3FFB];
	_ =	sdelay $0x3  }
0x8f: {  	_ =	strace s14  }
0x90: {  	s0 =	sld [smem:$0x3FFC];
	_ =	sdelay $0x3  }
0x91: {  	_ =	strace s0  }
0x92: {  	s0 =	sld [smem:$0x3FFD];
	_ =	sdelay $0x3  }
0x93: {  	_ =	strace s0  }
0x94: {  	_ =	strace $0x8FFFFFFF  }
0x95: {  	s15 =	sld [smem:$0x3FDB];
	_ =	sdelay $0x1  }
0x96: {  	s16 =	simm.s32 $_scs_section_size  }
0x97: {  	s2 =	simm.s32 $_size__tile_overlayer_lowered;
	s3 =	simm.s32 $_tile_overlayer_lowered  }
0x98: {  	s4 =	simm.s32 $0x1BFF;
	s17 =	sshll.u32 s3, $0x1;
	s1 =	sadd.s32 s16, s15  }
0x99: {  	s18 =	simm.s32 $0x0;
	s2 =	sshll.u32 s2, $0x1;
	s3 =	sadd.s32 s17, s1  }
0x9a: {  	[timem:s18], [sflag:s4] =	dma.local [hbm:s3], s2  }
0x9b: {  	_ =	swait.ge [sflag:s4], s2  }
0x9c: {  	s2 =	ssub.s32 $0x0, s2;
	[sflag:s4] =	ssyncset.done $0x0  }
0x9d: {  	[sflag:s4] =	ssyncadd.s32 s2;
	_ =	sdelay $0x1  }
0x9e: {  	s19 =	simm.s32 $0x1B8B  }
0x9f: {  	_ =	swait.ge [sflag:s19], $0x1  }
0xa0: {  	[sflag:s19] =	ssyncset.done $0x0  }
0xa1: {  	s21 =	simm.s32 $0x1B8E;
	s20 =	sld [smem:$0x3FFE];
	[sflag:s19] =	ssyncadd.s32 $0xFFFFFFFF  }
0xa2: {  	s22 =	simm.s32 $execute0_lowered;
	[smem:$0x3FD2] =	sst s21  }
0xa3: {  	s3 =	sshll.u32 s22, $0x1;
	_ =	strace $0x80000049;
	[dreg:$0x1] =	wrdreg $0xFFFFFFFF  }
0xa4: {  	s23 =	simm.s32 $_size_execute0_lowered;
	s3 =	sadd.s32 s1, s3;
	[dreg:$0x0] =	wrdreg $0x0  }
0xa5: {  	s4 =	sshll.u32 s23, $0x1;
	[dreg:$0x2] =	wrdreg s3  }
0xa6: {  	[dreg:$0x3] =	wrdreg s4  }
0xa7: {  	[dreg:$0x4] =	wrdreg $0xC0  }
0xa8: {  	s24 =	simm.s32 $execute1_lowered;
	_ =	task [dreg:s18], $0x5FFFF  }
0xa9: {  	s3 =	sshll.u32 s24, $0x1;
	[dreg:$0x1] =	wrdreg $0xFFFFFFFF  }
0xaa: {  	s1 =	sadd.s32 s1, s3;
	[dreg:$0x0] =	wrdreg $0x60  }
0xab: {  	[dreg:$0x2] =	wrdreg s1  }
0xac: {  	[dreg:$0x3] =	wrdreg s20  }
0xad: {  	[dreg:$0x4] =	wrdreg $0x9  }
0xae: {  	_ =	task.clear_ibuf [dreg:s18], $0x5FFFF;
	_ =	strace $0x90000049  }
0xaf: {  	s25 =	simm.s32 $0x9;
	_ =	strace $0x8000004B  }
0xb0: {  	_ =	swait.ge [sflag:s25], $0x1  }
0xb1: {  	[sflag:s25] =	ssyncadd.s32 $0xFFFFFFFF  }
0xb2: {  	_ =	strace $0x9000004B  }
0xb3: {  	_ =	strace $0x8000004C;
	[dreg:$0x1] =	wrdreg $0xFFFFFFFF  }
0xb4: {  	[dreg:$0x0] =	wrdreg $0x2030  }
0xb5: {  	[dreg:$0x2] =	wrdreg s20  }
0xb6: {  	[dreg:$0x3] =	wrdreg $0xA  }
0xb7: {  	_ =	task.clear_ibuf [dreg:s18], $0x4FFFF;
	_ =	strace $0x9000004C  }
0xb8: {  	s26 =	simm.s32 $0xA;
	_ =	strace $0x8000004E  }
0xb9: {  	_ =	swait.ge [sflag:s26], $0x1  }
0xba: {  	[sflag:s26] =	ssyncadd.s32 $0xFFFFFFFF  }
0xbb: {  	_ =	strace $0x9000004E  }
0xbc: {  	_ =	sfence  }
0xbd: {  	s28 =	sld [smem:$0x0];
	_ =	sdelay $0x1  }
0xbe: {  	s29 =	srdreg.scid  }
0xbf: {  	s30 =	sshll.u32 s29, $0xD;
	s31 =	sshrl.u32 s29, $0x2  }
0xc0: {  	s2 =	sand.u32 $0x1, s29;
	s3 =	sand.u32 $0x4000, s30;
	s1 =	sadd.s32 s31, s28  }
0xc1: {  	s2 =	sor.u32 s3, s2;
	s1 =	sshll.u32 s1, $0x11  }
0xc2: {  	s1 =	sor.u32 s1, s2  }
0xc3: {  	s1 =	sadd.s32 $0x8F2B, s1  }
0xc4: {  	[sflag:s1] =	ssyncadd.remote.s32 $0x1  }
0xc5: {  	_ =	sfence.sel $0xFFFF  }
0xc6: {  	[dreg:$0x0] =	wrdreg $0xFFFFFFFF;
	(pc) =	sbr.abs _section_cstart, $3  }
0xc7: {  	[dreg:$0x1] =	wrdreg $0xFFFFFFFF  }
0xc8: {  	_ =	task.clear_ibuf [dreg:s18], $0x2FFFF;
	_ =	strace $0x9FFFFFFF  }
0xc9: {  	(tm) =	ssettm $0x7FFFFFFF  }
tec
execute0_lowered:
.L_overlay_start_1:
0x0: {  	(tag) =	ssettag $0x1  }
0x1: {  	s2 =	rddreg [dreg:$0x0]  }
0x2: {  	s4 =	rddreg [dreg:$0x1];
	s3 =	stileid.u32;
	[bflag:$0x3] =	sbarrier.arrive $0xFFFF  }
0x3: {  	s1 =	simm.s32 $_size_execute1_lowered;
	s30 =	simm.s32 $0x1;
	s7 =	simm.s32 $0x2  }
0x4: {  	s12 =	simm.s32 $0x0;
	s10 =	simm.s32 $0x0;
	s11 =	simm.s32 $0x0  }
0x5: {  	p0 =	sne.s32 s3, $0x0;
	s0 =	sshll.u32 s1, $0x1;
	s25 =	sadd.s32 $0xA97400, s4  }
0x6: {  	s3 =	sshll.u32 s3, $0x6;
	s29 =	sadd.s32 $0xAE5600, s4;
	s5 =	simm.s32 @!p0 $0x1C3F  }
.Ltmp0:
0x7: {  	s6 =	simm.s32 @!p0 $0x4060;
	[dreg:$0x3] =	wrdreg s0;
	(pc) =	sbr.rel .LBB2_1-.Ltmp0, $4  }
0x8: {  	[timem:s6], [sflag:s5] =	dma.local @!p0 [hbm:s2], s0  }
0x9: {  	s31 =	ssub.s32 $0x2700, s3;
	s9 =	smov.u32 s3;
	_ =	strace $0x8000004A  }
0xa: {  	s6 =	sshrl.u32 s31, $0xA;
	[dreg:$0x4] =	wrdreg s29;
	[sflag:s30] =	ssyncpa.u1 $0x0  }
0xb: {  	[dreg:$0x5] =	wrdreg s3;
	[sflag:s7] =	ssyncpa.u1 $0x0;
	s7 =	sor.u32 $0x2, s6  }
.LBB2_4:
0xc: {  	_ = 	snop  }
.LBB2_9:
0xd: {  	_ =	sdelay $0x3  }
0xe: {  	[tilespmem:v0+s23+$0x0 ss:$0x1] =	vst.idx.msk @p1 $0xffff, v2  }
0xf: {  	s0 =	sor.u32 s29, s28;
	v2 =	vld.idx.msk @p1 [tilespmem:v1+s15+$0x0 ss:$0x1], $0xffff;
	[tilespmem:v0+s22+$0x0 ss:$0x1] =	vst.idx.msk @p1 $0xffff, v3  }
0x10: {  	s1 =	sand.u32 $0x80, s18;
	v3 =	vld.idx.msk @p1 [tilespmem:v1+s16+$0x0 ss:$0x1], $0xffff;
	[tilespmem:v0+s19+$0x0 ss:$0x1] =	vst.idx.msk @p1 $0xffff, v6;
	s2 =	sand.u32 $0x3B00, s0  }
0x11: {  	v6 =	vld.idx.msk @p1 [tilespmem:v1+s17+$0x0 ss:$0x1], $0xffff;
	[tilespmem:v0+s24+$0x0 ss:$0x1] =	vst.idx.msk @p1 $0xffff, v4;
	s0 =	sand.u32 $0x3B80, s0;
	s1 =	sor.u32 s1, s2  }
0x12: {  	[tilespmem:v0+s21+$0x0 ss:$0x1] =	vst.idx.msk @p1 $0xffff, v5;
	s24 =	sor.u32 $0x410, s0;
	v48 =	vld.idx.msk [tilespmem:v1+s1+$0x0 ss:$0x1], $0xffff  }
0x13: {  	s26 =	sor.u32 $0x420, s0;
	[tilespmem:v0+s20+$0x0 ss:$0x1] =	vst.idx.msk @p1 $0xffff, v7;
	v57 =	vld.idx.msk [tilespmem:v1+s24+$0x0 ss:$0x1], $0xffff  }
0x14: {  	s28 =	sor.u32 $0x430, s0;
	v58 =	vld.idx.msk [tilespmem:v1+s26+$0x0 ss:$0x1], $0xffff;
	[tilespmem:v0+s15+$0x0 ss:$0x1] =	vst.idx.msk @p1 $0xffff, v2  }
0x15: {  	s29 =	sor.u32 $0x440, s0;
	v59 =	vld.idx.msk [tilespmem:v1+s28+$0x0 ss:$0x1], $0xffff;
	[tilespmem:v0+s16+$0x0 ss:$0x1] =	vst.idx.msk @p1 $0xffff, v3  }
0x16: {  	s30 =	sor.u32 $0x450, s0;
	v60 =	vld.idx.msk [tilespmem:v1+s29+$0x0 ss:$0x1], $0xffff;
	[tilespmem:v0+s17+$0x0 ss:$0x1] =	vst.idx.msk @p1 $0xffff, v6  }
0x17: {  	s31 =	sor.u32 $0x460, s0;
	v61 =	vld.idx.msk [tilespmem:v1+s30+$0x0 ss:$0x1], $0xffff;
	[tilespmem:v0+s1+$0x0 ss:$0x1] =	vst.idx.msk $0xffff, v48  }
0x18: {  	s0 =	sor.u32 $0x470, s0;
	v62 =	vld.idx.msk [tilespmem:v1+s31+$0x0 ss:$0x1], $0xffff;
	[tilespmem:v0+s24+$0x0 ss:$0x1] =	vst.idx.msk $0xffff, v57  }
0x19: {  	s2 =	sor.u32 $0x400, s1;
	v63 =	vld.idx.msk [tilespmem:v1+s0+$0x0 ss:$0x1], $0xffff;
	[tilespmem:v0+s26+$0x0 ss:$0x1] =	vst.idx.msk $0xffff, v58  }
0x1a: {  	s4 =	sor.u32 $0x10, s1;
	v49 =	vld.idx.msk [tilespmem:v1+s2+$0x0 ss:$0x1], $0xffff;
	[tilespmem:v0+s28+$0x0 ss:$0x1] =	vst.idx.msk $0xffff, v59  }
0x1b: {  	s5 =	sor.u32 $0x20, s1;
	v50 =	vld.idx.msk [tilespmem:v1+s4+$0x0 ss:$0x1], $0xffff;
	[tilespmem:v0+s29+$0x0 ss:$0x1] =	vst.idx.msk $0xffff, v60  }
0x1c: {  	s8 =	sor.u32 $0x30, s1;
	v51 =	vld.idx.msk [tilespmem:v1+s5+$0x0 ss:$0x1], $0xffff;
	[tilespmem:v0+s30+$0x0 ss:$0x1] =	vst.idx.msk $0xffff, v61  }
0x1d: {  	s21 =	sor.u32 $0x40, s1;
	v52 =	vld.idx.msk [tilespmem:v1+s8+$0x0 ss:$0x1], $0xffff;
	[tilespmem:v0+s31+$0x0 ss:$0x1] =	vst.idx.msk $0xffff, v62  }
0x1e: {  	s22 =	sor.u32 $0x50, s1;
	v53 =	vld.idx.msk [tilespmem:v1+s21+$0x0 ss:$0x1], $0xffff;
	[tilespmem:v0+s0+$0x0 ss:$0x1] =	vst.idx.msk $0xffff, v63  }
0x1f: {  	s23 =	sor.u32 $0x60, s1;
	v54 =	vld.idx.msk [tilespmem:v1+s22+$0x0 ss:$0x1], $0xffff;
	[tilespmem:v0+s2+$0x0 ss:$0x1] =	vst.idx.msk $0xffff, v49  }
0x20: {  	v55 =	vld.idx.msk [tilespmem:v1+s23+$0x0 ss:$0x1], $0xffff;
	s1 =	sor.u32 $0x70, s1;
	[tilespmem:v0+s4+$0x0 ss:$0x1] =	vst.idx.msk $0xffff, v50  }
0x21: {  	v56 =	vld.idx.msk [tilespmem:v1+s1+$0x0 ss:$0x1], $0xffff;
	[tilespmem:v0+s5+$0x0 ss:$0x1] =	vst.idx.msk $0xffff, v51  }
0x22: {  	[tilespmem:v0+s8+$0x0 ss:$0x1] =	vst.idx.msk $0xffff, v52  }
0x23: {  	[tilespmem:v0+s21+$0x0 ss:$0x1] =	vst.idx.msk $0xffff, v53  }
0x24: {  	[tilespmem:v0+s22+$0x0 ss:$0x1] =	vst.idx.msk $0xffff, v54  }
0x25: {  	[tilespmem:v0+s23+$0x0 ss:$0x1] =	vst.idx.msk $0xffff, v55  }
0x26: {  	[tilespmem:v0+s1+$0x0 ss:$0x1] =	vst.idx.msk $0xffff, v56  }
.LBB2_10:
0x27: {  	s0 =	sshll.u32 s10, $0x8;
	s1 =	sshll.u32 s10, $0x7  }
0x28: {  	s0 =	sand.u32 $0xFFFFF800, s0;
	s1 =	sand.u32 $0x300, s1  }
0x29: {  	s0 =	sor.u32 s1, s0  }
0x2a: {  	s0 =	sshrl.u32 s0, $0x8  }
0x2b: {  	s28 =	smulhi.u32 $0x1A36E3, s0;
	_ =	sdelay $0x1  }
0x2c: {  	s1 =	sshrl.u32 s28, $0x2  }
0x2d: {  	s1 =	smul.u32 $0x2710, s1  }
0x2e: {  	s2 =	sshll.u32 s10, $0x4  }
0x2f: {  	s30 =	rddreg [dreg:$0x4];
	s29 =	sand.u32 $0x10, s2;
	s0 =	ssub.s32 s0, s1  }
0x30: {  	s1 =	sadd.s32 s30, s29;
	s0 =	sshll.u32 s0, $0x5  }
0x31: {  	s31 =	simm.s32 $0x0;
	s0 =	sadd.s32 s0, s1  }
0x32: {  	[hbm4b:s0+s31] =	stream.linear.scatter [tilespmem:s14], [sflag:$0x2], s13, $0x38;
	[tilespmem:$0x10000] =	vst v63  }
.LBB2_11:
0x33: {  	p1 =	slt.u32 s11, $0x2  }
0x34: {  	p2 =	sgt.s32 @!p1 s12, $0x26D0  }
0x35: {  	s0 =	smov.u32 s12;
	s1 =	sshra.s32 @!p1 s12, $0x1F;
	p2 =	por !p2, p1  }
0x36: {  	s1 =	sand.u32 @!p1 s1, s12;
	s0 =	simm.s32 @p2 $0x26D0  }
0x37: {  	s0 =	ssub.s32 @!p1 s0, s1  }
0x38: {  	s0 =	sadd.s32 @!p1 $0xFFFFD930, s0  }
0x39: {  	s1 =	sshll.u32 @!p1 s0, $0xA  }
0x3a: {  	p2 =	sgt.s32 @!p1 s0, $0x3F;
	s0 =	ssub.s32 @!p1 $0x10000, s1  }
0x3b: {  	s2 =	sadd.s32 $0x400, s9;
	p2 =	por !p2, p1;
	s0 =	sshrl.u32 @!p1 s0, $0x2  }
0x3c: {  	s0 =	simm.s32 @!p2 $0x0;
	p2 =	sgt.s32 s2, $0x270F  }
0x3d: {  	s2 =	smov.u32 @p2 s3;
	p2 =	sne.s32 s11, s7  }
.Ltmp1:
0x3e: {  	_ = 	snop;
	(pc) =	sbr.rel @!p2 .LBB2_12-.Ltmp1, $4  }
0x3f: {  	s1 =	simm.s32 @!p1 $0x2  }
0x40: {  	s12 =	smov.u32 s10;
	_ =	swait.ge @!p1 [sflag:s1], s0  }
0x41: {  	s10 =	smov.u32 s9;
	s0 =	ssub.s32 @!p1 $0x0, s0;
	[sflag:s1] =	ssyncset.done @!p1 $0x0  }
0x42: {  	s11 =	sadd.s32 $0x1, s11;
	s9 =	smov.u32 s2;
	[sflag:s1] =	ssyncadd.s32 @!p1 s0  }
.LBB2_1:
0x43: {  	p1 =	sgt.u32 s11, s6  }
0x44: {  	s13 =	sshll.u32 @!p1 s9, $0x8;
	s14 =	sshll.u32 @!p1 s9, $0x7  }
0x45: {  	s13 =	sand.u32 @!p1 $0xFFFFF800, s13;
	s14 =	sand.u32 @!p1 $0x300, s14  }
0x46: {  	s13 =	sor.u32 @!p1 s14, s13  }
0x47: {  	s15 =	smov.u32 s9;
	p2 =	sgt.s32 @!p1 s9, $0x26D0;
	s13 =	sshrl.u32 @!p1 s13, $0x8  }
0x48: {  	s16 =	sshra.s32 @!p1 s9, $0x1F;
	p2 =	por !p2, p1;
	s14 =	smulhi.u32 @!p1 $0x1A36E3, s13  }
0x49: {  	s16 =	sand.u32 @!p1 s16, s9;
	s15 =	simm.s32 @p2 $0x26D0  }
0x4a: {  	s15 =	ssub.s32 @!p1 s15, s16;
	s16 =	sxor.u32 @!p1 $0xFFFFFFFF, s11;
	s14 =	sshrl.u32 @!p1 s14, $0x2  }
0x4b: {  	s15 =	sadd.s32 @!p1 $0xFFFFD930, s15;
	s16 =	sshll.u32 @!p1 s16, $0xE;
	s14 =	smul.u32 @!p1 $0x2710, s14  }
0x4c: {  	p2 =	sgt.s32 @!p1 s15, $0x3F;
	s16 =	sand.u32 @!p1 $0x4000, s16  }
0x4d: {  	s13 =	ssub.s32 @!p1 s13, s14;
	s14 =	sshll.u32 @!p1 s15, $0xA;
	s15 =	sshll.u32 @!p1 s9, $0x4  }
0x4e: {  	p2 =	por !p2, p1;
	s14 =	ssub.s32 @!p1 $0x10000, s14;
	s15 =	sand.u32 @!p1 $0x10, s15  }
0x4f: {  	s13 =	sshll.u32 @!p1 s13, $0x5;
	s14 =	sshrl.u32 @!p1 s14, $0x2;
	s15 =	sadd.s32 @!p1 s25, s15  }
0x50: {  	s14 =	simm.s32 @!p2 $0x0;
	s13 =	sadd.s32 @!p1 s13, s15;
	s15 =	simm.s32 @!p1 $0x0  }
0x51: {  	[tilespmem:s16], [sflag:$0x1] =	stream.linear.gather @!p1 [hbm4b:s13+s15], s14, $0x38;
	[tilespmem:$0x10000] =	vst v63  }
0x52: {  	p1 =	seq.s32 s11, $0x0  }
0x53: {  	p2 =	sge.u32 @!p1 s11, s7  }
0x54: {  	p1 =	por p1, p2  }
.Ltmp2:
0x55: {  	_ = 	snop;
	(pc) =	sbr.rel @p1 .LBB2_11-.Ltmp2, $1  }
0x56: {  	_ =	sdelay $0x3  }
0x57: {  	p1 =	sgt.s32 s10, $0x26D0;
	s13 =	smov.u32 s10;
	s14 =	sshra.s32 s10, $0x1F  }
0x58: {  	s13 =	simm.s32 @!p1 $0x26D0;
	s14 =	sand.u32 s14, s10  }
0x59: {  	s13 =	ssub.s32 s13, s14  }
0x5a: {  	s13 =	sadd.s32 $0xFFFFD930, s13  }
0x5b: {  	s31 =	sshll.u32 s13, $0xA  }
0x5c: {  	s14 =	ssub.s32 $0x10000, s31  }
0x5d: {  	p1 =	sgt.s32 s13, $0x3F;
	s13 =	sshrl.u32 s14, $0x2;
	s14 =	sadd.s32 $0x40, s10  }
0x5e: {  	s13 =	simm.s32 @p1 $0x0;
	p1 =	slt.s32 s14, $0x2710  }
0x5f: {  	s14 =	simm.s32 @!p1 $0x2710  }
0x60: {  	s15 =	ssub.s32 s14, s10  }
0x61: {  	p1 =	slt.s32 s15, $0x1  }
.Ltmp3:
0x62: {  	_ = 	snop;
	(pc) =	sbr.rel @p1 .LBB2_10-.Ltmp3, $4  }
0x63: {  	s0 =	simm.s32 $0x1  }
0x64: {  	s16 =	sshll.u32 s11, $0xE;
	_ =	swait.ge [sflag:s0], s13  }
0x65: {  	s16 =	sand.u32 $0x4000, s16;
	s17 =	ssub.s32 $0x0, s13;
	[sflag:s0] =	ssyncset.done $0x0  }
0x66: {  	s14 =	sor.u32 $0x8000, s16;
	[sflag:s0] =	ssyncadd.s32 s17  }
0x67: {  	p2 =	sne.s32 s15, $0x1  }
.Ltmp4:
0x68: {  	v1 =	vmov s16;
	v0 =	vmov s14;
	(pc) =	sbr.rel @!p2 .LBB2_4-.Ltmp4, $3  }
0x69: {  	_ =	sdelay $0x1  }
0x6a: {  	s18 =	simm.s32 $0x0;
	s26 =	sadd.s32 $0xFFFFFFFF, s15  }
0x6b: {  	p1 =	por $0x0, $0x0;
	s28 =	sand.u32 $0xFFFFF800, s18;
	s29 =	sand.u32 $0x380, s18  }
0x6c: {  	_ = 	snop  }
0x6d: {  	s15 =	sor.u32 s29, s28  }
0x6e: {  	s16 =	sand.u32 $0x80, s18;
	s17 =	sand.u32 $0x3B00, s15  }
0x6f: {  	s31 =	sand.u32 $0x3B80, s15;
	s16 =	sor.u32 s16, s17  }
0x70: {  	s19 =	sor.u32 $0x410, s31;
	v2 =	vld.idx.msk [tilespmem:v1+s16+$0x0 ss:$0x1], $0xffff  }
0x71: {  	s17 =	sor.u32 $0x400, s16;
	v6 =	vld.idx.msk [tilespmem:v1+s19+$0x0 ss:$0x1], $0xffff  }
0x72: {  	s5 =	sor.u32 $0x10, s16;
	v3 =	vld.idx.msk [tilespmem:v1+s17+$0x0 ss:$0x1], $0xffff  }
0x73: {  	s8 =	sor.u32 $0x20, s16;
	v4 =	vld.idx.msk [tilespmem:v1+s5+$0x0 ss:$0x1], $0xffff  }
0x74: {  	s28 =	sor.u32 $0x30, s16;
	v5 =	vld.idx.msk [tilespmem:v1+s8+$0x0 ss:$0x1], $0xffff  }
0x75: {  	s29 =	sor.u32 $0x40, s16;
	v7 =	vld.idx.msk [tilespmem:v1+s28+$0x0 ss:$0x1], $0xffff  }
0x76: {  	s30 =	sor.u32 $0x50, s16;
	v8 =	vld.idx.msk [tilespmem:v1+s29+$0x0 ss:$0x1], $0xffff;
	[tilespmem:v0+s16+$0x0 ss:$0x1] =	vst.idx.msk $0xffff, v2  }
0x77: {  	s3 =	smov.u32 s6;
	p2 =	sne.s32 s26, $0x1;
	s23 =	sor.u32 $0x60, s16;
	v9 =	vld.idx.msk [tilespmem:v1+s30+$0x0 ss:$0x1], $0xffff;
	[tilespmem:v0+s17+$0x0 ss:$0x1] =	vst.idx.msk $0xffff, v3  }
.Ltmp5:
0x78: {  	s6 =	smov.u32 s25;
	s22 =	sor.u32 $0x70, s16;
	v2 =	vld.idx.msk [tilespmem:v1+s23+$0x0 ss:$0x1], $0xffff;
	[tilespmem:v0+s5+$0x0 ss:$0x1] =	vst.idx.msk $0xffff, v4;
	(pc) =	sbr.rel @!p2 .LBB2_6-.Ltmp5, $4  }
0x79: {  	s25 =	simm.s32 $0x100;
	s18 =	simm.s32 $0x80;
	s24 =	sor.u32 $0x420, s31;
	v3 =	vld.idx.msk [tilespmem:v1+s22+$0x0 ss:$0x1], $0xffff;
	[tilespmem:v0+s8+$0x0 ss:$0x1] =	vst.idx.msk $0xffff, v5  }
0x7a: {  	s26 =	sadd.s32 $0xFFFFFFFF, s26;
	p1 =	por $0x1, $0x1;
	s21 =	sor.u32 $0x430, s31;
	[tilespmem:v0+s28+$0x0 ss:$0x1] =	vst.idx.msk $0xffff, v7;
	v4 =	vld.idx.msk [tilespmem:v1+s24+$0x0 ss:$0x1], $0xffff  }
0x7b: {  	s20 =	sor.u32 $0x440, s31;
	s15 =	sor.u32 $0x450, s31;
	s16 =	sor.u32 $0x460, s31;
	[tilespmem:v0+s29+$0x0 ss:$0x1] =	vst.idx.msk $0xffff, v8;
	v5 =	vld.idx.msk [tilespmem:v1+s21+$0x0 ss:$0x1], $0xffff  }
0x7c: {  	s17 =	sor.u32 $0x470, s31;
	s28 =	sand.u32 $0xFFFFF800, s25;
	s29 =	sand.u32 $0x380, s18;
	[tilespmem:v0+s30+$0x0 ss:$0x1] =	vst.idx.msk $0xffff, v9;
	v7 =	vld.idx.msk [tilespmem:v1+s20+$0x0 ss:$0x1], $0xffff  }
.LBB2_7:
0x7d: {  	p2 =	sne.s32 s26, $0x1;
	s28 =	sor.u32 s29, s28;
	[tilespmem:v0+s23+$0x0 ss:$0x1] =	vst.idx.msk $0xffff, v2;
	v2 =	vld.idx.msk [tilespmem:v1+s15+$0x0 ss:$0x1], $0xffff  }
0x7e: {  	s23 =	sand.u32 $0x80, s18;
	s29 =	sand.u32 $0x3B00, s28;
	s28 =	sand.u32 $0x3B80, s28;
	[tilespmem:v0+s22+$0x0 ss:$0x1] =	vst.idx.msk $0xffff, v3;
	v3 =	vld.idx.msk [tilespmem:v1+s16+$0x0 ss:$0x1], $0xffff  }
0x7f: {  	s29 =	sor.u32 s23, s29;
	s30 =	sor.u32 $0x420, s28;
	[tilespmem:v0+s19+$0x0 ss:$0x1] =	vst.idx.msk $0xffff, v6;
	s19 =	sor.u32 $0x410, s28;
	v6 =	vld.idx.msk [tilespmem:v1+s17+$0x0 ss:$0x1], $0xffff  }
0x80: {  	v8 =	vld.idx.msk [tilespmem:v1+s29+$0x0 ss:$0x1], $0xffff;
	s31 =	sor.u32 $0x10, s29;
	s0 =	sor.u32 $0x20, s29;
	s1 =	sor.u32 $0x400, s29;
	[tilespmem:v0+s24+$0x0 ss:$0x1] =	vst.idx.msk $0xffff, v4  }
0x81: {  	s8 =	sor.u32 $0x30, s29;
	s4 =	sor.u32 $0x40, s29;
	s2 =	sor.u32 $0x50, s29;
	v4 =	vld.idx.msk [tilespmem:v1+s1+$0x0 ss:$0x1], $0xffff;
	[tilespmem:v0+s21+$0x0 ss:$0x1] =	vst.idx.msk $0xffff, v5  }
0x82: {  	s23 =	sor.u32 $0x60, s29;
	s22 =	sor.u32 $0x70, s29;
	s21 =	sor.u32 $0x430, s28;
	v5 =	vld.idx.msk [tilespmem:v1+s31+$0x0 ss:$0x1], $0xffff;
	[tilespmem:v0+s20+$0x0 ss:$0x1] =	vst.idx.msk $0xffff, v7  }
0x83: {  	s5 =	sor.u32 $0x460, s28;
	s20 =	sor.u32 $0x440, s28;
	v7 =	vld.idx.msk [tilespmem:v1+s0+$0x0 ss:$0x1], $0xffff;
	[tilespmem:v0+s15+$0x0 ss:$0x1] =	vst.idx.msk $0xffff, v2;
	s15 =	sor.u32 $0x450, s28  }
0x84: {  	s24 =	smov.u32 s30;
	s28 =	sor.u32 $0x470, s28;
	v9 =	vld.idx.msk [tilespmem:v1+s8+$0x0 ss:$0x1], $0xffff;
	[tilespmem:v0+s16+$0x0 ss:$0x1] =	vst.idx.msk $0xffff, v3;
	s16 =	smov.u32 s5  }
0x85: {  	v10 =	vld.idx.msk [tilespmem:v1+s4+$0x0 ss:$0x1], $0xffff;
	[tilespmem:v0+s17+$0x0 ss:$0x1] =	vst.idx.msk $0xffff, v6;
	s17 =	smov.u32 s28  }
0x86: {  	[tilespmem:v0+s29+$0x0 ss:$0x1] =	vst.idx.msk $0xffff, v8;
	v8 =	vld.idx.msk [tilespmem:v1+s2+$0x0 ss:$0x1], $0xffff  }
0x87: {  	v2 =	vld.idx.msk [tilespmem:v1+s23+$0x0 ss:$0x1], $0xffff;
	[tilespmem:v0+s1+$0x0 ss:$0x1] =	vst.idx.msk $0xffff, v4  }
.Ltmp6:
0x88: {  	[tilespmem:v0+s31+$0x0 ss:$0x1] =	vst.idx.msk $0xffff, v5;
	v3 =	vld.idx.msk [tilespmem:v1+s22+$0x0 ss:$0x1], $0xffff;
	(pc) =	sbr.rel @p2 .LBB2_7-.Ltmp6, $4  }
0x89: {  	[tilespmem:v0+s0+$0x0 ss:$0x1] =	vst.idx.msk $0xffff, v7;
	v6 =	vld.idx.msk [tilespmem:v1+s19+$0x0 ss:$0x1], $0xffff  }
0x8a: {  	[tilespmem:v0+s8+$0x0 ss:$0x1] =	vst.idx.msk $0xffff, v9;
	v4 =	vld.idx.msk [tilespmem:v1+s24+$0x0 ss:$0x1], $0xffff  }
0x8b: {  	s18 =	sadd.s32 $0x80, s18;
	s25 =	sadd.s32 $0x100, s25;
	[tilespmem:v0+s4+$0x0 ss:$0x1] =	vst.idx.msk $0xffff, v10;
	v5 =	vld.idx.msk [tilespmem:v1+s21+$0x0 ss:$0x1], $0xffff  }
0x8c: {  	s26 =	sadd.s32 $0xFFFFFFFF, s26;
	s28 =	sand.u32 $0xFFFFF800, s25;
	s29 =	sand.u32 $0x380, s18;
	[tilespmem:v0+s2+$0x0 ss:$0x1] =	vst.idx.msk $0xffff, v8;
	v7 =	vld.idx.msk [tilespmem:v1+s20+$0x0 ss:$0x1], $0xffff  }
.Ltmp7:
0x8d: {  	(pc) =	sbr.rel .LBB2_9-.Ltmp7, $2  }
0x8e: {  	_ =	sdelay $0x2  }
0x8f: {  	s25 =	smov.u32 s6;
	s6 =	smov.u32 s3;
	s3 =	rddreg [dreg:$0x5]  }
.LBB2_6:
.Ltmp8:
0x90: {  	(pc) =	sbr.rel .LBB2_9-.Ltmp8, $2  }
0x91: {  	_ =	sdelay $0x2  }
0x92: {  	s25 =	smov.u32 s6;
	s6 =	smov.u32 s3;
	s3 =	rddreg [dreg:$0x5]  }
.LBB2_12:
0x93: {  	_ =	sfence.sel $0x180000  }
0x94: {  	s0 =	simm.s32 $0x1;
	[bflag:$0x0] =	sbarrier.arrive $0xFFFF  }
0x95: {  	s31 =	simm.s32 $0x2;
	[sflag:s0] =	ssyncpa.u1 $0x1  }
0x96: {  	[sflag:s31] =	ssyncpa.u1 $0x1  }
0x97: {  	_ =	strace $0x9000004A  }
0x98: {  	[bflag:$0x2] =	sbarrier.arrive $0xFFFF  }
0x99: {  	s0 =	rddreg [dreg:$0x2]  }
0x9a: {  	s0 =	sadd.s32 @!p0 $0x100000, s0  }
0x9b: {  	s1 =	rddreg [dreg:$0x3];
	[sflag:s0] =	ssyncadd.tile.s32 @!p0 $0x1;
	s0 =	simm.s32 @!p0 $0x3F  }
0x9c: {  	_ =	swait.ge @!p0 [sflag:s0], s1  }
0x9d: {  	s1 =	ssub.s32 @!p0 $0x0, s1;
	[sflag:s0] =	ssyncset.done @!p0 $0x0  }
0x9e: {  	[sflag:s0] =	ssyncadd.s32 @!p0 s1  }
0x9f: {  	[bflag:$0x3] =	sbarrier.arrive $0xFFFF  }
0xa0: {  	_ =	shalt  }
.Lfunc_end2:
execute1_lowered:
.L_overlay_start_2:
0xa1: {  	(tag) =	ssettag $0x2  }
0xa2: {  	s0 =	rddreg [dreg:$0x0];
	_ =	strace $0x8000004D;
	s1 =	simm.s32 $0x1  }
0xa3: {  	s8 =	simm.s32 $0x208;
	v0 =	vimm.s32 $0x0;
	[sflag:s1] =	ssyncpa.u1 $0x0  }
0xa4: {  	[tilespmem:s8+$0x70] =	vst v0  }
0xa5: {  	[tilespmem:s8+$0x60] =	vst v0  }
0xa6: {  	[tilespmem:s8+$0x50] =	vst v0  }
0xa7: {  	[tilespmem:s8+$0x40] =	vst v0  }
0xa8: {  	[tilespmem:s8+$0x30] =	vst v0  }
0xa9: {  	s1 =	sadd.s32 $0xAE5600, s0;
	s10 =	sadd.s32 $0x1800, s0;
	[tilespmem:s8+$0x20] =	vst v0  }
0xaa: {  	s4 =	sadd.s32 $0x85200, s0;
	s5 =	sadd.s32 $0x20C00, s0;
	s0 =	simm.s32 $0x40;
	[tilespmem:s8+$0x10] =	vst v0  }
.LBB3_1:
0xab: {  	s0 =	sadd.s32 $0x40, s0;
	[tilespmem:s8+$0x0] =	vst v0;
	s8 =	sadd.s32 $0x80, s8  }
0xac: {  	p0 =	slt.u32 s0, $0x3880;
	[tilespmem:s8+$0x70] =	vst v0  }
0xad: {  	[tilespmem:s8+$0x60] =	vst v0  }
.Ltmp9:
0xae: {  	[tilespmem:s8+$0x50] =	vst v0;
	(pc) =	sbr.rel @p0 .LBB3_1-.Ltmp9, $4  }
0xaf: {  	[tilespmem:s8+$0x40] =	vst v0  }
0xb0: {  	[tilespmem:s8+$0x30] =	vst v0  }
0xb1: {  	[tilespmem:s8+$0x20] =	vst v0  }
0xb2: {  	[tilespmem:s8+$0x10] =	vst v0  }
0xb3: {  	s3 =	stileid.u32  }
0xb4: {  	s0 =	smul.u32 $0xB8, s3  }
0xb5: {  	s2 =	smin.u32 s3, $0x3  }
0xb6: {  	s0 =	sor.u32 s2, s0  }
0xb7: {  	p0 =	slt.u32 s3, $0x3;
	s6 =	smul.u32 $0x70, s0;
	s0 =	simm.s32 $0x50F0  }
0xb8: {  	s0 =	simm.s32 @!p0 $0x5080  }
0xb9: {  	s0 =	sadd.s32 s0, s6  }
0xba: {  	s7 =	smin.u32 s0, $0x50910  }
0xbb: {  	s0 =	ssub.s32 s7, s6  }
0xbc: {  	p0 =	sgt.s32 s0, $0x0  }
0xbd: {  	s26 =	simm.s32 $0x2;
	s0 =	simm.s32 @!p0 $0x0  }
0xbe: {  	s29 =	simm.s32 $0x7;
	s30 =	simm.s32 $0x8;
	s28 =	smulhi.u32 $0x92492493, s0  }
0xbf: {  	s31 =	simm.s32 $0x9;
	s11 =	simm.s32 $0x1;
	s21 =	simm.s32 $0x0  }
0xc0: {  	p1 =	por $0x0, $0x0;
	s15 =	simm.s32 $0x80;
	s2 =	sshrl.u32 s28, $0x6  }
0xc1: {  	s16 =	simm.s32 $0x400;
	s17 =	simm.s32 $0xA;
	s9 =	smul.u32 $0x70, s2  }
.Ltmp10:
0xc2: {  	[tilespmem:s8+$0x0] =	vst v0;
	v0 =	vimm.s32 $0xFFFFFFFF;
	s18 =	simm.s32 $0x0;
	[sflag:s26] =	ssyncpa.u1 $0x0;
	(pc) =	sbr.rel .LBB3_3-.Ltmp10, $4  }
0xc3: {  	[tilespmem:$0xE408] =	vst v0;
	[sflag:s29] =	ssyncpa.u1 $0x0;
	p0 =	sne.s32 s0, s9;
	s0 =	simm.s32 $0x1  }
0xc4: {  	s20 =	simm.s32 $0x0;
	[sflag:s30] =	ssyncpa.u1 $0x0;
	s0 =	simm.s32 @!p0 $0x0  }
0xc5: {  	s13 =	sshll.u32 s3, $0x9;
	[sflag:s31] =	ssyncpa.u1 $0x0;
	s12 =	sadd.s32 s0, s2  }
0xc6: {  	v0 =	vlaneseq.u32;
	s19 =	smov.u32 s6;
	p0 =	por $0x1, $0x1;
	s14 =	sadd.s32 $0x1, s12  }
.LBB3_24:
0xc7: {  	s0 =	sshrl.u32 s30, $0x2  }
.LBB3_26:
0xc8: {  	_ =	swait.ge [sflag:s17], s0  }
0xc9: {  	s31 =	ssub.s32 $0x0, s0;
	v1 =	vmov s23;
	vm0 =	veq.s32 v0, $0x0;
	[sflag:s17] =	ssyncset.done $0x0  }
0xca: {  	vm15 =	veq.s32 v0, $0x2;
	v1 =	vsel vm0, s29, v1;
	[sflag:s17] =	ssyncadd.s32 s31  }
0xcb: {  	v1 =	vsel vm15, s21, v1;
	[sflag:s17] =	ssyncpa.u1 $0x1  }
0xcc: {  	[tilespmem:$0xE408] =	vst v1  }
.LBB3_27:
0xcd: {  	s0 =	sadd.s32 $0x70, s19  }
0xce: {  	s2 =	smov.u32 s6;
	p2 =	slt.s32 s0, s7  }
0xcf: {  	s2 =	smov.u32 @p2 s0;
	p2 =	sne.s32 s20, s14  }
.Ltmp11:
0xd0: {  	_ = 	snop;
	(pc) =	sbr.rel @!p2 .LBB3_28-.Ltmp11, $4  }
0xd1: {  	_ = 	snop  }
0xd2: {  	s21 =	smov.u32 s18  }
0xd3: {  	s31 =	sadd.s32 $0x1, s20;
	s18 =	smov.u32 s19;
	p0 =	por !p0, !p0  }
0xd4: {  	p1 =	por !p1, !p1;
	s20 =	smov.u32 s31;
	s19 =	smov.u32 s2  }
.LBB3_3:
0xd5: {  	p2 =	sge.u32 s20, s12  }
0xd6: {  	s0 =	smulhi.u32 @!p2 $0xAAAAAAAB, s20  }
0xd7: {  	s2 =	smov.u32 s19;
	p3 =	sgt.s32 @!p2 s19, $0x508A0  }
0xd8: {  	s8 =	sshra.s32 @!p2 s19, $0x1F;
	p3 =	por !p3, p2;
	s0 =	sshrl.u32 @!p2 s0, $0x1  }
0xd9: {  	s8 =	sand.u32 @!p2 s8, s19;
	s2 =	simm.s32 @p3 $0x508A0;
	s0 =	smul.u32 @!p2 $0x3, s0  }
0xda: {  	s2 =	ssub.s32 @!p2 s2, s8  }
0xdb: {  	s2 =	sadd.s32 @!p2 $0xFFFAF760, s2;
	s0 =	ssub.s32 @!p2 s20, s0  }
0xdc: {  	s8 =	sshll.u32 @!p2 s2, $0x2;
	p3 =	sgt.s32 @!p2 s2, $0x6F;
	s0 =	smul.u32 @!p2 $0x1C0, s0  }
0xdd: {  	s9 =	sand.u32 @!p2 $0x7, s19;
	s2 =	ssub.s32 @!p2 $0x1C0, s8;
	p3 =	por !p3, p2  }
0xde: {  	s8 =	sshrl.u32 @!p2 s19, $0x3;
	s2 =	sshrl.u32 @!p2 s2, $0x2;
	s0 =	sshrl.u32 @!p2 s0, $0x2  }
0xdf: {  	s8 =	sadd.s32 @!p2 s5, s8;
	s2 =	simm.s32 @!p3 $0x0;
	s0 =	sadd.s32 @!p2 $0x10438, s0  }
0xe0: {  	[tilespmem:s0], [sflag:$0x8] =	stream.linear.gather @!p2 [hbm4b:s8+s9], s2, $0x38;
	[tilespmem:$0x1E668] =	vst v63  }
0xe1: {  	s0 =	sadd.s32 $0xFFFFFFFF, s20  }
0xe2: {  	p2 =	sge.u32 s0, s12  }
0xe3: {  	p3 =	sgt.s32 @!p2 s18, $0x508A0  }
0xe4: {  	s2 =	smov.u32 s18;
	s8 =	sshra.s32 @!p2 s18, $0x1F;
	p3 =	por !p3, p2  }
0xe5: {  	s8 =	sand.u32 @!p2 s8, s18;
	s2 =	simm.s32 @p3 $0x508A0  }
0xe6: {  	s2 =	ssub.s32 @!p2 s2, s8  }
0xe7: {  	s2 =	sadd.s32 @!p2 $0xFFFAF760, s2  }
0xe8: {  	s8 =	sshll.u32 @!p2 s2, $0x2  }
0xe9: {  	p3 =	sgt.s32 @!p2 s2, $0x6F;
	s2 =	ssub.s32 @!p2 $0x1C0, s8  }
0xea: {  	p3 =	por !p3, p2;
	s2 =	sshrl.u32 @!p2 s2, $0x2  }
0xeb: {  	s9 =	simm.s32 @!p2 $0x8;
	s8 =	sand.u32 @!p2 $0x1, s0;
	s2 =	simm.s32 @!p3 $0x0  }
0xec: {  	s8 =	smul.u32 @!p2 $0x1C0, s8;
	_ =	swait.ge @!p2 [sflag:s9], s2  }
0xed: {  	s22 =	ssub.s32 @!p2 $0x0, s2;
	[sflag:s9] =	ssyncset.done @!p2 $0x0  }
0xee: {  	s8 =	sshrl.u32 @!p2 s8, $0x2;
	[sflag:s9] =	ssyncadd.s32 @!p2 s22;
	s9 =	sshrl.u32 @!p2 s18, $0x3  }
0xef: {  	s8 =	sor.u32 @!p2 $0x10588, s8;
	s22 =	sand.u32 @!p2 $0x7, s18;
	s9 =	sadd.s32 @!p2 s10, s9  }
0xf0: {  	[tilespmem:s8], [sflag:$0x9] =	stream.linear.gather @!p2 [hbm4b:s9+s22], s2, $0x38;
	[tilespmem:$0x1E668] =	vst v63  }
0xf1: {  	s22 =	ssub.s32 @!p2 $0x50910, s18  }
0xf2: {  	p3 =	slt.s32 @!p2 s22, $0x1  }
0xf3: {  	p3 =	por p2, p3  }
.Ltmp12:
0xf4: {  	_ = 	snop;
	(pc) =	sbr.rel @p3 .LBB3_9-.Ltmp12, $1  }
0xf5: {  	_ =	sdelay $0x3  }
0xf6: {  	s2 =	smulhi.u32 $0xAAAAAAAB, s0;
	_ =	sdelay $0x1  }
0xf7: {  	s2 =	sshrl.u32 s2, $0x1  }
0xf8: {  	s2 =	smul.u32 $0x3, s2;
	_ =	sdelay $0x1  }
0xf9: {  	s29 =	ssub.s32 s0, s2  }
0xfa: {  	s8 =	simm.s32 $0x1;
	s0 =	smul.u32 $0x1C0, s29  }
.Ltmp13:
0xfb: {  	s8 =	simm.s32 @!p0 $0x0;
	(pc) =	sbr.rel .LBB3_6-.Ltmp13, $4  }
0xfc: {  	s30 =	smul.u32 $0x1C000, s8  }
0xfd: {  	p3 =	slt.s32 @!p2 s22, $0x70;
	s0 =	sshrl.u32 s0, $0x2  }
0xfe: {  	p2 =	por !p3, p2;
	s2 =	sshrl.u32 s30, $0x2;
	s31 =	sadd.s32 $0x10438, s0  }
0xff: {  	s22 =	simm.s32 @p2 $0x70;
	s23 =	sor.u32 $0x10668, s2;
	s0 =	simm.s32 $0x0;
	v1 =	vmov s31  }
.LBB3_5:
0x100: {  	p2 =	sge.s32 s0, s22  }
.Ltmp14:
0x101: {  	_ = 	snop;
	(pc) =	sbr.rel @p2 .LBB3_9-.Ltmp14, $2  }
0x102: {  	_ =	sdelay $0x2  }
0x103: {  	s23 =	sadd.s32 $0x1000, s23  }
.LBB3_6:
0x104: {  	p2 =	sle.s32 s22, s0  }
.Ltmp15:
0x105: {  	_ = 	snop;
	(pc) =	sbr.rel @p2 .LBB3_5-.Ltmp15, $2  }
0x106: {  	_ =	sdelay $0x2  }
0x107: {  	s24 =	smov.u32 s0;
	s0 =	sadd.s32 $0x10, s0  }
0x108: {  	s2 =	ssub.s32 s22, s24  }
0x109: {  	p2 =	slt.s32 s2, $0x10  }
0x10a: {  	s2 =	simm.s32 @!p2 $0x10  }
0x10b: {  	v2 =	vmov s2  }
0x10c: {  	vm0 =	vgt.s32 v2, v0;
	_ =	sdelay $0x5  }
0x10d: {  	v2 =	vld.idx.msk [tilespmem:v1+s24+$0x0 ss:$0x1], vm0;
	_ =	sdelay $0x2  }
0x10e: {  	p2 =	slt.s32 s0, s22;
	s2 =	smov.u32 s22  }
0x10f: {  	s8 =	smov.u32 s23;
	s25 =	simm.s32 $0x0;
	s2 =	smov.u32 @p2 s0  }
.LBB3_8:
0x110: {  	(v2sf) =	vpush v2, s25;
	_ =	sdelay $0xe  }
0x111: {  	s25 =	sadd.s32 $0x1, s25;
	s9 =	spop (v2sf)  }
0x112: {  	s31 =	sadd.s32 s25, s24;
	s26 =	sshll.u32 s9, $0x8;
	s9 =	sshll.u32 s9, $0x7  }
0x113: {  	p2 =	slt.s32 s31, s2;
	s26 =	sand.u32 $0xFFFFF800, s26;
	s9 =	sand.u32 $0x380, s9  }
.Ltmp16:
0x114: {  	s9 =	sor.u32 s9, s26;
	(pc) =	sbr.rel @p2 .LBB3_8-.Ltmp16, $4  }
0x115: {  	s9 =	sshrl.u32 s9, $0x3  }
0x116: {  	s9 =	sadd.s32 s4, s9  }
0x117: {  	[tilespmem:s8], [sflag:$0x7] =	stream.strided.gather [hbm4b:s9+s15], $0x100, s16, s15, $0x38;
	[tilespmem:$0x1E668] =	vst v63  }
0x118: {  	s8 =	sadd.s32 $0x100, s8  }
.Ltmp17:
0x119: {  	_ = 	snop;
	(pc) =	sbr.rel .LBB3_5-.Ltmp17, $1  }
0x11a: {  	_ =	sdelay $0x3  }
.LBB3_9:
0x11b: {  	p2 =	slt.u32 s20, $0x2  }
.Ltmp18:
0x11c: {  	_ = 	snop;
	(pc) =	sbr.rel @p2 .LBB3_27-.Ltmp18, $1  }
0x11d: {  	_ =	sdelay $0x3  }
0x11e: {  	p2 =	sgt.s32 s21, $0x508A0;
	s0 =	smov.u32 s21  }
0x11f: {  	s2 =	sshra.s32 s21, $0x1F;
	s8 =	ssub.s32 $0x50910, s21;
	s0 =	simm.s32 @!p2 $0x508A0  }
0x120: {  	s2 =	sand.u32 s2, s21;
	p2 =	slt.s32 s8, $0x70;
	s9 =	smov.u32 s8  }
0x121: {  	s0 =	ssub.s32 s0, s2;
	s9 =	simm.s32 @!p2 $0x70  }
0x122: {  	s0 =	sadd.s32 $0xFFFAF760, s0;
	s25 =	sshll.u32 s9, $0x8  }
0x123: {  	s3 =	simm.s32 $0x7;
	s26 =	sshll.u32 s0, $0x2;
	s2 =	sand.u32 $0x3FFFFF00, s25  }
0x124: {  	p2 =	sgt.s32 s0, $0x6F;
	s28 =	ssub.s32 $0x1C0, s26;
	_ =	swait.ge [sflag:s3], s2  }
0x125: {  	s2 =	ssub.s32 $0x0, s2;
	[sflag:s3] =	ssyncset.done $0x0;
	s0 =	sshrl.u32 s28, $0x2  }
0x126: {  	s30 =	simm.s32 $0x9;
	[sflag:s3] =	ssyncadd.s32 s2;
	s0 =	simm.s32 @p2 $0x0  }
0x127: {  	_ =	swait.ge [sflag:s30], s0  }
0x128: {  	s0 =	ssub.s32 $0x0, s0;
	[sflag:s30] =	ssyncset.done $0x0  }
0x129: {  	[sflag:s30] =	ssyncadd.s32 s0  }
0x12a: {  	v1 =	vld [tilespmem:$0xE408];
	_ =	sdelay $0x4  }
0x12b: {  	(v2sf) =	vpush v1, $0x0  }
0x12c: {  	(v2sf) =	vpush v1, $0x1  }
0x12d: {  	(v2sf) =	vpush v1, $0x2;
	_ =	sdelay $0x3  }
0x12e: {  	s0 =	sadd.s32 $0x70, s21  }
0x12f: {  	p2 =	slt.s32 s7, s0  }
0x130: {  	s0 =	smov.u32 @p2 s7;
	p2 =	sgt.s32 s8, $0x0  }
0x131: {  	s25 =	ssub.s32 s0, s21;
	s8 =	simm.s32 @!p2 $0x0  }
0x132: {  	p2 =	slt.s32 s8, s25  }
0x133: {  	s25 =	smov.u32 @p2 s8  }
0x134: {  	s24 =	simm.s32 $0x1;
	p2 =	slt.s32 s25, $0x1  }
.Ltmp19:
0x135: {  	s24 =	simm.s32 @!p1 $0x0;
	(pc) =	sbr.rel @p2 .LBB3_14-.Ltmp19, $4  }
0x136: {  	s31 =	smul.u32 $0x1C0, s24  }
0x137: {  	s26 =	spop (v2sf)  }
0x138: {  	s0 =	sshrl.u32 s31, $0x2;
	s29 =	spop (v2sf)  }
0x139: {  	s22 =	sor.u32 $0x10588, s0;
	s21 =	spop (v2sf)  }
0x13a: {  	s0 =	smin.u32 s25, $0x10  }
0x13b: {  	v1 =	vmov s0  }
0x13c: {  	vm1 =	vgt.u32 v1, v0  }
0x13d: {  	p3 =	sgt.s32 s25, $0x10  }
.Ltmp20:
0x13e: {  	_ = 	snop;
	(pc) =	sbr.rel @!p3 .LBB3_13-.Ltmp20, $2  }
0x13f: {  	_ =	sdelay $0x2  }
0x140: {  	s23 =	simm.s32 $0x10;
	s28 =	sadd.s32 $0xFFFFFFF0, s25;
	s0 =	smov.u32 s22;
	vm0 =	vmmov vm1;
	v1 =	vld.msk [tilespmem:s22+$0x0 ss:$0x1], vm1  }
.LBB3_12:
0x141: {  	s2 =	smin.u32 s28, $0x10;
	s23 =	sadd.s32 $0x10, s23  }
0x142: {  	v2 =	vmov s2;
	p3 =	slt.s32 s23, s25  }
0x143: {  	vm1 =	vgt.u32 v2, v0;
	_ =	sdelay $0x1  }
0x144: {  	v2 =	vshll.u32 v1, $0x5;
	v1 =	vshll.u32 v1, $0x4  }
.Ltmp21:
0x145: {  	v2 =	vand.u32 $0xFFFFFF00, v2;
	v1 =	vand.u32 $0x70, v1;
	(pc) =	sbr.rel @p3 .LBB3_12-.Ltmp21, $4  }
0x146: {  	v1 =	vor.u32 v1, v2  }
0x147: {  	[tilespmem:s0+$0x0] =	vst.msk vm0, v1;
	s0 =	sadd.s32 $0x10, s0;
	vm0 =	vmmov vm1  }
0x148: {  	v1 =	vld.msk [tilespmem:s0+$0x0 ss:$0x1], vm1  }
0x149: {  	s28 =	sadd.s32 $0xFFFFFFF0, s28  }
.LBB3_13:
0x14a: {  	_ =	sdelay $0x3  }
0x14b: {  	v2 =	vshll.u32 v1, $0x5;
	v1 =	vshll.u32 v1, $0x4  }
0x14c: {  	v2 =	vand.u32 $0xFFFFFF00, v2;
	v1 =	vand.u32 $0x70, v1  }
0x14d: {  	v1 =	vor.u32 v1, v2  }
0x14e: {  	[tilespmem:s0+$0x0] =	vst.msk vm0, v1  }
.LBB3_14:
0x14f: {  	s0 =	sand.u32 $0x1, s20  }
0x150: {  	s0 =	smul.u32 $0x70, s0  }
0x151: {  	p3 =	sne.s32 s29, $0xFFFFFFFF  }
0x152: {  	v1 =	vld.msk @!p3 [tilespmem:s0+$0x10588], $0x1;
	_ =	sdelay $0x4  }
0x153: {  	(v2sf) =	vpush @!p3 v1, $0x0;
	_ =	sdelay $0xc  }
.Ltmp22:
0x154: {  	_ = 	snop;
	(pc) =	sbr.rel @p2 .LBB3_25-.Ltmp22, $4  }
0x155: {  	_ = 	snop  }
0x156: {  	s28 =	spop @!p3 (v2sf)  }
0x157: {  	s21 =	simm.s32 @!p3 $0x0;
	s23 =	smov.u32 s28  }
0x158: {  	[sflag:s17] =	ssyncpa.u1 $0x0;
	s28 =	smov.u32 @p3 s26;
	s23 =	smov.u32 @p3 s29  }
0x159: {  	v1 =	vld.msk [tilespmem:s22+$0x0], $0x1;
	_ =	sdelay $0x4  }
0x15a: {  	(v2sf) =	vpush v1, $0x0;
	_ =	sdelay $0xd  }
0x15b: {  	s17 =	smov.u32 s6  }
0x15c: {  	s6 =	smov.u32 s14;
	s14 =	smov.u32 s5;
	s30 =	spop (v2sf)  }
0x15d: {  	s5 =	smov.u32 s10;
	s0 =	smul.u32 $0x1C000, s24;
	p2 =	seq.s32 s28, s30  }
0x15e: {  	s2 =	smov.u32 s28;
	s25 =	ssub.s32 $0x0, s25;
	p3 =	sgt.s32 @!p2 s28, $0x0  }
0x15f: {  	s26 =	simm.s32 $0x0;
	s0 =	sshrl.u32 s0, $0x2;
	p3 =	por !p3, p2  }
0x160: {  	s29 =	sadd.s32 $0x1, s25;
	s24 =	sor.u32 $0x106E8, s0;
	s2 =	simm.s32 @p3 $0x0  }
0x161: {  	s0 =	simm.s32 @!p2 $0x1;
	p3 =	seq.s32 s29, $0x0;
	s2 =	smin.u32 @!p2 s2, $0x4E170  }
.Ltmp23:
0x162: {  	s9 =	simm.s32 @!p2 $0x7308;
	s8 =	sand.u32 @!p2 $0x7FFF8, s2;
	(pc) =	sbr.rel @p3 .LBB3_17-.Ltmp23, $4  }
0x163: {  	s31 =	sadd.s32 @!p2 $0x80, s2;
	s10 =	sadd.s32 @!p2 s1, s8;
	s8 =	sand.u32 @!p2 $0x7, s2  }
0x164: {  	[tilespmem:s9], [sflag:$0x2] =	stream.linear.gather @!p2 [hbm4b:s10+s8], $0x80, $0x38;
	[tilespmem:$0x1E668] =	vst v63  }
0x165: {  	s0 =	smov.u32 @p2 s26;
	s9 =	sand.u32 @!p2 $0xFFFF8, s31  }
0x166: {  	s2 =	simm.s32 @!p2 $0x7388;
	s31 =	sadd.s32 $0x1, s22;
	s9 =	sadd.s32 @!p2 s1, s9  }
.LBB3_16:
0x167: {  	s10 =	smov.u32 s0  }
0x168: {  	[tilespmem:s2], [sflag:$0x2] =	stream.linear.gather @!p2 [hbm4b:s9+s8], $0x80, $0x38;
	[tilespmem:$0x1E668] =	vst v63  }
0x169: {  	s29 =	sadd.s32 $0x1, s29;
	s8 =	smov.u32 s30;
	v1 =	vld.msk [tilespmem:s31+$0x0], $0x1  }
0x16a: {  	p3 =	seq.s32 s29, $0x0;
	_ =	sdelay $0x3  }
0x16b: {  	(v2sf) =	vpush v1, $0x0;
	_ =	sdelay $0xe  }
0x16c: {  	s30 =	spop (v2sf)  }
0x16d: {  	p2 =	seq.s32 s8, s30  }
0x16e: {  	p4 =	sgt.s32 @!p2 s8, $0x0;
	s2 =	sshll.u32 @!p2 s0, $0xA;
	s0 =	sadd.s32 @!p2 $0x1, s0  }
0x16f: {  	p4 =	por !p4, p2;
	s2 =	sshra.s32 @!p2 s2, $0x2;
	s0 =	smov.u32 @p2 s10  }
0x170: {  	s8 =	simm.s32 @p4 $0x0;
	s9 =	sadd.s32 @!p2 $0x7308, s2;
	s2 =	sadd.s32 @!p2 $0x7388, s2  }
.Ltmp24:
0x171: {  	s8 =	smin.u32 @!p2 s8, $0x4E170;
	(pc) =	sbr.rel @!p3 .LBB3_16-.Ltmp24, $4  }
0x172: {  	s10 =	sand.u32 @!p2 $0x7FFF8, s8;
	s3 =	sadd.s32 @!p2 $0x80, s8  }
0x173: {  	s8 =	sand.u32 @!p2 $0x7, s8;
	s10 =	sadd.s32 @!p2 s1, s10;
	s3 =	sand.u32 @!p2 $0xFFFF8, s3  }
0x174: {  	[tilespmem:s9], [sflag:$0x2] =	stream.linear.gather @!p2 [hbm4b:s10+s8], $0x80, $0x38;
	[tilespmem:$0x1E668] =	vst v63  }
0x175: {  	s31 =	sadd.s32 $0x1, s31;
	s9 =	sadd.s32 @!p2 s1, s3  }
.LBB3_17:
0x176: {  	[tilespmem:s2], [sflag:$0x2] =	stream.linear.gather @!p2 [hbm4b:s9+s8], $0x80, $0x38;
	[tilespmem:$0x1E668] =	vst v63  }
.Ltmp25:
0x177: {  	s0 =	sshll.u32 s0, $0x8;
	(pc) =	sbr.rel .LBB3_18-.Ltmp25, $4  }
0x178: {  	s31 =	simm.s32 $0x2;
	s30 =	simm.s32 $0x0;
	s0 =	sand.u32 $0x3FFFFF00, s0  }
0x179: {  	s10 =	smov.u32 s5;
	s5 =	smov.u32 s14;
	_ =	swait.ge [sflag:s31], s0  }
0x17a: {  	s14 =	smov.u32 s6;
	s0 =	ssub.s32 $0x0, s0;
	[sflag:s31] =	ssyncset.done $0x0  }
0x17b: {  	s6 =	smov.u32 s17;
	s17 =	simm.s32 $0xA;
	[sflag:s31] =	ssyncadd.s32 s0  }
.LBB3_19:
0x17c: {  	v1 =	vld [tilespmem:s24+$0xFFFFFF80];
	_ =	sdelay $0x4  }
0x17d: {  	[tilespmem:s31+$0x208] =	vst.add.f32.msk $0xffff, v1  }
0x17e: {  	v1 =	vld [tilespmem:s24+$0xFFFFFF90];
	_ =	sdelay $0x4  }
0x17f: {  	[tilespmem:s31+$0x218] =	vst.add.f32.msk $0xffff, v1  }
0x180: {  	v1 =	vld [tilespmem:s24+$0xFFFFFFA0];
	_ =	sdelay $0x4  }
0x181: {  	[tilespmem:s31+$0x228] =	vst.add.f32.msk $0xffff, v1  }
0x182: {  	v1 =	vld [tilespmem:s24+$0xFFFFFFB0];
	_ =	sdelay $0x4  }
0x183: {  	[tilespmem:s31+$0x238] =	vst.add.f32.msk $0xffff, v1  }
0x184: {  	v1 =	vld [tilespmem:s24+$0xFFFFFFC0];
	_ =	sdelay $0x4  }
0x185: {  	[tilespmem:s31+$0x248] =	vst.add.f32.msk $0xffff, v1  }
0x186: {  	v1 =	vld [tilespmem:s24+$0xFFFFFFD0];
	_ =	sdelay $0x4  }
0x187: {  	[tilespmem:s31+$0x258] =	vst.add.f32.msk $0xffff, v1  }
0x188: {  	v1 =	vld [tilespmem:s24+$0xFFFFFFE0];
	_ =	sdelay $0x4  }
0x189: {  	[tilespmem:s31+$0x268] =	vst.add.f32.msk $0xffff, v1  }
0x18a: {  	v1 =	vld [tilespmem:s24+$0xFFFFFFF0];
	_ =	sdelay $0x4  }
0x18b: {  	[tilespmem:s31+$0x278] =	vst.add.f32.msk $0xffff, v1  }
0x18c: {  	v1 =	vld [tilespmem:s24+$0x0];
	_ =	sdelay $0x4  }
0x18d: {  	[tilespmem:s31+$0x288] =	vst.add.f32.msk $0xffff, v1  }
0x18e: {  	v1 =	vld [tilespmem:s24+$0x10];
	_ =	sdelay $0x4  }
0x18f: {  	[tilespmem:s31+$0x298] =	vst.add.f32.msk $0xffff, v1  }
0x190: {  	v1 =	vld [tilespmem:s24+$0x20];
	_ =	sdelay $0x4  }
0x191: {  	[tilespmem:s31+$0x2A8] =	vst.add.f32.msk $0xffff, v1  }
0x192: {  	v1 =	vld [tilespmem:s24+$0x30];
	_ =	sdelay $0x4  }
0x193: {  	[tilespmem:s31+$0x2B8] =	vst.add.f32.msk $0xffff, v1  }
0x194: {  	v1 =	vld [tilespmem:s24+$0x40];
	_ =	sdelay $0x4  }
0x195: {  	[tilespmem:s31+$0x2C8] =	vst.add.f32.msk $0xffff, v1  }
0x196: {  	v1 =	vld [tilespmem:s24+$0x50];
	_ =	sdelay $0x4  }
0x197: {  	[tilespmem:s31+$0x2D8] =	vst.add.f32.msk $0xffff, v1  }
0x198: {  	v1 =	vld [tilespmem:s24+$0x60];
	_ =	sdelay $0x4  }
0x199: {  	[tilespmem:s31+$0x2E8] =	vst.add.f32.msk $0xffff, v1  }
0x19a: {  	v1 =	vld [tilespmem:s24+$0x70];
	_ =	sdelay $0x4  }
0x19b: {  	[tilespmem:s31+$0x2F8] =	vst.add.f32.msk $0xffff, v1  }
.LBB3_23:
0x19c: {  	s25 =	sadd.s32 $0x1, s25  }
0x19d: {  	p2 =	seq.s32 s25, $0x0  }
.Ltmp26:
0x19e: {  	_ = 	snop;
	(pc) =	sbr.rel @p2 .LBB3_24-.Ltmp26, $2  }
0x19f: {  	_ =	sdelay $0x2  }
0x1a0: {  	s22 =	sadd.s32 $0x1, s22;
	s24 =	sadd.s32 $0x100, s24;
	s28 =	smov.u32 s29  }
.LBB3_18:
0x1a1: {  	v1 =	vld.msk [tilespmem:s22+$0x0], $0x1;
	_ =	sdelay $0x4  }
0x1a2: {  	(v2sf) =	vpush v1, $0x0;
	_ =	sdelay $0xe  }
0x1a3: {  	s29 =	spop (v2sf)  }
0x1a4: {  	p2 =	sne.s32 s28, s29  }
.Ltmp27:
0x1a5: {  	_ = 	snop;
	(pc) =	sbr.rel @!p2 .LBB3_19-.Ltmp27, $3  }
0x1a6: {  	_ =	sdelay $0x1  }
0x1a7: {  	s0 =	sshll.u32 s21, $0xA  }
0x1a8: {  	s31 =	sshra.s32 s0, $0x2  }
0x1a9: {  	p2 =	seq.s32 s28, s23  }
.Ltmp28:
0x1aa: {  	_ = 	snop;
	(pc) =	sbr.rel @!p2 .LBB3_21-.Ltmp28, $1  }
0x1ab: {  	_ =	sdelay $0x3  }
.Ltmp29:
0x1ac: {  	s0 =	sadd.s32 $0x208, s31;
	(pc) =	sbr.rel .LBB3_22-.Ltmp29, $4  }
0x1ad: {  	[spmem:s13] =	stream.linear.scatter [tilespmem:s0], [sflag:$0x1], $0x100, $0x38;
	[tilespmem:$0x1E668] =	vst v63  }
0x1ae: {  	_ =	swait.ge [sflag:s11], $0x100  }
0x1af: {  	[sflag:s11] =	ssyncset.done $0x0  }
0x1b0: {  	[sflag:s11] =	ssyncadd.s32 $0xFFFFFF00  }
.LBB3_21:
0x1b1: {  	s0 =	sshll.u32 s26, $0xA  }
0x1b2: {  	s0 =	sshra.s32 s0, $0x2  }
0x1b3: {  	v1 =	vld [tilespmem:s0+$0x7308];
	_ =	sdelay $0x4  }
0x1b4: {  	[tilespmem:s31+$0x208] =	vst.add.f32.msk $0xffff, v1  }
0x1b5: {  	v1 =	vld [tilespmem:s0+$0x7318];
	_ =	sdelay $0x4  }
0x1b6: {  	[tilespmem:s31+$0x218] =	vst.add.f32.msk $0xffff, v1  }
0x1b7: {  	v1 =	vld [tilespmem:s0+$0x7328];
	_ =	sdelay $0x4  }
0x1b8: {  	[tilespmem:s31+$0x228] =	vst.add.f32.msk $0xffff, v1  }
0x1b9: {  	v1 =	vld [tilespmem:s0+$0x7338];
	_ =	sdelay $0x4  }
0x1ba: {  	[tilespmem:s31+$0x238] =	vst.add.f32.msk $0xffff, v1  }
0x1bb: {  	v1 =	vld [tilespmem:s0+$0x7348];
	_ =	sdelay $0x4  }
0x1bc: {  	[tilespmem:s31+$0x248] =	vst.add.f32.msk $0xffff, v1  }
0x1bd: {  	v1 =	vld [tilespmem:s0+$0x7358];
	_ =	sdelay $0x4  }
0x1be: {  	[tilespmem:s31+$0x258] =	vst.add.f32.msk $0xffff, v1  }
0x1bf: {  	v1 =	vld [tilespmem:s0+$0x7368];
	_ =	sdelay $0x4  }
0x1c0: {  	[tilespmem:s31+$0x268] =	vst.add.f32.msk $0xffff, v1  }
0x1c1: {  	v1 =	vld [tilespmem:s0+$0x7378];
	_ =	sdelay $0x4  }
0x1c2: {  	[tilespmem:s31+$0x278] =	vst.add.f32.msk $0xffff, v1  }
0x1c3: {  	v1 =	vld [tilespmem:s0+$0x7388];
	_ =	sdelay $0x4  }
0x1c4: {  	[tilespmem:s31+$0x288] =	vst.add.f32.msk $0xffff, v1  }
0x1c5: {  	v1 =	vld [tilespmem:s0+$0x7398];
	_ =	sdelay $0x4  }
0x1c6: {  	[tilespmem:s31+$0x298] =	vst.add.f32.msk $0xffff, v1  }
0x1c7: {  	v1 =	vld [tilespmem:s0+$0x73A8];
	_ =	sdelay $0x4  }
0x1c8: {  	[tilespmem:s31+$0x2A8] =	vst.add.f32.msk $0xffff, v1  }
0x1c9: {  	v1 =	vld [tilespmem:s0+$0x73B8];
	_ =	sdelay $0x4  }
0x1ca: {  	[tilespmem:s31+$0x2B8] =	vst.add.f32.msk $0xffff, v1  }
0x1cb: {  	v1 =	vld [tilespmem:s0+$0x73C8];
	_ =	sdelay $0x4  }
0x1cc: {  	[tilespmem:s31+$0x2C8] =	vst.add.f32.msk $0xffff, v1  }
0x1cd: {  	v1 =	vld [tilespmem:s0+$0x73D8];
	_ =	sdelay $0x4  }
0x1ce: {  	[tilespmem:s31+$0x2D8] =	vst.add.f32.msk $0xffff, v1  }
0x1cf: {  	v1 =	vld [tilespmem:s0+$0x73E8];
	_ =	sdelay $0x4  }
0x1d0: {  	[tilespmem:s31+$0x2E8] =	vst.add.f32.msk $0xffff, v1  }
0x1d1: {  	v1 =	vld [tilespmem:s0+$0x73F8];
	_ =	sdelay $0x2  }
0x1d2: {  	p2 =	sgt.u32 s28, $0x4E170  }
0x1d3: {  	s0 =	sand.u32 @!p2 $0x7FFF8, s28  }
0x1d4: {  	s2 =	sadd.s32 $0x208, s31;
	s3 =	sand.u32 @!p2 $0x7, s28;
	s0 =	sadd.s32 @!p2 s1, s0;
	[tilespmem:s31+$0x2F8] =	vst.add.f32.msk $0xffff, v1  }
0x1d5: {  	[hbm4b:s0+s3] =	stream.linear.scatter @!p2 [tilespmem:s2], [sflag:$0xA], $0x80, $0x38;
	[tilespmem:$0x1E668] =	vst v63  }
0x1d6: {  	s0 =	sadd.s32 @!p2 $0x80, s28  }
0x1d7: {  	s0 =	sand.u32 @!p2 $0xFFFF8, s0  }
0x1d8: {  	s2 =	sadd.s32 $0x288, s31;
	s0 =	sadd.s32 @!p2 s1, s0  }
0x1d9: {  	[hbm4b:s0+s3] =	stream.linear.scatter @!p2 [tilespmem:s2], [sflag:$0xA], $0x80, $0x38;
	[tilespmem:$0x1E668] =	vst v63  }
0x1da: {  	s0 =	simm.s32 $0x0  }
0x1db: {  	s0 =	simm.s32 @!p2 $0x400  }
0x1dc: {  	s30 =	sadd.s32 s0, s30  }
.LBB3_22:
0x1dd: {  	s0 =	sadd.s32 $0x1, s21  }
0x1de: {  	s2 =	sshrl.u32 s0, $0x4  }
0x1df: {  	s2 =	smulhi.u32 $0x24924925, s2  }
0x1e0: {  	v1 =	vld [tilespmem:s24+$0xFFFFFF80]  }
0x1e1: {  	s2 =	smul.u32 $0x70, s2;
	_ =	sdelay $0x1  }
0x1e2: {  	s21 =	ssub.s32 s0, s2  }
0x1e3: {  	s0 =	sshll.u32 s21, $0x8  }
0x1e4: {  	[tilespmem:s0+$0x208] =	vst v1  }
0x1e5: {  	v1 =	vld [tilespmem:s24+$0xFFFFFF90];
	_ =	sdelay $0x4  }
0x1e6: {  	[tilespmem:s0+$0x218] =	vst v1  }
0x1e7: {  	v1 =	vld [tilespmem:s24+$0xFFFFFFA0];
	_ =	sdelay $0x4  }
0x1e8: {  	[tilespmem:s0+$0x228] =	vst v1  }
0x1e9: {  	v1 =	vld [tilespmem:s24+$0xFFFFFFB0];
	_ =	sdelay $0x4  }
0x1ea: {  	[tilespmem:s0+$0x238] =	vst v1  }
0x1eb: {  	v1 =	vld [tilespmem:s24+$0xFFFFFFC0];
	_ =	sdelay $0x4  }
0x1ec: {  	[tilespmem:s0+$0x248] =	vst v1  }
0x1ed: {  	v1 =	vld [tilespmem:s24+$0xFFFFFFD0];
	_ =	sdelay $0x4  }
0x1ee: {  	[tilespmem:s0+$0x258] =	vst v1  }
0x1ef: {  	v1 =	vld [tilespmem:s24+$0xFFFFFFE0];
	_ =	sdelay $0x4  }
0x1f0: {  	[tilespmem:s0+$0x268] =	vst v1  }
0x1f1: {  	v1 =	vld [tilespmem:s24+$0xFFFFFFF0];
	_ =	sdelay $0x4  }
0x1f2: {  	[tilespmem:s0+$0x278] =	vst v1  }
0x1f3: {  	v1 =	vld [tilespmem:s24+$0x0];
	_ =	sdelay $0x4  }
0x1f4: {  	[tilespmem:s0+$0x288] =	vst v1  }
0x1f5: {  	v1 =	vld [tilespmem:s24+$0x10];
	_ =	sdelay $0x4  }
0x1f6: {  	[tilespmem:s0+$0x298] =	vst v1  }
0x1f7: {  	v1 =	vld [tilespmem:s24+$0x20];
	_ =	sdelay $0x4  }
0x1f8: {  	[tilespmem:s0+$0x2A8] =	vst v1  }
0x1f9: {  	v1 =	vld [tilespmem:s24+$0x30];
	_ =	sdelay $0x4  }
0x1fa: {  	[tilespmem:s0+$0x2B8] =	vst v1  }
0x1fb: {  	v1 =	vld [tilespmem:s24+$0x40];
	_ =	sdelay $0x4  }
0x1fc: {  	[tilespmem:s0+$0x2C8] =	vst v1  }
0x1fd: {  	v1 =	vld [tilespmem:s24+$0x50];
	_ =	sdelay $0x4  }
0x1fe: {  	[tilespmem:s0+$0x2D8] =	vst v1  }
0x1ff: {  	v1 =	vld [tilespmem:s24+$0x60];
	_ =	sdelay $0x4  }
0x200: {  	[tilespmem:s0+$0x2E8] =	vst v1  }
0x201: {  	v1 =	vld [tilespmem:s24+$0x70]  }
.Ltmp30:
0x202: {  	_ = 	snop;
	(pc) =	sbr.rel .LBB3_23-.Ltmp30, $2  }
0x203: {  	_ =	sdelay $0x2  }
0x204: {  	s26 =	sadd.s32 $0x1, s26;
	[tilespmem:s0+$0x2F8] =	vst v1  }
.LBB3_25:
.Ltmp31:
0x205: {  	(pc) =	sbr.rel .LBB3_26-.Ltmp31, $4  }
0x206: {  	_ = 	snop  }
0x207: {  	s0 =	simm.s32 $0x2  }
0x208: {  	_ =	swait.ge [sflag:s0], $0x0  }
0x209: {  	s29 =	smov.u32 s28;
	[sflag:s0] =	ssyncset.done $0x0;
	s0 =	simm.s32 $0x0  }
.LBB3_28:
0x20a: {  	_ =	sfence.sel $0x180000  }
0x20b: {  	s0 =	simm.s32 $0x7;
	[bflag:$0x0] =	sbarrier.arrive $0xFFFF  }
0x20c: {  	s25 =	simm.s32 $0x8;
	[sflag:s0] =	ssyncpa.u1 $0x1  }
0x20d: {  	s26 =	simm.s32 $0x9;
	[sflag:s25] =	ssyncpa.u1 $0x1  }
0x20e: {  	s28 =	simm.s32 $0x2;
	[sflag:s26] =	ssyncpa.u1 $0x1  }
0x20f: {  	[sflag:s28] =	ssyncpa.u1 $0x1  }
0x210: {  	v0 =	vld [tilespmem:$0xE408];
	_ =	sdelay $0x4  }
0x211: {  	(v2sf) =	vpush v0, $0x0  }
0x212: {  	(v2sf) =	vpush v0, $0x1;
	_ =	sdelay $0x1  }
0x213: {  	(v2sf) =	vpush v0, $0x2;
	_ =	sdelay $0xb  }
0x214: {  	s0 =	spop (v2sf)  }
0x215: {  	s2 =	spop (v2sf)  }
0x216: {  	s3 =	smov.u32 s0;
	p0 =	sne.s32 s0, s2  }
0x217: {  	s4 =	spop (v2sf);
	s3 =	simm.s32 @!p0 $0xFFFFFFFF  }
0x218: {  	v2 =	vimm.s32 $0x1;
	v3 =	vlaneseq.u32;
	p0 =	seq.s32 s4, $0xFFFFFFFF;
	v1 =	vmov s3  }
0x219: {  	s7 =	stileid.u32;
	v0 =	vperm.xlane v0, v2;
	p1 =	sne.s32 @!p0 s0, s2;
	v1 =	vperm.xlane v1, v3  }
0x21a: {  	vm0 =	vcmask $0x3F04;
	s6 =	simm.s32 $0xE408;
	s0 =	simm.s32 @!p0 $0x1;
	p1 =	por !p1, p0  }
0x21b: {  	s3 =	sshll.u32 s7, $0x1;
	s2 =	sshll.u32 @!p0 s4, $0xA;
	s0 =	simm.s32 @p1 $0x0;
	v0 =	vsel vm0, v1, v0  }
0x21c: {  	s5 =	sor.u32 $0x2000, s3;
	s2 =	sshra.s32 @!p0 s2, $0x2;
	s0 =	sor.u32 @!p0 s0, s3;
	[tilespmem:$0xE408] =	vst v0  }
0x21d: {  	[spmem:s5] =	stream.linear.scatter [tilespmem:s6], [sflag:$0x1], $0x2, $0x38;
	[tilespmem:$0x1E668] =	vst v63  }
0x21e: {  	s2 =	sadd.s32 @!p0 $0x208, s2;
	s0 =	sshll.u32 @!p0 s0, $0x8  }
0x21f: {  	[spmem:s0] =	stream.linear.scatter @!p0 [tilespmem:s2], [sflag:$0x1], $0x100, $0x38;
	[tilespmem:$0x1E668] =	vst v63  }
0x220: {  	s2 =	simm.s32 @!p0 $0x102  }
0x221: {  	s0 =	simm.s32 $0x1;
	s2 =	simm.s32 @p0 $0x2  }
0x222: {  	_ =	swait.ge [sflag:s0], s2  }
0x223: {  	s2 =	ssub.s32 $0x0, s2;
	[sflag:s0] =	ssyncset.done $0x0  }
0x224: {  	[sflag:s0] =	ssyncadd.s32 s2  }
0x225: {  	_ =	sfence.stream.spmem  }
0x226: {  	s29 =	simm.s32 $0x3;
	[bflag:$0x0] =	sbarrier.arrive $0xFFFF  }
0x227: {  	s30 =	simm.s32 $0x4;
	[sflag:s29] =	ssyncpa.u1 $0x1  }
0x228: {  	s31 =	simm.s32 $0x3C;
	[sflag:s30] =	ssyncpa.u1 $0x1  }
0x229: {  	p0 =	sne.s32 s7, $0x0;
	[sflag:s31] =	ssyncpa.u1 $0x1  }
0x22a: {  	_ =	sfence @p0  }
0x22b: {  	[sflag:s0] =	ssyncpa.u1 @p0 $0x1  }
0x22c: {  	_ =	strace @p0 $0x9000004D  }
0x22d: {  	[bflag:$0x2] =	sbarrier.arrive @p0 $0xFFFF  }
0x22e: {  	_ =	shalt @p0  }
.LBB3_29:
0x22f: {  	_ =	sfence.stream.spmem;
	s0 =	simm.s32 $0x5  }
0x230: {  	s2 =	simm.s32 $0x2000;
	s3 =	simm.s32 $0xE418;
	[sflag:s0] =	ssyncpa.u1 $0x0  }
0x231: {  	[tilespmem:s3], [sflag:$0x5] =	stream.linear.gather [spmem:s2], $0x20, $0x38;
	[tilespmem:$0x1E668] =	vst v63  }
0x232: {  	s30 =	simm.s32 $0xE438;
	s2 =	simm.s32 $0x0  }
0x233: {  	[tilespmem:s30], [sflag:$0x5] =	stream.linear.gather [spmem:s2], $0x2000, $0x38;
	[tilespmem:$0x1E668] =	vst v63  }
.Ltmp32:
0x234: {  	_ = 	snop;
	(pc) =	sbr.rel .LBB3_30-.Ltmp32, $4  }
0x235: {  	_ =	swait.ge [sflag:s0], $0x2020  }
0x236: {  	[sflag:s0] =	ssyncset.done $0x0  }
0x237: {  	s31 =	simm.s32 $0x6;
	[sflag:s0] =	ssyncadd.s32 $0xFFFFDFE0  }
0x238: {  	s3 =	simm.s32 $0x0;
	[sflag:s31] =	ssyncpa.u1 $0x0  }
.LBB3_36:
0x239: {  	p0 =	slt.u32 s4, $0x4E171  }
0x23a: {  	s0 =	sand.u32 @p0 $0x7FFF8, s4  }
0x23b: {  	s5 =	sand.u32 @p0 $0x7, s4;
	s6 =	simm.s32 @p0 $0xE308;
	s0 =	sadd.s32 @p0 s1, s0  }
0x23c: {  	[tilespmem:s6], [sflag:$0x6] =	stream.linear.gather @p0 [hbm4b:s0+s5], $0x80, $0x38;
	[tilespmem:$0x1E668] =	vst v63  }
0x23d: {  	s0 =	sadd.s32 @p0 $0x80, s4  }
0x23e: {  	s0 =	sand.u32 @p0 $0xFFFF8, s0  }
0x23f: {  	s4 =	simm.s32 @p0 $0xE388;
	s0 =	sadd.s32 @p0 s1, s0  }
0x240: {  	[tilespmem:s4], [sflag:$0x6] =	stream.linear.gather @p0 [hbm4b:s0+s5], $0x80, $0x38;
	[tilespmem:$0x1E668] =	vst v63  }
0x241: {  	s0 =	simm.s32 @p0 $0x6  }
0x242: {  	_ =	swait.ge @p0 [sflag:s0], $0x100  }
0x243: {  	[sflag:s0] =	ssyncset.done @p0 $0x0  }
0x244: {  	[sflag:s0] =	ssyncadd.s32 @p0 $0xFFFFFF00  }
0x245: {  	v1 =	vld @p0 [tilespmem:$0xE308];
	_ =	sdelay $0x2  }
0x246: {  	s0 =	sshll.u32 @p0 s3, $0xA  }
0x247: {  	s4 =	sshrl.u32 @p0 s0, $0x2  }
0x248: {  	[tilespmem:s4+$0xE438] =	vst.add.f32.msk @p0 $0xffff, v1  }
0x249: {  	v1 =	vld @p0 [tilespmem:$0xE318];
	_ =	sdelay $0x4  }
0x24a: {  	[tilespmem:s4+$0xE448] =	vst.add.f32.msk @p0 $0xffff, v1  }
0x24b: {  	v1 =	vld @p0 [tilespmem:$0xE328];
	_ =	sdelay $0x4  }
0x24c: {  	[tilespmem:s4+$0xE458] =	vst.add.f32.msk @p0 $0xffff, v1  }
0x24d: {  	v1 =	vld @p0 [tilespmem:$0xE338];
	_ =	sdelay $0x4  }
0x24e: {  	[tilespmem:s4+$0xE468] =	vst.add.f32.msk @p0 $0xffff, v1  }
0x24f: {  	v1 =	vld @p0 [tilespmem:$0xE348];
	_ =	sdelay $0x4  }
0x250: {  	[tilespmem:s4+$0xE478] =	vst.add.f32.msk @p0 $0xffff, v1  }
0x251: {  	v1 =	vld @p0 [tilespmem:$0xE358];
	_ =	sdelay $0x4  }
0x252: {  	[tilespmem:s4+$0xE488] =	vst.add.f32.msk @p0 $0xffff, v1  }
0x253: {  	v1 =	vld @p0 [tilespmem:$0xE368];
	_ =	sdelay $0x4  }
0x254: {  	[tilespmem:s4+$0xE498] =	vst.add.f32.msk @p0 $0xffff, v1  }
0x255: {  	v1 =	vld @p0 [tilespmem:$0xE378];
	_ =	sdelay $0x4  }
0x256: {  	[tilespmem:s4+$0xE4A8] =	vst.add.f32.msk @p0 $0xffff, v1  }
0x257: {  	v1 =	vld @p0 [tilespmem:$0xE388];
	_ =	sdelay $0x4  }
0x258: {  	[tilespmem:s4+$0xE4B8] =	vst.add.f32.msk @p0 $0xffff, v1  }
0x259: {  	v1 =	vld @p0 [tilespmem:$0xE398];
	_ =	sdelay $0x4  }
0x25a: {  	[tilespmem:s4+$0xE4C8] =	vst.add.f32.msk @p0 $0xffff, v1  }
0x25b: {  	v1 =	vld @p0 [tilespmem:$0xE3A8];
	_ =	sdelay $0x4  }
0x25c: {  	[tilespmem:s4+$0xE4D8] =	vst.add.f32.msk @p0 $0xffff, v1  }
0x25d: {  	v1 =	vld @p0 [tilespmem:$0xE3B8];
	_ =	sdelay $0x4  }
0x25e: {  	[tilespmem:s4+$0xE4E8] =	vst.add.f32.msk @p0 $0xffff, v1  }
0x25f: {  	v1 =	vld @p0 [tilespmem:$0xE3C8];
	_ =	sdelay $0x4  }
0x260: {  	[tilespmem:s4+$0xE4F8] =	vst.add.f32.msk @p0 $0xffff, v1  }
0x261: {  	v1 =	vld @p0 [tilespmem:$0xE3D8];
	_ =	sdelay $0x4  }
0x262: {  	[tilespmem:s4+$0xE508] =	vst.add.f32.msk @p0 $0xffff, v1  }
0x263: {  	v1 =	vld @p0 [tilespmem:$0xE3E8];
	_ =	sdelay $0x4  }
0x264: {  	[tilespmem:s4+$0xE518] =	vst.add.f32.msk @p0 $0xffff, v1  }
0x265: {  	v1 =	vld @p0 [tilespmem:$0xE3F8];
	_ =	sdelay $0x3  }
0x266: {  	s5 =	sshll.u32 @!p0 s3, $0xA  }
0x267: {  	s5 =	smov.u32 @p0 s0;
	[tilespmem:s4+$0xE528] =	vst.add.f32.msk @p0 $0xffff, v1  }
0x268: {  	s0 =	sshrl.u32 s5, $0x2;
	[tilespmem:s2+$0xE418] =	vst.msk $0x1, v0  }
0x269: {  	v0 =	vld [tilespmem:s0+$0xE438];
	_ =	sdelay $0x2  }
0x26a: {  	s31 =	sshll.u32 s2, $0xA  }
0x26b: {  	s4 =	sshra.s32 s31, $0x2  }
0x26c: {  	[tilespmem:s4+$0xE438] =	vst v0  }
0x26d: {  	v0 =	vld [tilespmem:s0+$0xE448];
	_ =	sdelay $0x4  }
0x26e: {  	[tilespmem:s4+$0xE448] =	vst v0  }
0x26f: {  	v0 =	vld [tilespmem:s0+$0xE458];
	_ =	sdelay $0x4  }
0x270: {  	[tilespmem:s4+$0xE458] =	vst v0  }
0x271: {  	v0 =	vld [tilespmem:s0+$0xE468];
	_ =	sdelay $0x4  }
0x272: {  	[tilespmem:s4+$0xE468] =	vst v0  }
0x273: {  	v0 =	vld [tilespmem:s0+$0xE478];
	_ =	sdelay $0x4  }
0x274: {  	[tilespmem:s4+$0xE478] =	vst v0  }
0x275: {  	v0 =	vld [tilespmem:s0+$0xE488];
	_ =	sdelay $0x4  }
0x276: {  	[tilespmem:s4+$0xE488] =	vst v0  }
0x277: {  	v0 =	vld [tilespmem:s0+$0xE498];
	_ =	sdelay $0x4  }
0x278: {  	[tilespmem:s4+$0xE498] =	vst v0  }
0x279: {  	v0 =	vld [tilespmem:s0+$0xE4A8];
	_ =	sdelay $0x4  }
0x27a: {  	[tilespmem:s4+$0xE4A8] =	vst v0  }
0x27b: {  	v0 =	vld [tilespmem:s0+$0xE4B8];
	_ =	sdelay $0x4  }
0x27c: {  	[tilespmem:s4+$0xE4B8] =	vst v0  }
0x27d: {  	v0 =	vld [tilespmem:s0+$0xE4C8];
	_ =	sdelay $0x4  }
0x27e: {  	[tilespmem:s4+$0xE4C8] =	vst v0  }
0x27f: {  	v0 =	vld [tilespmem:s0+$0xE4D8];
	_ =	sdelay $0x4  }
0x280: {  	[tilespmem:s4+$0xE4D8] =	vst v0  }
0x281: {  	v0 =	vld [tilespmem:s0+$0xE4E8];
	_ =	sdelay $0x4  }
0x282: {  	[tilespmem:s4+$0xE4E8] =	vst v0  }
0x283: {  	v0 =	vld [tilespmem:s0+$0xE4F8];
	_ =	sdelay $0x4  }
0x284: {  	[tilespmem:s4+$0xE4F8] =	vst v0  }
0x285: {  	v0 =	vld [tilespmem:s0+$0xE508];
	_ =	sdelay $0x4  }
0x286: {  	[tilespmem:s4+$0xE508] =	vst v0  }
0x287: {  	v0 =	vld [tilespmem:s0+$0xE518];
	_ =	sdelay $0x4  }
0x288: {  	[tilespmem:s4+$0xE518] =	vst v0  }
0x289: {  	v0 =	vld [tilespmem:s0+$0xE528];
	_ =	sdelay $0x4  }
0x28a: {  	s2 =	sadd.s32 $0x1, s2;
	[tilespmem:s4+$0xE528] =	vst v0  }
.LBB3_37:
0x28b: {  	s3 =	sadd.s32 $0x1, s3  }
0x28c: {  	p0 =	sne.s32 s3, $0x20  }
.Ltmp33:
0x28d: {  	_ = 	snop;
	(pc) =	sbr.rel @!p0 .LBB3_38-.Ltmp33, $1  }
0x28e: {  	_ =	sdelay $0x3  }
.LBB3_30:
0x28f: {  	v0 =	vld.msk [tilespmem:s3+$0xE418], $0x1;
	_ =	sdelay $0x4  }
0x290: {  	(v2sf) =	vpush v0, $0x0;
	_ =	sdelay $0xe  }
0x291: {  	s4 =	spop (v2sf)  }
0x292: {  	p0 =	seq.s32 s4, $0xFFFFFFFF  }
.Ltmp34:
0x293: {  	_ = 	snop;
	(pc) =	sbr.rel @p0 .LBB3_37-.Ltmp34, $1  }
0x294: {  	_ =	sdelay $0x3  }
0x295: {  	p0 =	slt.s32 s2, $0x1  }
.Ltmp35:
0x296: {  	_ = 	snop;
	(pc) =	sbr.rel @p0 .LBB3_36-.Ltmp35, $1  }
0x297: {  	_ =	sdelay $0x3  }
0x298: {  	s5 =	simm.s32 $0xE418;
	p0 =	por $0x0, $0x0  }
0x299: {  	v1 =	vld.msk @!p0 [tilespmem:s5+$0x0], $0x1;
	_ =	sdelay $0x4  }
0x29a: {  	(v2sf) =	vpush @!p0 v1, $0x0;
	_ =	sdelay $0xd  }
0x29b: {  	p2 =	sne.s32 s2, $0x1  }
.Ltmp36:
0x29c: {  	s0 =	spop @!p0 (v2sf);
	(pc) =	sbr.rel @!p2 .LBB3_34-.Ltmp36, $4  }
0x29d: {  	p1 =	seq.s32 @!p0 s4, s0  }
0x29e: {  	s6 =	simm.s32 $0x0;
	p1 =	por !p1, p0  }
0x29f: {  	s0 =	simm.s32 $0xFFFFFFFF;
	s6 =	simm.s32 @p1 $0xFFFFFFFF  }
0x2a0: {  	s7 =	simm.s32 $0x1;
	s6 =	smov.u32 @p0 s0  }
.LBB3_33:
0x2a1: {  	s0 =	smov.u32 s6;
	p0 =	sne.s32 s6, $0xFFFFFFFF  }
0x2a2: {  	s5 =	sadd.s32 $0x1, s5;
	s6 =	smov.u32 s7;
	s7 =	sadd.s32 $0x1, s7  }
0x2a3: {  	p1 =	sne.s32 s2, s7;
	v1 =	vld.msk @!p0 [tilespmem:s5+$0x0], $0x1;
	_ =	sdelay $0x4  }
0x2a4: {  	(v2sf) =	vpush @!p0 v1, $0x0;
	_ =	sdelay $0xe  }
.Ltmp37:
0x2a5: {  	s8 =	spop @!p0 (v2sf);
	(pc) =	sbr.rel @p1 .LBB3_33-.Ltmp37, $4  }
0x2a6: {  	p2 =	seq.s32 @!p0 s4, s8  }
0x2a7: {  	p2 =	por !p2, p0  }
0x2a8: {  	s6 =	simm.s32 @p2 $0xFFFFFFFF  }
0x2a9: {  	s6 =	smov.u32 @p0 s0  }
.LBB3_34:
0x2aa: {  	p0 =	seq.s32 s6, $0xFFFFFFFF  }
.Ltmp38:
0x2ab: {  	_ = 	snop;
	(pc) =	sbr.rel @p0 .LBB3_36-.Ltmp38, $1  }
0x2ac: {  	_ =	sdelay $0x3  }
0x2ad: {  	s0 =	sshll.u32 s3, $0x8  }
0x2ae: {  	s0 =	sand.u32 $0x3FFFFF00, s0  }
0x2af: {  	v0 =	vld [tilespmem:s0+$0xE438];
	_ =	sdelay $0x2  }
0x2b0: {  	s4 =	sshll.u32 s6, $0xA  }
0x2b1: {  	s4 =	sshra.s32 s4, $0x2  }
0x2b2: {  	[tilespmem:s4+$0xE438] =	vst.add.f32.msk $0xffff, v0  }
0x2b3: {  	v0 =	vld [tilespmem:s0+$0xE448];
	_ =	sdelay $0x4  }
0x2b4: {  	[tilespmem:s4+$0xE448] =	vst.add.f32.msk $0xffff, v0  }
0x2b5: {  	v0 =	vld [tilespmem:s0+$0xE458];
	_ =	sdelay $0x4  }
0x2b6: {  	[tilespmem:s4+$0xE458] =	vst.add.f32.msk $0xffff, v0  }
0x2b7: {  	v0 =	vld [tilespmem:s0+$0xE468];
	_ =	sdelay $0x4  }
0x2b8: {  	[tilespmem:s4+$0xE468] =	vst.add.f32.msk $0xffff, v0  }
0x2b9: {  	v0 =	vld [tilespmem:s0+$0xE478];
	_ =	sdelay $0x4  }
0x2ba: {  	[tilespmem:s4+$0xE478] =	vst.add.f32.msk $0xffff, v0  }
0x2bb: {  	v0 =	vld [tilespmem:s0+$0xE488];
	_ =	sdelay $0x4  }
0x2bc: {  	[tilespmem:s4+$0xE488] =	vst.add.f32.msk $0xffff, v0  }
0x2bd: {  	v0 =	vld [tilespmem:s0+$0xE498];
	_ =	sdelay $0x4  }
0x2be: {  	[tilespmem:s4+$0xE498] =	vst.add.f32.msk $0xffff, v0  }
0x2bf: {  	v0 =	vld [tilespmem:s0+$0xE4A8];
	_ =	sdelay $0x4  }
0x2c0: {  	[tilespmem:s4+$0xE4A8] =	vst.add.f32.msk $0xffff, v0  }
0x2c1: {  	v0 =	vld [tilespmem:s0+$0xE4B8];
	_ =	sdelay $0x4  }
0x2c2: {  	[tilespmem:s4+$0xE4B8] =	vst.add.f32.msk $0xffff, v0  }
0x2c3: {  	v0 =	vld [tilespmem:s0+$0xE4C8];
	_ =	sdelay $0x4  }
0x2c4: {  	[tilespmem:s4+$0xE4C8] =	vst.add.f32.msk $0xffff, v0  }
0x2c5: {  	v0 =	vld [tilespmem:s0+$0xE4D8];
	_ =	sdelay $0x4  }
0x2c6: {  	[tilespmem:s4+$0xE4D8] =	vst.add.f32.msk $0xffff, v0  }
0x2c7: {  	v0 =	vld [tilespmem:s0+$0xE4E8];
	_ =	sdelay $0x4  }
0x2c8: {  	[tilespmem:s4+$0xE4E8] =	vst.add.f32.msk $0xffff, v0  }
0x2c9: {  	v0 =	vld [tilespmem:s0+$0xE4F8];
	_ =	sdelay $0x4  }
0x2ca: {  	[tilespmem:s4+$0xE4F8] =	vst.add.f32.msk $0xffff, v0  }
0x2cb: {  	v0 =	vld [tilespmem:s0+$0xE508];
	_ =	sdelay $0x4  }
0x2cc: {  	[tilespmem:s4+$0xE508] =	vst.add.f32.msk $0xffff, v0  }
0x2cd: {  	v0 =	vld [tilespmem:s0+$0xE518];
	_ =	sdelay $0x4  }
0x2ce: {  	[tilespmem:s4+$0xE518] =	vst.add.f32.msk $0xffff, v0  }
0x2cf: {  	v0 =	vld [tilespmem:s0+$0xE528]  }
.Ltmp39:
0x2d0: {  	_ = 	snop;
	(pc) =	sbr.rel .LBB3_37-.Ltmp39, $2  }
0x2d1: {  	_ =	sdelay $0x2  }
0x2d2: {  	[tilespmem:s4+$0xE528] =	vst.add.f32.msk $0xffff, v0  }
.LBB3_38:
0x2d3: {  	p0 =	slt.s32 s2, $0x1  }
.Ltmp40:
0x2d4: {  	_ = 	snop;
	(pc) =	sbr.rel @p0 .LBB3_42-.Ltmp40, $3  }
0x2d5: {  	_ =	sdelay $0x1  }
0x2d6: {  	s0 =	simm.s32 $0x6  }
0x2d7: {  	[sflag:s0] =	ssyncpa.u1 $0x1;
	s0 =	simm.s32 $0x0  }
0x2d8: {  	s3 =	simm.s32 $0xE418  }
0x2d9: {  	v0 =	vld.msk [tilespmem:s3+$0x0], $0x1;
	_ =	sdelay $0x4  }
0x2da: {  	(v2sf) =	vpush v0, $0x0;
	_ =	sdelay $0xe  }
0x2db: {  	s2 =	sadd.s32 $0xFFFFFFFF, s2;
	s4 =	spop (v2sf)  }
0x2dc: {  	s5 =	simm.s32 $0xE438;
	p0 =	sne.s32 s2, $0x0;
	p1 =	sgt.u32 s4, $0x4E170  }
.Ltmp41:
0x2dd: {  	s3 =	simm.s32 $0xE538;
	s6 =	sand.u32 @!p1 $0x7FFF8, s4;
	(pc) =	sbr.rel @!p0 .LBB3_41-.Ltmp41, $4  }
0x2de: {  	s7 =	sadd.s32 @!p1 $0x80, s4;
	s8 =	sadd.s32 @!p1 s1, s6;
	s6 =	sand.u32 @!p1 $0x7, s4  }
0x2df: {  	[hbm4b:s8+s6] =	stream.linear.scatter @!p1 [tilespmem:s5], [sflag:$0x5], $0x80, $0x38;
	[tilespmem:$0x1E668] =	vst v63  }
0x2e0: {  	s0 =	simm.s32 @!p1 $0x400;
	s4 =	simm.s32 $0xE419;
	s5 =	sand.u32 @!p1 $0xFFFF8, s7  }
0x2e1: {  	s7 =	simm.s32 @!p1 $0xE4B8;
	s8 =	sadd.s32 @!p1 s1, s5;
	s5 =	sadd.s32 $0x0, s0  }
.LBB3_40:
0x2e2: {  	[hbm4b:s8+s6] =	stream.linear.scatter @!p1 [tilespmem:s7], [sflag:$0x5], $0x80, $0x38;
	[tilespmem:$0x1E668] =	vst v63  }
0x2e3: {  	s2 =	sadd.s32 $0xFFFFFFFF, s2;
	s0 =	smov.u32 s3;
	v0 =	vld.msk [tilespmem:s4+$0x0], $0x1  }
0x2e4: {  	p0 =	sne.s32 s2, $0x0;
	_ =	sdelay $0x3  }
0x2e5: {  	(v2sf) =	vpush v0, $0x0;
	_ =	sdelay $0xe  }
0x2e6: {  	s3 =	sadd.s32 $0x100, s3;
	s9 =	simm.s32 $0x0;
	s6 =	spop (v2sf)  }
.Ltmp42:
0x2e7: {  	s4 =	sadd.s32 $0x1, s4;
	p1 =	sgt.u32 s6, $0x4E170;
	(pc) =	sbr.rel @p0 .LBB3_40-.Ltmp42, $4  }
0x2e8: {  	s9 =	simm.s32 @!p1 $0x400;
	s7 =	sand.u32 @!p1 $0x7FFF8, s6;
	s8 =	sadd.s32 @!p1 $0x80, s6  }
0x2e9: {  	s6 =	sand.u32 @!p1 $0x7, s6;
	s7 =	sadd.s32 @!p1 s1, s7;
	s8 =	sand.u32 @!p1 $0xFFFF8, s8  }
0x2ea: {  	[hbm4b:s7+s6] =	stream.linear.scatter @!p1 [tilespmem:s0], [sflag:$0x5], $0x80, $0x38;
	[tilespmem:$0x1E668] =	vst v63  }
0x2eb: {  	s5 =	sadd.s32 s5, s9;
	s7 =	sadd.s32 @!p1 $0x80, s0;
	s8 =	sadd.s32 @!p1 s1, s8  }
.LBB3_41:
0x2ec: {  	[hbm4b:s8+s6] =	stream.linear.scatter @!p1 [tilespmem:s7], [sflag:$0x5], $0x80, $0x38;
	[tilespmem:$0x1E668] =	vst v63  }
0x2ed: {  	s0 =	sshrl.u32 s5, $0x2  }
.LBB3_42:
0x2ee: {  	s1 =	simm.s32 $0x5  }
0x2ef: {  	_ =	swait.ge [sflag:s1], s0  }
0x2f0: {  	s29 =	ssub.s32 $0x0, s0;
	[sflag:s1] =	ssyncset.done $0x0  }
0x2f1: {  	[sflag:s1] =	ssyncadd.s32 s29  }
0x2f2: {  	[sflag:s1] =	ssyncpa.u1 $0x1  }
0x2f3: {  	s30 =	simm.s32 $0x1;
	_ =	sfence  }
0x2f4: {  	[sflag:s30] =	ssyncpa.u1 $0x1  }
0x2f5: {  	_ =	strace $0x9000004D  }
0x2f6: {  	[bflag:$0x2] =	sbarrier.arrive $0xFFFF  }
0x2f7: {  	s31 =	rddreg [dreg:$0x1]  }
0x2f8: {  	s0 =	sadd.s32 $0x100000, s31  }
0x2f9: {  	[sflag:s0] =	ssyncadd.tile.s32 $0x1;
	_ =	shalt  }
.Lfunc_end3:
_tile_overlayer_lowered:
.L_overlay_start_3:
0x2fa: {  	(tag) =	ssettag $0x3  }
0x2fb: {  	s0 =	rddreg [dreg:$0x0];
	s2 =	stileid.u32  }
0x2fc: {  	s1 =	rddreg [dreg:$0x1];
	p0 =	sne.s32 s2, $0x0  }
0x2fd: {  	s3 =	rddreg [dreg:$0x2];
	[bflag:$0x3] =	sbarrier.arrive $0xFFFF;
	s2 =	simm.s32 @!p0 $0x1C01  }
0x2fe: {  	[timem:s3], [sflag:s2] =	dma.local @!p0 [hbm:s0], s1  }
0x2ff: {  	s0 =	simm.s32 @!p0 $0x1  }
0x300: {  	_ =	swait.ge @!p0 [sflag:s0], s1  }
0x301: {  	s1 =	ssub.s32 @!p0 $0x0, s1;
	[sflag:s0] =	ssyncset.done @!p0 $0x0  }
0x302: {  	[sflag:s0] =	ssyncadd.s32 @!p0 s1  }
0x303: {  	[bflag:$0x3] =	sbarrier.arrive $0xFFFF  }
0x304: {  	_ =	shalt  }

</sc_bundles>
